<compile_context>
chip_gen: v7x
topology: tpu7x:2x2x1
jax: 0.10.2.dev20260603
libtpu: 0.0.44.dev20260713+nightly
codegen_flags: <defaults>
</compile_context>

<pallas_src>
import functools

import jax
import jax.numpy as jnp
from jax import lax
from jax.experimental import pallas as pl
from jax.experimental.pallas import tpu as pltpu
from jax.experimental.pallas import tpu_sc as plsc

N = 10000
E = 320000
H = 64

NC = 2
NS = 16
NW = NC * NS
EW = E // NW
K = 80
NCH = EW // K
NACC = 10112
NPS = NACC // NS
NST = 8
NDR = NPS // NST
HP = 128

_LOG2 = 0.6931471805599453


_LOG2E = 1.4426950408889634


def _ssp(x):
    z = jnp.exp2(jnp.abs(x) * (-_LOG2E))
    return jnp.maximum(x, 0.0) + jnp.log2(1.0 + z) * _LOG2 - _LOG2



def _nodeproj_body(x_ref, w_ref, b_ref, o_ref):
    o_ref[...] = (
        jnp.dot(x_ref[...], w_ref[...], preferred_element_type=jnp.float32)
        + b_ref[...]
    )


def _edgemlp_body(xlo_ref, xhi_ref, w1_ref, b1_ref, w2_ref, b2_ref, o_ref):
    x = jnp.concatenate([xlo_ref[...], xhi_ref[...]], axis=0)
    h = lax.dot_general(x, w1_ref[...], (((0,), (0,)), ((), ())),
                        preferred_element_type=jnp.float32)
    h = _ssp(h + b1_ref[...])
    h = jnp.dot(h, w2_ref[...], preferred_element_type=jnp.float32)
    o_ref[...] = _ssp(h + b2_ref[...])


def _outproj_body(h_ref, w_ref, b_ref, o_ref):
    h = h_ref[0, :, :H] + h_ref[1, :, :H]
    o = jnp.dot(h, w_ref[...], preferred_element_type=jnp.float32)
    o_ref[...] = _ssp(o + b_ref[...])


def _nodeproj(node_feats, W_node, b_node):
    BN = 2000
    Wp = jnp.pad(W_node, ((0, 0), (0, HP - H)))
    bp = jnp.pad(b_node, (0, HP - H)).reshape(1, HP)
    return pl.pallas_call(
        _nodeproj_body,
        grid=(N // BN,),
        in_specs=[
            pl.BlockSpec((BN, 128), lambda i: (i, 0)),
            pl.BlockSpec((128, HP), lambda i: (0, 0)),
            pl.BlockSpec((1, HP), lambda i: (0, 0)),
        ],
        out_specs=pl.BlockSpec((BN, HP), lambda i: (i, 0)),
        out_shape=jax.ShapeDtypeStruct((N, HP), jnp.float32),
    )(node_feats, Wp, bp)


def _edgemlp(edge_feats, W_e1, b_e1, W_e2, b_e2):
    E2 = E // 2
    BE = 16000
    NB = E2 // BE
    W1d = jnp.zeros((32, 2 * H), jnp.float32)
    W1d = W1d.at[:16, :H].set(W_e1).at[16:, H:].set(W_e1)
    W2d = jnp.zeros((2 * H, 2 * H), jnp.float32)
    W2d = W2d.at[:H, :H].set(W_e2).at[H:, H:].set(W_e2)
    b1d = jnp.concatenate([b_e1, b_e1]).reshape(1, 2 * H)
    b2d = jnp.concatenate([b_e2, b_e2]).reshape(1, 2 * H)
    return pl.pallas_call(
        _edgemlp_body,
        grid=(NB,),
        in_specs=[
            pl.BlockSpec((16, BE), lambda i: (0, i)),
            pl.BlockSpec((16, BE), lambda i: (0, i + NB)),
            pl.BlockSpec((32, 2 * H), lambda i: (0, 0)),
            pl.BlockSpec((1, 2 * H), lambda i: (0, 0)),
            pl.BlockSpec((2 * H, 2 * H), lambda i: (0, 0)),
            pl.BlockSpec((1, 2 * H), lambda i: (0, 0)),
        ],
        out_specs=pl.BlockSpec((BE, 2 * H), lambda i: (i, 0)),
        out_shape=jax.ShapeDtypeStruct((E2, 2 * H), jnp.float32),
    )(edge_feats.T, edge_feats.T, W1d, b1d, W2d, b2d)


def _outproj(partials, W_o, b_o):
    BN = 2000
    return pl.pallas_call(
        _outproj_body,
        grid=(N // BN,),
        in_specs=[
            pl.BlockSpec((2, BN, HP), lambda i: (0, i, 0)),
            pl.BlockSpec((H, 128), lambda i: (0, 0)),
            pl.BlockSpec((1, 128), lambda i: (0, 0)),
        ],
        out_specs=pl.BlockSpec((BN, 128), lambda i: (i, 0)),
        out_shape=jax.ShapeDtypeStruct((N, 128), jnp.float32),
    )(partials, W_o, b_o.reshape(1, 128))



@functools.partial(
    pl.kernel,
    out_type=jax.ShapeDtypeStruct((NC, NACC, HP), jnp.float32),
    mesh=plsc.VectorSubcoreMesh(core_axis_name="c", subcore_axis_name="s"),
    scratch_types=[
        pltpu.VMEM_SHARED((NACC, HP), jnp.float32),
        pltpu.VMEM((16, K), jnp.int32),
        pltpu.VMEM((16, K), jnp.int32),
        pltpu.VMEM((2, K // 2, HP), jnp.float32),
        pltpu.VMEM((2, K, HP), jnp.float32),
        pltpu.VMEM((K, HP), jnp.float32),
        pltpu.SemaphoreType.DMA,
        pltpu.SemaphoreType.DMA,
        pltpu.SemaphoreType.DMA,
        pltpu.SemaphoreType.DMA,
        pltpu.SemaphoreType.DMA,
    ],
)
def _sc_aggregate(hv, he2, src3, dst3, out, h_sh, src_v, dst_v, he_b, g_b,
                  p_b, s_he0, s_he1, s_g0, s_g1, s_sc):
    c = lax.axis_index("c")
    s = lax.axis_index("s")
    wid = c * NS + s
    s_he = (s_he0, s_he1)
    s_g = (s_g0, s_g1)

    def idx_row(j):
        return ((j // 8) % 2) * 8 + j % 8

    def load_idx_block(j):
        off = pl.multiple_of((j // 8) * 8, 8)
        p8 = ((j // 8) % 2) * 8
        pltpu.sync_copy(src3.at[wid, pl.ds(off, 8)], src_v.at[pl.ds(p8, 8)])
        pltpu.sync_copy(dst3.at[wid, pl.ds(off, 8)], dst_v.at[pl.ds(p8, 8)])

    def he_rows(j):
        off = pl.multiple_of(wid * (EW // 2) + j * (K // 2), 8)
        return he2.at[pl.ds(off, K // 2)]

    def issue_loads(j, b):
        pltpu.async_copy(he_rows(j), he_b.at[b], s_he[b])
        pltpu.async_copy(hv.at[src_v.at[idx_row(j)]], g_b.at[b], s_g[b])

    def wait_loads(j, b):
        pltpu.make_async_copy(he_rows(j), he_b.at[b], s_he[b]).wait()
        pltpu.make_async_copy(
            hv.at[src_v.at[idx_row(j)]], g_b.at[b], s_g[b]).wait()

    def issue_scatter(j):
        pltpu.async_copy(p_b, h_sh.at[dst_v.at[idx_row(j)]], s_sc, add=True)

    def wait_scatter(j):
        pltpu.make_async_copy(p_b, h_sh.at[dst_v.at[idx_row(j)]], s_sc).wait()

    def mul(b):
        def mrow(r2):
            for q in range(HP // 16):
                row = 2 * r2 + q // 4
                d = pl.ds((q % 4) * 16, 16)
                p_b[row, d] = g_b[b, row, d] * he_b[b, r2, pl.ds(q * 16, 16)]

        plsc.parallel_loop(0, K // 2, unroll=4)(mrow)

    def zrow(r, carry):
        for q in range(HP // 16):
            p_b[r, pl.ds(q * 16, 16)] = jnp.zeros((16,), jnp.float32)
        return carry

    lax.fori_loop(0, NST, zrow, 0)

    def zissue(p, carry):
        pltpu.async_copy(p_b.at[pl.ds(0, NST)],
                         h_sh.at[pl.ds(s * NPS + p * NST, NST)], s_sc)
        return carry

    lax.fori_loop(0, NDR, zissue, 0)

    def zwait(p, carry):
        pltpu.make_async_copy(
            p_b.at[pl.ds(0, NST)],
            h_sh.at[pl.ds(s * NPS + p * NST, NST)], s_sc).wait()
        return carry

    lax.fori_loop(0, NDR, zwait, 0)

    load_idx_block(0)
    issue_loads(0, 0)
    issue_loads(1, 1)
    plsc.subcore_barrier()

    def half(j, b, t):
        wait_loads(j, b)
        if t is None:
            wait_scatter(j - 1)
        else:
            @pl.when(t > 0)
            def _():
                wait_scatter(j - 1)
        mul(b)
        issue_scatter(j)
        jn = j + 2

        @pl.when(jn < NCH)
        def _():
            @pl.when(jn % 8 == 0)
            def _():
                load_idx_block(jn)
            issue_loads(jn, b)

    def pair(t, carry):
        half(2 * t, 0, t)
        half(2 * t + 1, 1, None)
        return carry

    lax.fori_loop(0, NCH // 2, pair, 0)
    wait_loads(NCH - 1, 0)
    wait_scatter(NCH - 2)
    mul(0)
    issue_scatter(NCH - 1)
    wait_scatter(NCH - 1)
    plsc.subcore_barrier()

    pltpu.sync_copy(h_sh.at[pl.ds(s * NPS, NPS)],
                    out.at[c, pl.ds(s * NPS, NPS)])



def _interleave_idx(idx):
    E2 = E // 2
    a = idx[:E2].reshape(NW, NCH, K // 2)
    b = idx[E2:].reshape(NW, NCH, K // 2)
    return jnp.stack([a, b], axis=-1).reshape(NW, NCH, K)


def kernel(node_feats, edge_feats, edge_index, W_node, b_node, W_e1, b_e1,
           W_e2, b_e2, W_o, b_o):
    src3 = _interleave_idx(edge_index[0].astype(jnp.int32))
    dst3 = _interleave_idx(edge_index[1].astype(jnp.int32))
    hv = _nodeproj(node_feats, W_node, b_node)
    he2 = _edgemlp(edge_feats, W_e1, b_e1, W_e2, b_e2)
    partials = _sc_aggregate(hv, he2, src3, dst3)
    return _outproj(partials, W_o, b_o)

# --- scband reference (transcript-rebuilt; emitter-appended) ---
"""Pipeline reference for scband-cfconv-40218073760108 (READ-ONLY COPY).

The authoritative reference and input builder live on the scoring server;
editing this copy changes nothing except your own understanding.
"""

import jax, jax.numpy as jnp
import numpy as np

N_NODES = 10000
N_EDGES = 320000
NODE_IN = 128
EDGE_IN = 16
HIDDEN = 64
OUT = 128


def ssp(x):
    # ShiftedSoftplus with beta=1, shift=2
    return jax.nn.softplus(x) - jnp.log(2.0)


def setup_inputs(seed: int = 0) -> dict:
    key = jax.random.key(seed)
    ks = jax.random.split(key, 12)
    node_feats = jax.random.normal(ks[0], (N_NODES, NODE_IN), dtype=jnp.float32)
    edge_feats = jax.random.normal(ks[1], (N_EDGES, EDGE_IN), dtype=jnp.float32)
    edge_index = jax.random.randint(ks[2], (2, N_EDGES), 0, N_NODES, dtype=jnp.int64)
    # learned params (stored [in, out] so forward uses x @ W + b)
    W_node = jax.random.normal(ks[3], (NODE_IN, HIDDEN), dtype=jnp.float32) / np.sqrt(NODE_IN)
    b_node = jnp.zeros((HIDDEN,), dtype=jnp.float32)
    W_e1 = jax.random.normal(ks[4], (EDGE_IN, HIDDEN), dtype=jnp.float32) / np.sqrt(EDGE_IN)
    b_e1 = jnp.zeros((HIDDEN,), dtype=jnp.float32)
    W_e2 = jax.random.normal(ks[5], (HIDDEN, HIDDEN), dtype=jnp.float32) / np.sqrt(HIDDEN)
    b_e2 = jnp.zeros((HIDDEN,), dtype=jnp.float32)
    W_o = jax.random.normal(ks[6], (HIDDEN, OUT), dtype=jnp.float32) / np.sqrt(HIDDEN)
    b_o = jnp.zeros((OUT,), dtype=jnp.float32)
    return {
        "node_feats": node_feats,
        "edge_feats": edge_feats,
        "edge_index": edge_index,
        "W_node": W_node, "b_node": b_node,
        "W_e1": W_e1, "b_e1": b_e1,
        "W_e2": W_e2, "b_e2": b_e2,
        "W_o": W_o, "b_o": b_o,
    }


def reference(node_feats, edge_feats, edge_index, W_node, b_node, W_e1, b_e1, W_e2, b_e2, W_o, b_o):
    src = edge_index[0]
    dst = edge_index[1]
    # project_node: Linear
    hv = node_feats @ W_node + b_node  # [N, H]
    # project_edge: Linear -> SSP -> Linear -> SSP
    he = ssp(ssp(edge_feats @ W_e1 + b_e1) @ W_e2 + b_e2)  # [E, H]
    # u_mul_e: gather src node hidden, multiply by edge filter
    m = jnp.take(hv, src, axis=0) * he  # [E, H]
    # sum aggregation to destination nodes
    h = jax.ops.segment_sum(m, dst, num_segments=N_NODES)  # [N, H]
    # project_out: Linear -> SSP
    return ssp(h @ W_o + b_o)  # [N, OUT]

if __name__ == "__main__":
    import jax
    _d = setup_inputs()
    print(jax.jit(kernel)(*tuple(_d.values())))

</pallas_src>

<mosaic_0001>
#map = affine_map<(d0, d1) -> (0, 0)>
#map1 = affine_map<(d0, d1) -> (0, 0, 0)>
module attributes {stable_mosaic.version = 14 : i64} {
  func.func @_sc_aggregate(%arg0: i32, %arg1: i32, %arg2: memref<10000x128xf32, #tpu.memory_space<hbm>>, %arg3: memref<160000x128xf32, #tpu.memory_space<hbm>>, %arg4: memref<32x125x80xi32, #tpu.memory_space<hbm>>, %arg5: memref<32x125x80xi32, #tpu.memory_space<hbm>>, %arg6: memref<2x10112x128xf32, #tpu.memory_space<hbm>>, %arg7: memref<10112x128xf32, #tpu.memory_space<vmem_shared>>, %arg8: memref<16x80xi32, #tpu.memory_space<vmem>>, %arg9: memref<16x80xi32, #tpu.memory_space<vmem>>, %arg10: memref<2x40x128xf32, #tpu.memory_space<vmem>>, %arg11: memref<2x80x128xf32, #tpu.memory_space<vmem>>, %arg12: memref<80x128xf32, #tpu.memory_space<vmem>>, %arg13: memref<!tpu.dma_semaphore, #tpu.memory_space<semaphore_mem>>, %arg14: memref<!tpu.dma_semaphore, #tpu.memory_space<semaphore_mem>>, %arg15: memref<!tpu.dma_semaphore, #tpu.memory_space<semaphore_mem>>, %arg16: memref<!tpu.dma_semaphore, #tpu.memory_space<semaphore_mem>>, %arg17: memref<!tpu.dma_semaphore, #tpu.memory_space<semaphore_mem>>) attributes {dimension_semantics = [#tpu.dimension_semantics<core_parallel>, #tpu.dimension_semantics<subcore_parallel>], iteration_bounds = array<i64: 2, 16>, scalar_prefetch = 0 : i64, scratch_operands = 11 : i64, tpu.core_type = #tpu.core_type<sc_vector_subcore>, window_params = [{transform_indices = #map}, {transform_indices = #map}, {transform_indices = #map1}, {transform_indices = #map1}, {transform_indices = #map1}]} {
    %mul3A = arith.constant 16 : i32
    %mul3A_0 = arith.muli %arg0, %mul3A : i32
    %add3A = arith.addi %mul3A_0, %arg1 : i32
    %scan3A = arith.constant 0 : i32
    %scan3A_1 = arith.constant 0 : i32
    %scan3A_2 = arith.constant 8 : i32
    %scan3A_3 = arith.addi %scan3A_1, %scan3A_2 : i32
    %scan3A_4 = arith.constant 1 : i32
    scf.for %scan3A_141 = %scan3A_1 to %scan3A_3 step %scan3A_4  : i32 {
      %broadcast_in_dim3A = arith.constant 0.000000e+00 : f32
      %broadcast_in_dim3A_142 = vector.broadcast %broadcast_in_dim3A : f32 to vector<16xf32>
      %swap3A = arith.index_cast %scan3A_141 : i32 to index
      %swap3A_143 = arith.constant 0 : index
      %swap3A_144 = tpu.vector_load %arg12[%swap3A, %swap3A_143] {strides = array<i32>} : memref<80x128xf32, #tpu.memory_space<vmem>>, vector<1x16xf32>,
      %swap3A_145 = vector.shape_cast %swap3A_144 : vector<1x16xf32> to vector<16xf32>
      %swap3A_146 = vector.shape_cast %broadcast_in_dim3A_142 : vector<16xf32> to vector<1x16xf32>
      tpu.vector_store %arg12[%swap3A, %swap3A_143], %swap3A_146 {strides = array<i32>} : memref<80x128xf32, #tpu.memory_space<vmem>>, vector<1x16xf32>,
      %broadcast_in_dim3A_147 = arith.constant 0.000000e+00 : f32
      %broadcast_in_dim3A_148 = vector.broadcast %broadcast_in_dim3A_147 : f32 to vector<16xf32>
      %swap3A_149 = arith.index_cast %scan3A_141 : i32 to index
      %swap3A_150 = arith.constant 16 : index
      %swap3A_151 = tpu.vector_load %arg12[%swap3A_149, %swap3A_150] {strides = array<i32>} : memref<80x128xf32, #tpu.memory_space<vmem>>, vector<1x16xf32>,
      %swap3A_152 = vector.shape_cast %swap3A_151 : vector<1x16xf32> to vector<16xf32>
      %swap3A_153 = vector.shape_cast %broadcast_in_dim3A_148 : vector<16xf32> to vector<1x16xf32>
      tpu.vector_store %arg12[%swap3A_149, %swap3A_150], %swap3A_153 {strides = array<i32>} : memref<80x128xf32, #tpu.memory_space<vmem>>, vector<1x16xf32>,
      %broadcast_in_dim3A_154 = arith.constant 0.000000e+00 : f32
      %broadcast_in_dim3A_155 = vector.broadcast %broadcast_in_dim3A_154 : f32 to vector<16xf32>
      %swap3A_156 = arith.index_cast %scan3A_141 : i32 to index
      %swap3A_157 = arith.constant 32 : index
      %swap3A_158 = tpu.vector_load %arg12[%swap3A_156, %swap3A_157] {strides = array<i32>} : memref<80x128xf32, #tpu.memory_space<vmem>>, vector<1x16xf32>,
      %swap3A_159 = vector.shape_cast %swap3A_158 : vector<1x16xf32> to vector<16xf32>
      %swap3A_160 = vector.shape_cast %broadcast_in_dim3A_155 : vector<16xf32> to vector<1x16xf32>
      tpu.vector_store %arg12[%swap3A_156, %swap3A_157], %swap3A_160 {strides = array<i32>} : memref<80x128xf32, #tpu.memory_space<vmem>>, vector<1x16xf32>,
      %broadcast_in_dim3A_161 = arith.constant 0.000000e+00 : f32
      %broadcast_in_dim3A_162 = vector.broadcast %broadcast_in_dim3A_161 : f32 to vector<16xf32>
      %swap3A_163 = arith.index_cast %scan3A_141 : i32 to index
      %swap3A_164 = arith.constant 48 : index
      %swap3A_165 = tpu.vector_load %arg12[%swap3A_163, %swap3A_164] {strides = array<i32>} : memref<80x128xf32, #tpu.memory_space<vmem>>, vector<1x16xf32>,
      %swap3A_166 = vector.shape_cast %swap3A_165 : vector<1x16xf32> to vector<16xf32>
      %swap3A_167 = vector.shape_cast %broadcast_in_dim3A_162 : vector<16xf32> to vector<1x16xf32>
      tpu.vector_store %arg12[%swap3A_163, %swap3A_164], %swap3A_167 {strides = array<i32>} : memref<80x128xf32, #tpu.memory_space<vmem>>, vector<1x16xf32>,
      %broadcast_in_dim3A_168 = arith.constant 0.000000e+00 : f32
      %broadcast_in_dim3A_169 = vector.broadcast %broadcast_in_dim3A_168 : f32 to vector<16xf32>
      %swap3A_170 = arith.index_cast %scan3A_141 : i32 to index
      %swap3A_171 = arith.constant 64 : index
      %swap3A_172 = tpu.vector_load %arg12[%swap3A_170, %swap3A_171] {strides = array<i32>} : memref<80x128xf32, #tpu.memory_space<vmem>>, vector<1x16xf32>,
      %swap3A_173 = vector.shape_cast %swap3A_172 : vector<1x16xf32> to vector<16xf32>
      %swap3A_174 = vector.shape_cast %broadcast_in_dim3A_169 : vector<16xf32> to vector<1x16xf32>
      tpu.vector_store %arg12[%swap3A_170, %swap3A_171], %swap3A_174 {strides = array<i32>} : memref<80x128xf32, #tpu.memory_space<vmem>>, vector<1x16xf32>,
      %broadcast_in_dim3A_175 = arith.constant 0.000000e+00 : f32
      %broadcast_in_dim3A_176 = vector.broadcast %broadcast_in_dim3A_175 : f32 to vector<16xf32>
      %swap3A_177 = arith.index_cast %scan3A_141 : i32 to index
      %swap3A_178 = arith.constant 80 : index
      %swap3A_179 = tpu.vector_load %arg12[%swap3A_177, %swap3A_178] {strides = array<i32>} : memref<80x128xf32, #tpu.memory_space<vmem>>, vector<1x16xf32>,
      %swap3A_180 = vector.shape_cast %swap3A_179 : vector<1x16xf32> to vector<16xf32>
      %swap3A_181 = vector.shape_cast %broadcast_in_dim3A_176 : vector<16xf32> to vector<1x16xf32>
      tpu.vector_store %arg12[%swap3A_177, %swap3A_178], %swap3A_181 {strides = array<i32>} : memref<80x128xf32, #tpu.memory_space<vmem>>, vector<1x16xf32>,
      %broadcast_in_dim3A_182 = arith.constant 0.000000e+00 : f32
      %broadcast_in_dim3A_183 = vector.broadcast %broadcast_in_dim3A_182 : f32 to vector<16xf32>
      %swap3A_184 = arith.index_cast %scan3A_141 : i32 to index
      %swap3A_185 = arith.constant 96 : index
      %swap3A_186 = tpu.vector_load %arg12[%swap3A_184, %swap3A_185] {strides = array<i32>} : memref<80x128xf32, #tpu.memory_space<vmem>>, vector<1x16xf32>,
      %swap3A_187 = vector.shape_cast %swap3A_186 : vector<1x16xf32> to vector<16xf32>
      %swap3A_188 = vector.shape_cast %broadcast_in_dim3A_183 : vector<16xf32> to vector<1x16xf32>
      tpu.vector_store %arg12[%swap3A_184, %swap3A_185], %swap3A_188 {strides = array<i32>} : memref<80x128xf32, #tpu.memory_space<vmem>>, vector<1x16xf32>,
      %broadcast_in_dim3A_189 = arith.constant 0.000000e+00 : f32
      %broadcast_in_dim3A_190 = vector.broadcast %broadcast_in_dim3A_189 : f32 to vector<16xf32>
      %swap3A_191 = arith.index_cast %scan3A_141 : i32 to index
      %swap3A_192 = arith.constant 112 : index
      %swap3A_193 = tpu.vector_load %arg12[%swap3A_191, %swap3A_192] {strides = array<i32>} : memref<80x128xf32, #tpu.memory_space<vmem>>, vector<1x16xf32>,
      %swap3A_194 = vector.shape_cast %swap3A_193 : vector<1x16xf32> to vector<16xf32>
      %swap3A_195 = vector.shape_cast %broadcast_in_dim3A_190 : vector<16xf32> to vector<1x16xf32>
      tpu.vector_store %arg12[%swap3A_191, %swap3A_192], %swap3A_195 {strides = array<i32>} : memref<80x128xf32, #tpu.memory_space<vmem>>, vector<1x16xf32>,
    }
    %scan3A_5 = arith.constant 8 : i32
    %scan3A_6 = arith.constant 0 : i32
    %scan3A_7 = arith.constant 0 : i32
    %scan3A_8 = arith.constant 79 : i32
    %scan3A_9 = arith.addi %scan3A_7, %scan3A_8 : i32
    %scan3A_10 = arith.constant 1 : i32
    scf.for %scan3A_141 = %scan3A_7 to %scan3A_9 step %scan3A_10  : i32 {
      %mul3A_142 = arith.constant 632 : i32
      %mul3A_143 = arith.muli %arg1, %mul3A_142 : i32
      %mul3A_144 = arith.constant 8 : i32
      %mul3A_145 = arith.muli %scan3A_141, %mul3A_144 : i32
      %add3A_146 = arith.addi %mul3A_143, %mul3A_145 : i32
      %dma_start3A_147 = arith.constant 0 : i32
      %dma_start3A_148 = arith.constant 0 : i32
      %dma_start3A_149 = tpu.memref_slice %arg12[%dma_start3A_147, %dma_start3A_148] : memref<80x128xf32, #tpu.memory_space<vmem>> -> memref<8x128xf32, #tpu.memory_space<vmem>>
      %dma_start3A_150 = arith.constant 0 : i32
      %dma_start3A_151 = tpu.memref_slice %arg7[%add3A_146, %dma_start3A_150] : memref<10112x128xf32, #tpu.memory_space<vmem_shared>> -> memref<8x128xf32, #tpu.memory_space<vmem_shared>>
      %dma_start3A_152 = arith.constant 0 : i32
      %dma_start3A_153 = tpu.memref_slice %arg7[%add3A_146, %dma_start3A_152] : memref<10112x128xf32, #tpu.memory_space<vmem_shared>> -> memref<8x128xf32, #tpu.memory_space<vmem_shared>>
      %dma_start3A_154 = arith.constant 0 : i32
      %dma_start3A_155 = arith.constant 0 : i32
      %dma_start3A_156 = tpu.memref_slice %arg12[%dma_start3A_154, %dma_start3A_155] : memref<80x128xf32, #tpu.memory_space<vmem>> -> memref<8x128xf32, #tpu.memory_space<vmem>>
      tpu.enqueue_dma source(%dma_start3A_156 : memref<8x128xf32, #tpu.memory_space<vmem>>) target(%dma_start3A_153 : memref<8x128xf32, #tpu.memory_space<vmem_shared>>) target_semaphore(%arg17 : memref<!tpu.dma_semaphore, #tpu.memory_space<semaphore_mem>>)
    }
    %scan3A_11 = arith.constant 79 : i32
    %scan3A_12 = arith.constant 0 : i32
    %scan3A_13 = arith.constant 0 : i32
    %scan3A_14 = arith.constant 79 : i32
    %scan3A_15 = arith.addi %scan3A_13, %scan3A_14 : i32
    %scan3A_16 = arith.constant 1 : i32
    scf.for %scan3A_141 = %scan3A_13 to %scan3A_15 step %scan3A_16  : i32 {
      %mul3A_142 = arith.constant 632 : i32
      %mul3A_143 = arith.muli %arg1, %mul3A_142 : i32
      %mul3A_144 = arith.constant 8 : i32
      %mul3A_145 = arith.muli %scan3A_141, %mul3A_144 : i32
      %add3A_146 = arith.addi %mul3A_143, %mul3A_145 : i32
      %dma_wait3A_147 = arith.constant 0 : i32
      %dma_wait3A_148 = arith.constant 0 : i32
      %dma_wait3A_149 = tpu.memref_slice %arg12[%dma_wait3A_147, %dma_wait3A_148] : memref<80x128xf32, #tpu.memory_space<vmem>> -> memref<8x128xf32, #tpu.memory_space<vmem>>
      %dma_wait3A_150 = arith.constant 0 : i32
      %dma_wait3A_151 = tpu.memref_slice %arg7[%add3A_146, %dma_wait3A_150] : memref<10112x128xf32, #tpu.memory_space<vmem_shared>> -> memref<8x128xf32, #tpu.memory_space<vmem_shared>>
      %dma_wait3A_152 = arith.constant 0 : i32
      %dma_wait3A_153 = tpu.memref_slice %arg7[%add3A_146, %dma_wait3A_152] : memref<10112x128xf32, #tpu.memory_space<vmem_shared>> -> memref<8x128xf32, #tpu.memory_space<vmem_shared>>
      %dma_wait3A_154 = arith.constant 0 : i32
      %dma_wait3A_155 = arith.constant 0 : i32
      %dma_wait3A_156 = tpu.memref_slice %arg12[%dma_wait3A_154, %dma_wait3A_155] : memref<80x128xf32, #tpu.memory_space<vmem>> -> memref<8x128xf32, #tpu.memory_space<vmem>>
      tpu.wait_dma2 semaphore(%arg17 : memref<!tpu.dma_semaphore, #tpu.memory_space<semaphore_mem>>) src(%dma_wait3A_156 : memref<8x128xf32, #tpu.memory_space<vmem>>) dst(%dma_wait3A_153 : memref<8x128xf32, #tpu.memory_space<vmem_shared>>)
    }
    %scan3A_17 = arith.constant 79 : i32
    %multiple_of3A = arith.constant 0 : i32
    %multiple_of3A_18 = tpu.assume_multiple %multiple_of3A, 8 : i32
    "tpu.region"() ({
      %run_scoped3A = tpu.sem_alloc : memref<!tpu.dma_semaphore, #tpu.memory_space<semaphore_mem>>
      %dma_start3A_141 = arith.constant 0 : i32
      %dma_start3A_142 = arith.constant 0 : i32
      %dma_start3A_143 = tpu.memref_slice %arg8[%dma_start3A_141, %dma_start3A_142] : memref<16x80xi32, #tpu.memory_space<vmem>> -> memref<8x80xi32, #tpu.memory_space<vmem>>
      %dma_start3A_144 = arith.constant 0 : i32
      %dma_start3A_145 = tpu.memref_slice %arg4[%add3A, %multiple_of3A_18, %dma_start3A_144] : memref<32x125x80xi32, #tpu.memory_space<hbm>> -> memref<1x8x80xi32, #tpu.memory_space<hbm>>
      %dma_start3A_146 = tpu.memref_squeeze %dma_start3A_145 : memref<1x8x80xi32, #tpu.memory_space<hbm>> -> memref<8x80xi32, #tpu.memory_space<hbm>>
      %dma_start3A_147 = arith.constant 0 : i32
      %dma_start3A_148 = arith.constant 0 : i32
      %dma_start3A_149 = tpu.memref_slice %arg8[%dma_start3A_147, %dma_start3A_148] : memref<16x80xi32, #tpu.memory_space<vmem>> -> memref<8x80xi32, #tpu.memory_space<vmem>>
      %dma_start3A_150 = arith.constant 0 : i32
      %dma_start3A_151 = tpu.memref_slice %arg4[%add3A, %multiple_of3A_18, %dma_start3A_150] : memref<32x125x80xi32, #tpu.memory_space<hbm>> -> memref<1x8x80xi32, #tpu.memory_space<hbm>>
      %dma_start3A_152 = tpu.memref_squeeze %dma_start3A_151 : memref<1x8x80xi32, #tpu.memory_space<hbm>> -> memref<8x80xi32, #tpu.memory_space<hbm>>
      tpu.enqueue_dma source(%dma_start3A_152 : memref<8x80xi32, #tpu.memory_space<hbm>>) target(%dma_start3A_149 : memref<8x80xi32, #tpu.memory_space<vmem>>) target_semaphore(%run_scoped3A : memref<!tpu.dma_semaphore, #tpu.memory_space<semaphore_mem>>)
      %dma_wait3A_153 = arith.constant 0 : i32
      %dma_wait3A_154 = arith.constant 0 : i32
      %dma_wait3A_155 = tpu.memref_slice %arg8[%dma_wait3A_153, %dma_wait3A_154] : memref<16x80xi32, #tpu.memory_space<vmem>> -> memref<8x80xi32, #tpu.memory_space<vmem>>
      %dma_wait3A_156 = arith.constant 0 : i32
      %dma_wait3A_157 = tpu.memref_slice %arg4[%add3A, %multiple_of3A_18, %dma_wait3A_156] : memref<32x125x80xi32, #tpu.memory_space<hbm>> -> memref<1x8x80xi32, #tpu.memory_space<hbm>>
      %dma_wait3A_158 = tpu.memref_squeeze %dma_wait3A_157 : memref<1x8x80xi32, #tpu.memory_space<hbm>> -> memref<8x80xi32, #tpu.memory_space<hbm>>
      %dma_wait3A_159 = arith.constant 0 : i32
      %dma_wait3A_160 = arith.constant 0 : i32
      %dma_wait3A_161 = tpu.memref_slice %arg8[%dma_wait3A_159, %dma_wait3A_160] : memref<16x80xi32, #tpu.memory_space<vmem>> -> memref<8x80xi32, #tpu.memory_space<vmem>>
      %dma_wait3A_162 = arith.constant 0 : i32
      %dma_wait3A_163 = tpu.memref_slice %arg4[%add3A, %multiple_of3A_18, %dma_wait3A_162] : memref<32x125x80xi32, #tpu.memory_space<hbm>> -> memref<1x8x80xi32, #tpu.memory_space<hbm>>
      %dma_wait3A_164 = tpu.memref_squeeze %dma_wait3A_163 : memref<1x8x80xi32, #tpu.memory_space<hbm>> -> memref<8x80xi32, #tpu.memory_space<hbm>>
      tpu.wait_dma2 semaphore(%run_scoped3A : memref<!tpu.dma_semaphore, #tpu.memory_space<semaphore_mem>>) src(%dma_wait3A_164 : memref<8x80xi32, #tpu.memory_space<hbm>>) dst(%dma_wait3A_161 : memref<8x80xi32, #tpu.memory_space<vmem>>)
      tpu.yield
    }) : () -> ()
    "tpu.region"() ({
      %run_scoped3A = tpu.sem_alloc : memref<!tpu.dma_semaphore, #tpu.memory_space<semaphore_mem>>
      %dma_start3A_141 = arith.constant 0 : i32
      %dma_start3A_142 = arith.constant 0 : i32
      %dma_start3A_143 = tpu.memref_slice %arg9[%dma_start3A_141, %dma_start3A_142] : memref<16x80xi32, #tpu.memory_space<vmem>> -> memref<8x80xi32, #tpu.memory_space<vmem>>
      %dma_start3A_144 = arith.constant 0 : i32
      %dma_start3A_145 = tpu.memref_slice %arg5[%add3A, %multiple_of3A_18, %dma_start3A_144] : memref<32x125x80xi32, #tpu.memory_space<hbm>> -> memref<1x8x80xi32, #tpu.memory_space<hbm>>
      %dma_start3A_146 = tpu.memref_squeeze %dma_start3A_145 : memref<1x8x80xi32, #tpu.memory_space<hbm>> -> memref<8x80xi32, #tpu.memory_space<hbm>>
      %dma_start3A_147 = arith.constant 0 : i32
      %dma_start3A_148 = arith.constant 0 : i32
      %dma_start3A_149 = tpu.memref_slice %arg9[%dma_start3A_147, %dma_start3A_148] : memref<16x80xi32, #tpu.memory_space<vmem>> -> memref<8x80xi32, #tpu.memory_space<vmem>>
      %dma_start3A_150 = arith.constant 0 : i32
      %dma_start3A_151 = tpu.memref_slice %arg5[%add3A, %multiple_of3A_18, %dma_start3A_150] : memref<32x125x80xi32, #tpu.memory_space<hbm>> -> memref<1x8x80xi32, #tpu.memory_space<hbm>>
      %dma_start3A_152 = tpu.memref_squeeze %dma_start3A_151 : memref<1x8x80xi32, #tpu.memory_space<hbm>> -> memref<8x80xi32, #tpu.memory_space<hbm>>
      tpu.enqueue_dma source(%dma_start3A_152 : memref<8x80xi32, #tpu.memory_space<hbm>>) target(%dma_start3A_149 : memref<8x80xi32, #tpu.memory_space<vmem>>) target_semaphore(%run_scoped3A : memref<!tpu.dma_semaphore, #tpu.memory_space<semaphore_mem>>)
      %dma_wait3A_153 = arith.constant 0 : i32
      %dma_wait3A_154 = arith.constant 0 : i32
      %dma_wait3A_155 = tpu.memref_slice %arg9[%dma_wait3A_153, %dma_wait3A_154] : memref<16x80xi32, #tpu.memory_space<vmem>> -> memref<8x80xi32, #tpu.memory_space<vmem>>
      %dma_wait3A_156 = arith.constant 0 : i32
      %dma_wait3A_157 = tpu.memref_slice %arg5[%add3A, %multiple_of3A_18, %dma_wait3A_156] : memref<32x125x80xi32, #tpu.memory_space<hbm>> -> memref<1x8x80xi32, #tpu.memory_space<hbm>>
      %dma_wait3A_158 = tpu.memref_squeeze %dma_wait3A_157 : memref<1x8x80xi32, #tpu.memory_space<hbm>> -> memref<8x80xi32, #tpu.memory_space<hbm>>
      %dma_wait3A_159 = arith.constant 0 : i32
      %dma_wait3A_160 = arith.constant 0 : i32
      %dma_wait3A_161 = tpu.memref_slice %arg9[%dma_wait3A_159, %dma_wait3A_160] : memref<16x80xi32, #tpu.memory_space<vmem>> -> memref<8x80xi32, #tpu.memory_space<vmem>>
      %dma_wait3A_162 = arith.constant 0 : i32
      %dma_wait3A_163 = tpu.memref_slice %arg5[%add3A, %multiple_of3A_18, %dma_wait3A_162] : memref<32x125x80xi32, #tpu.memory_space<hbm>> -> memref<1x8x80xi32, #tpu.memory_space<hbm>>
      %dma_wait3A_164 = tpu.memref_squeeze %dma_wait3A_163 : memref<1x8x80xi32, #tpu.memory_space<hbm>> -> memref<8x80xi32, #tpu.memory_space<hbm>>
      tpu.wait_dma2 semaphore(%run_scoped3A : memref<!tpu.dma_semaphore, #tpu.memory_space<semaphore_mem>>) src(%dma_wait3A_164 : memref<8x80xi32, #tpu.memory_space<hbm>>) dst(%dma_wait3A_161 : memref<8x80xi32, #tpu.memory_space<vmem>>)
      tpu.yield
    }) : () -> ()
    %mul3A_19 = arith.constant 5000 : i32
    %mul3A_20 = arith.muli %add3A, %mul3A_19 : i32
    %add3A_21 = arith.constant 0 : i32
    %add3A_22 = arith.addi %mul3A_20, %add3A_21 : i32
    %multiple_of3A_23 = tpu.assume_multiple %add3A_22, 8 : i32
    %dma_start3A = arith.constant 0 : i32
    %dma_start3A_24 = arith.constant 0 : i32
    %dma_start3A_25 = arith.constant 0 : i32
    %dma_start3A_26 = tpu.memref_slice %arg10[%dma_start3A, %dma_start3A_24, %dma_start3A_25] : memref<2x40x128xf32, #tpu.memory_space<vmem>> -> memref<1x40x128xf32, #tpu.memory_space<vmem>>
    %dma_start3A_27 = tpu.memref_squeeze %dma_start3A_26 : memref<1x40x128xf32, #tpu.memory_space<vmem>> -> memref<40x128xf32, #tpu.memory_space<vmem>>
    %dma_start3A_28 = arith.constant 0 : i32
    %dma_start3A_29 = tpu.memref_slice %arg3[%multiple_of3A_23, %dma_start3A_28] : memref<160000x128xf32, #tpu.memory_space<hbm>> -> memref<40x128xf32, #tpu.memory_space<hbm>>
    %dma_start3A_30 = arith.constant 0 : i32
    %dma_start3A_31 = arith.constant 0 : i32
    %dma_start3A_32 = tpu.memref_slice %arg10[%dma_start3A, %dma_start3A_30, %dma_start3A_31] : memref<2x40x128xf32, #tpu.memory_space<vmem>> -> memref<1x40x128xf32, #tpu.memory_space<vmem>>
    %dma_start3A_33 = tpu.memref_squeeze %dma_start3A_32 : memref<1x40x128xf32, #tpu.memory_space<vmem>> -> memref<40x128xf32, #tpu.memory_space<vmem>>
    %dma_start3A_34 = arith.constant 0 : i32
    %dma_start3A_35 = tpu.memref_slice %arg3[%multiple_of3A_23, %dma_start3A_34] : memref<160000x128xf32, #tpu.memory_space<hbm>> -> memref<40x128xf32, #tpu.memory_space<hbm>>
    tpu.enqueue_dma source(%dma_start3A_35 : memref<40x128xf32, #tpu.memory_space<hbm>>) target(%dma_start3A_33 : memref<40x128xf32, #tpu.memory_space<vmem>>) target_semaphore(%arg13 : memref<!tpu.dma_semaphore, #tpu.memory_space<semaphore_mem>>)
    %dma_start3A_36 = arith.constant 0 : i32
    %dma_start3A_37 = arith.constant 0 : i32
    %dma_start3A_38 = arith.constant 0 : i32
    %dma_start3A_39 = arith.constant 0 : i32
    %dma_start3A_40 = tpu.memref_slice %arg11[%dma_start3A_37, %dma_start3A_38, %dma_start3A_39] : memref<2x80x128xf32, #tpu.memory_space<vmem>> -> memref<1x80x128xf32, #tpu.memory_space<vmem>>
    %dma_start3A_41 = tpu.memref_squeeze %dma_start3A_40 : memref<1x80x128xf32, #tpu.memory_space<vmem>> -> memref<80x128xf32, #tpu.memory_space<vmem>>
    %dma_start3A_42 = arith.constant 0 : i32
    %dma_start3A_43 = tpu.memref_slice %arg8[%dma_start3A_36, %dma_start3A_42] : memref<16x80xi32, #tpu.memory_space<vmem>> -> memref<1x80xi32, #tpu.memory_space<vmem>>
    %dma_start3A_44 = tpu.memref_squeeze %dma_start3A_43 : memref<1x80xi32, #tpu.memory_space<vmem>> -> memref<80xi32, #tpu.memory_space<vmem>>
    %dma_start3A_45 = arith.constant 0 : i32
    %dma_start3A_46 = arith.constant 0 : i32
    %dma_start3A_47 = tpu.memref_slice %arg2[%dma_start3A_45, %dma_start3A_46] : memref<10000x128xf32, #tpu.memory_space<hbm>> -> memref<10000x128xf32, #tpu.memory_space<hbm>>
    tpu.enqueue_indirect_dma source(%dma_start3A_47 : memref<10000x128xf32, #tpu.memory_space<hbm>>) target(%dma_start3A_41 : memref<80x128xf32, #tpu.memory_space<vmem>>) offsets(%dma_start3A_44 : memref<80xi32, #tpu.memory_space<vmem>>) semaphore(%arg15 : memref<!tpu.dma_semaphore, #tpu.memory_space<semaphore_mem>>)
    %mul3A_48 = arith.constant 5000 : i32
    %mul3A_49 = arith.muli %add3A, %mul3A_48 : i32
    %add3A_50 = arith.constant 40 : i32
    %add3A_51 = arith.addi %mul3A_49, %add3A_50 : i32
    %multiple_of3A_52 = tpu.assume_multiple %add3A_51, 8 : i32
    %dma_start3A_53 = arith.constant 1 : i32
    %dma_start3A_54 = arith.constant 0 : i32
    %dma_start3A_55 = arith.constant 0 : i32
    %dma_start3A_56 = tpu.memref_slice %arg10[%dma_start3A_53, %dma_start3A_54, %dma_start3A_55] : memref<2x40x128xf32, #tpu.memory_space<vmem>> -> memref<1x40x128xf32, #tpu.memory_space<vmem>>
    %dma_start3A_57 = tpu.memref_squeeze %dma_start3A_56 : memref<1x40x128xf32, #tpu.memory_space<vmem>> -> memref<40x128xf32, #tpu.memory_space<vmem>>
    %dma_start3A_58 = arith.constant 0 : i32
    %dma_start3A_59 = tpu.memref_slice %arg3[%multiple_of3A_52, %dma_start3A_58] : memref<160000x128xf32, #tpu.memory_space<hbm>> -> memref<40x128xf32, #tpu.memory_space<hbm>>
    %dma_start3A_60 = arith.constant 0 : i32
    %dma_start3A_61 = arith.constant 0 : i32
    %dma_start3A_62 = tpu.memref_slice %arg10[%dma_start3A_53, %dma_start3A_60, %dma_start3A_61] : memref<2x40x128xf32, #tpu.memory_space<vmem>> -> memref<1x40x128xf32, #tpu.memory_space<vmem>>
    %dma_start3A_63 = tpu.memref_squeeze %dma_start3A_62 : memref<1x40x128xf32, #tpu.memory_space<vmem>> -> memref<40x128xf32, #tpu.memory_space<vmem>>
    %dma_start3A_64 = arith.constant 0 : i32
    %dma_start3A_65 = tpu.memref_slice %arg3[%multiple_of3A_52, %dma_start3A_64] : memref<160000x128xf32, #tpu.memory_space<hbm>> -> memref<40x128xf32, #tpu.memory_space<hbm>>
    tpu.enqueue_dma source(%dma_start3A_65 : memref<40x128xf32, #tpu.memory_space<hbm>>) target(%dma_start3A_63 : memref<40x128xf32, #tpu.memory_space<vmem>>) target_semaphore(%arg14 : memref<!tpu.dma_semaphore, #tpu.memory_space<semaphore_mem>>)
    %dma_start3A_66 = arith.constant 1 : i32
    %dma_start3A_67 = arith.constant 1 : i32
    %dma_start3A_68 = arith.constant 0 : i32
    %dma_start3A_69 = arith.constant 0 : i32
    %dma_start3A_70 = tpu.memref_slice %arg11[%dma_start3A_67, %dma_start3A_68, %dma_start3A_69] : memref<2x80x128xf32, #tpu.memory_space<vmem>> -> memref<1x80x128xf32, #tpu.memory_space<vmem>>
    %dma_start3A_71 = tpu.memref_squeeze %dma_start3A_70 : memref<1x80x128xf32, #tpu.memory_space<vmem>> -> memref<80x128xf32, #tpu.memory_space<vmem>>
    %dma_start3A_72 = arith.constant 0 : i32
    %dma_start3A_73 = tpu.memref_slice %arg8[%dma_start3A_66, %dma_start3A_72] : memref<16x80xi32, #tpu.memory_space<vmem>> -> memref<1x80xi32, #tpu.memory_space<vmem>>
    %dma_start3A_74 = tpu.memref_squeeze %dma_start3A_73 : memref<1x80xi32, #tpu.memory_space<vmem>> -> memref<80xi32, #tpu.memory_space<vmem>>
    %dma_start3A_75 = arith.constant 0 : i32
    %dma_start3A_76 = arith.constant 0 : i32
    %dma_start3A_77 = tpu.memref_slice %arg2[%dma_start3A_75, %dma_start3A_76] : memref<10000x128xf32, #tpu.memory_space<hbm>> -> memref<10000x128xf32, #tpu.memory_space<hbm>>
    tpu.enqueue_indirect_dma source(%dma_start3A_77 : memref<10000x128xf32, #tpu.memory_space<hbm>>) target(%dma_start3A_71 : memref<80x128xf32, #tpu.memory_space<vmem>>) offsets(%dma_start3A_74 : memref<80xi32, #tpu.memory_space<vmem>>) semaphore(%arg16 : memref<!tpu.dma_semaphore, #tpu.memory_space<semaphore_mem>>)
    %barrier3A = arith.constant 0 : index
    tpu.barrier barrier_id(%barrier3A)
    %scan3A_78 = arith.constant 0 : i32
    %scan3A_79 = arith.constant 0 : i32
    %scan3A_80 = arith.constant 62 : i32
    %scan3A_81 = arith.addi %scan3A_79, %scan3A_80 : i32
    %scan3A_82 = arith.constant 1 : i32
    scf.for %scan3A_141 = %scan3A_79 to %scan3A_81 step %scan3A_82  : i32 {
      %mul3A_142 = arith.constant 2 : i32
      %mul3A_143 = arith.muli %mul3A_142, %scan3A_141 : i32
      %mul3A_144 = arith.constant 5000 : i32
      %mul3A_145 = arith.muli %add3A, %mul3A_144 : i32
      %mul3A_146 = arith.constant 40 : i32
      %mul3A_147 = arith.muli %mul3A_143, %mul3A_146 : i32
      %add3A_148 = arith.addi %mul3A_145, %mul3A_147 : i32
      %multiple_of3A_149 = tpu.assume_multiple %add3A_148, 8 : i32
      %dma_wait3A_150 = arith.constant 0 : i32
      %dma_wait3A_151 = arith.constant 0 : i32
      %dma_wait3A_152 = arith.constant 0 : i32
      %dma_wait3A_153 = tpu.memref_slice %arg10[%dma_wait3A_150, %dma_wait3A_151, %dma_wait3A_152] : memref<2x40x128xf32, #tpu.memory_space<vmem>> -> memref<1x40x128xf32, #tpu.memory_space<vmem>>
      %dma_wait3A_154 = tpu.memref_squeeze %dma_wait3A_153 : memref<1x40x128xf32, #tpu.memory_space<vmem>> -> memref<40x128xf32, #tpu.memory_space<vmem>>
      %dma_wait3A_155 = arith.constant 0 : i32
      %dma_wait3A_156 = tpu.memref_slice %arg3[%multiple_of3A_149, %dma_wait3A_155] : memref<160000x128xf32, #tpu.memory_space<hbm>> -> memref<40x128xf32, #tpu.memory_space<hbm>>
      %dma_wait3A_157 = arith.constant 0 : i32
      %dma_wait3A_158 = arith.constant 0 : i32
      %dma_wait3A_159 = tpu.memref_slice %arg10[%dma_wait3A_150, %dma_wait3A_157, %dma_wait3A_158] : memref<2x40x128xf32, #tpu.memory_space<vmem>> -> memref<1x40x128xf32, #tpu.memory_space<vmem>>
      %dma_wait3A_160 = tpu.memref_squeeze %dma_wait3A_159 : memref<1x40x128xf32, #tpu.memory_space<vmem>> -> memref<40x128xf32, #tpu.memory_space<vmem>>
      %dma_wait3A_161 = arith.constant 0 : i32
      %dma_wait3A_162 = tpu.memref_slice %arg3[%multiple_of3A_149, %dma_wait3A_161] : memref<160000x128xf32, #tpu.memory_space<hbm>> -> memref<40x128xf32, #tpu.memory_space<hbm>>
      tpu.wait_dma2 semaphore(%arg13 : memref<!tpu.dma_semaphore, #tpu.memory_space<semaphore_mem>>) src(%dma_wait3A_162 : memref<40x128xf32, #tpu.memory_space<hbm>>) dst(%dma_wait3A_160 : memref<40x128xf32, #tpu.memory_space<vmem>>)
      %jit3A = arith.constant 8 : i32
      %div3A = arith.divsi %mul3A_143, %jit3A : i32
      %sign3A = arith.constant 0 : i32
      %sign3A_163 = arith.cmpi sgt, %mul3A_143, %sign3A : i32
      %sign3A_164 = arith.extui %sign3A_163 : i1 to i32
      %sign3A_165 = arith.constant 0 : i32
      %sign3A_166 = arith.cmpi slt, %mul3A_143, %sign3A_165 : i32
      %sign3A_167 = arith.extui %sign3A_166 : i1 to i32
      %sign3A_168 = arith.subi %sign3A_164, %sign3A_167 : i32
      %sign3A_169 = arith.constant 0 : i32
      %sign3A_170 = arith.cmpi sgt, %jit3A, %sign3A_169 : i32
      %sign3A_171 = arith.extui %sign3A_170 : i1 to i32
      %sign3A_172 = arith.constant 0 : i32
      %sign3A_173 = arith.cmpi slt, %jit3A, %sign3A_172 : i32
      %sign3A_174 = arith.extui %sign3A_173 : i1 to i32
      %sign3A_175 = arith.subi %sign3A_171, %sign3A_174 : i32
      %ne3A = arith.cmpi ne, %sign3A_168, %sign3A_175 : i32
      %rem3A = arith.remsi %mul3A_143, %jit3A : i32
      %ne3A_176 = arith.constant 0 : i32
      %ne3A_177 = arith.cmpi ne, %rem3A, %ne3A_176 : i32
      %and3A = arith.andi %ne3A, %ne3A_177 : i1
      %sub3A = arith.constant 1 : i32
      %sub3A_178 = arith.subi %div3A, %sub3A : i32
      %select_n3A = arith.select %and3A, %sub3A_178, %div3A : i32
      %jit3A_179 = arith.constant 2 : i32
      %eq3A = arith.constant 0 : i32
      %eq3A_180 = arith.cmpi eq, %jit3A_179, %eq3A : i32
      %jit3A_181 = arith.constant 1 : i32
      %select_n3A_182 = arith.select %eq3A_180, %jit3A_181, %jit3A_179 : i32
      %rem3A_183 = arith.remsi %select_n3A, %select_n3A_182 : i32
      %ne3A_184 = arith.constant 0 : i32
      %ne3A_185 = arith.cmpi ne, %rem3A_183, %ne3A_184 : i32
      %lt3A = arith.constant 0 : i32
      %lt3A_186 = arith.cmpi slt, %rem3A_183, %lt3A : i32
      %lt3A_187 = arith.constant 0 : i32
      %lt3A_188 = arith.cmpi slt, %select_n3A_182, %lt3A_187 : i32
      %ne3A_189 = arith.xori %lt3A_186, %lt3A_188 : i1
      %and3A_190 = arith.andi %ne3A_189, %ne3A_185 : i1
      %add3A_191 = arith.addi %rem3A_183, %select_n3A_182 : i32
      %select_n3A_192 = arith.select %and3A_190, %add3A_191, %rem3A_183 : i32
      %mul3A_193 = arith.constant 8 : i32
      %mul3A_194 = arith.muli %select_n3A_192, %mul3A_193 : i32
      %jit3A_195 = arith.constant 8 : i32
      %eq3A_196 = arith.constant 0 : i32
      %eq3A_197 = arith.cmpi eq, %jit3A_195, %eq3A_196 : i32
      %jit3A_198 = arith.constant 1 : i32
      %select_n3A_199 = arith.select %eq3A_197, %jit3A_198, %jit3A_195 : i32
      %rem3A_200 = arith.remsi %mul3A_143, %select_n3A_199 : i32
      %ne3A_201 = arith.constant 0 : i32
      %ne3A_202 = arith.cmpi ne, %rem3A_200, %ne3A_201 : i32
      %lt3A_203 = arith.constant 0 : i32
      %lt3A_204 = arith.cmpi slt, %rem3A_200, %lt3A_203 : i32
      %lt3A_205 = arith.constant 0 : i32
      %lt3A_206 = arith.cmpi slt, %select_n3A_199, %lt3A_205 : i32
      %ne3A_207 = arith.xori %lt3A_204, %lt3A_206 : i1
      %and3A_208 = arith.andi %ne3A_207, %ne3A_202 : i1
      %add3A_209 = arith.addi %rem3A_200, %select_n3A_199 : i32
      %select_n3A_210 = arith.select %and3A_208, %add3A_209, %rem3A_200 : i32
      %add3A_211 = arith.addi %mul3A_194, %select_n3A_210 : i32
      %dma_wait3A_212 = arith.constant 0 : i32
      %dma_wait3A_213 = arith.constant 0 : i32
      %dma_wait3A_214 = arith.constant 0 : i32
      %dma_wait3A_215 = tpu.memref_slice %arg11[%dma_wait3A_212, %dma_wait3A_213, %dma_wait3A_214] : memref<2x80x128xf32, #tpu.memory_space<vmem>> -> memref<1x80x128xf32, #tpu.memory_space<vmem>>
      %dma_wait3A_216 = tpu.memref_squeeze %dma_wait3A_215 : memref<1x80x128xf32, #tpu.memory_space<vmem>> -> memref<80x128xf32, #tpu.memory_space<vmem>>
      %dma_wait3A_217 = arith.constant 0 : i32
      %dma_wait3A_218 = tpu.memref_slice %arg8[%add3A_211, %dma_wait3A_217] : memref<16x80xi32, #tpu.memory_space<vmem>> -> memref<1x80xi32, #tpu.memory_space<vmem>>
      %dma_wait3A_219 = tpu.memref_squeeze %dma_wait3A_218 : memref<1x80xi32, #tpu.memory_space<vmem>> -> memref<80xi32, #tpu.memory_space<vmem>>
      %dma_wait3A_220 = arith.constant 0 : i32
      %dma_wait3A_221 = arith.constant 0 : i32
      %dma_wait3A_222 = tpu.memref_slice %arg2[%dma_wait3A_220, %dma_wait3A_221] : memref<10000x128xf32, #tpu.memory_space<hbm>> -> memref<10000x128xf32, #tpu.memory_space<hbm>>
      tpu.wait_indirect_dma semaphore(%arg15 : memref<!tpu.dma_semaphore, #tpu.memory_space<semaphore_mem>>) src(%dma_wait3A_222 : memref<10000x128xf32, #tpu.memory_space<hbm>>) dst(%dma_wait3A_216 : memref<80x128xf32, #tpu.memory_space<vmem>>)
      %gt3A = arith.constant 0 : i32
      %gt3A_223 = arith.cmpi sgt, %scan3A_141, %gt3A : i32
      %convert_element_type3A = arith.extui %gt3A_223 : i1 to i32
      %cond3A = arith.constant 0 : i32
      %cond3A_224 = arith.cmpi ne, %convert_element_type3A, %cond3A : i32
      scf.if %cond3A_224 {
        %sub3A_535 = arith.constant 1 : i32
        %sub3A_536 = arith.subi %mul3A_143, %sub3A_535 : i32
        %jit3A_537 = arith.constant 8 : i32
        %div3A_538 = arith.divsi %sub3A_536, %jit3A_537 : i32
        %sign3A_539 = arith.constant 0 : i32
        %sign3A_540 = arith.cmpi sgt, %sub3A_536, %sign3A_539 : i32
        %sign3A_541 = arith.extui %sign3A_540 : i1 to i32
        %sign3A_542 = arith.constant 0 : i32
        %sign3A_543 = arith.cmpi slt, %sub3A_536, %sign3A_542 : i32
        %sign3A_544 = arith.extui %sign3A_543 : i1 to i32
        %sign3A_545 = arith.subi %sign3A_541, %sign3A_544 : i32
        %sign3A_546 = arith.constant 0 : i32
        %sign3A_547 = arith.cmpi sgt, %jit3A_537, %sign3A_546 : i32
        %sign3A_548 = arith.extui %sign3A_547 : i1 to i32
        %sign3A_549 = arith.constant 0 : i32
        %sign3A_550 = arith.cmpi slt, %jit3A_537, %sign3A_549 : i32
        %sign3A_551 = arith.extui %sign3A_550 : i1 to i32
        %sign3A_552 = arith.subi %sign3A_548, %sign3A_551 : i32
        %ne3A_553 = arith.cmpi ne, %sign3A_545, %sign3A_552 : i32
        %rem3A_554 = arith.remsi %sub3A_536, %jit3A_537 : i32
        %ne3A_555 = arith.constant 0 : i32
        %ne3A_556 = arith.cmpi ne, %rem3A_554, %ne3A_555 : i32
        %and3A_557 = arith.andi %ne3A_553, %ne3A_556 : i1
        %sub3A_558 = arith.constant 1 : i32
        %sub3A_559 = arith.subi %div3A_538, %sub3A_558 : i32
        %select_n3A_560 = arith.select %and3A_557, %sub3A_559, %div3A_538 : i32
        %jit3A_561 = arith.constant 2 : i32
        %eq3A_562 = arith.constant 0 : i32
        %eq3A_563 = arith.cmpi eq, %jit3A_561, %eq3A_562 : i32
        %jit3A_564 = arith.constant 1 : i32
        %select_n3A_565 = arith.select %eq3A_563, %jit3A_564, %jit3A_561 : i32
        %rem3A_566 = arith.remsi %select_n3A_560, %select_n3A_565 : i32
        %ne3A_567 = arith.constant 0 : i32
        %ne3A_568 = arith.cmpi ne, %rem3A_566, %ne3A_567 : i32
        %lt3A_569 = arith.constant 0 : i32
        %lt3A_570 = arith.cmpi slt, %rem3A_566, %lt3A_569 : i32
        %lt3A_571 = arith.constant 0 : i32
        %lt3A_572 = arith.cmpi slt, %select_n3A_565, %lt3A_571 : i32
        %ne3A_573 = arith.xori %lt3A_570, %lt3A_572 : i1
        %and3A_574 = arith.andi %ne3A_573, %ne3A_568 : i1
        %add3A_575 = arith.addi %rem3A_566, %select_n3A_565 : i32
        %select_n3A_576 = arith.select %and3A_574, %add3A_575, %rem3A_566 : i32
        %mul3A_577 = arith.constant 8 : i32
        %mul3A_578 = arith.muli %select_n3A_576, %mul3A_577 : i32
        %jit3A_579 = arith.constant 8 : i32
        %eq3A_580 = arith.constant 0 : i32
        %eq3A_581 = arith.cmpi eq, %jit3A_579, %eq3A_580 : i32
        %jit3A_582 = arith.constant 1 : i32
        %select_n3A_583 = arith.select %eq3A_581, %jit3A_582, %jit3A_579 : i32
        %rem3A_584 = arith.remsi %sub3A_536, %select_n3A_583 : i32
        %ne3A_585 = arith.constant 0 : i32
        %ne3A_586 = arith.cmpi ne, %rem3A_584, %ne3A_585 : i32
        %lt3A_587 = arith.constant 0 : i32
        %lt3A_588 = arith.cmpi slt, %rem3A_584, %lt3A_587 : i32
        %lt3A_589 = arith.constant 0 : i32
        %lt3A_590 = arith.cmpi slt, %select_n3A_583, %lt3A_589 : i32
        %ne3A_591 = arith.xori %lt3A_588, %lt3A_590 : i1
        %and3A_592 = arith.andi %ne3A_591, %ne3A_586 : i1
        %add3A_593 = arith.addi %rem3A_584, %select_n3A_583 : i32
        %select_n3A_594 = arith.select %and3A_592, %add3A_593, %rem3A_584 : i32
        %add3A_595 = arith.addi %mul3A_578, %select_n3A_594 : i32
        %dma_wait3A_596 = arith.constant 0 : i32
        %dma_wait3A_597 = tpu.memref_slice %arg9[%add3A_595, %dma_wait3A_596] : memref<16x80xi32, #tpu.memory_space<vmem>> -> memref<1x80xi32, #tpu.memory_space<vmem>>
        %dma_wait3A_598 = tpu.memref_squeeze %dma_wait3A_597 : memref<1x80xi32, #tpu.memory_space<vmem>> -> memref<80xi32, #tpu.memory_space<vmem>>
        %dma_wait3A_599 = arith.constant 0 : i32
        %dma_wait3A_600 = arith.constant 0 : i32
        %dma_wait3A_601 = tpu.memref_slice %arg7[%dma_wait3A_599, %dma_wait3A_600] : memref<10112x128xf32, #tpu.memory_space<vmem_shared>> -> memref<10112x128xf32, #tpu.memory_space<vmem_shared>>
        tpu.wait_indirect_dma semaphore(%arg17 : memref<!tpu.dma_semaphore, #tpu.memory_space<semaphore_mem>>) src(%arg12 : memref<80x128xf32, #tpu.memory_space<vmem>>) dst(%dma_wait3A_601 : memref<10112x128xf32, #tpu.memory_space<vmem_shared>>)
      } else {
      }
      %parallel_loop3A_225 = arith.constant 0 : i32
      %parallel_loop3A_226 = arith.constant 40 : i32
      %parallel_loop3A_227 = arith.constant 1 : i32
      scf.for %parallel_loop3A_535 = %parallel_loop3A_225 to %parallel_loop3A_226 step %parallel_loop3A_227  : i32 {
        %parallel_loop3A_536 = arith.constant 2 : i32
        %parallel_loop3A_537 = arith.muli %parallel_loop3A_536, %parallel_loop3A_535 : i32
        %parallel_loop3A_538 = arith.constant 0 : i32
        %parallel_loop3A_539 = arith.addi %parallel_loop3A_537, %parallel_loop3A_538 : i32
        %parallel_loop3A_540 = arith.constant 0 : i32
        %parallel_loop3A_541 = arith.index_cast %parallel_loop3A_540 : i32 to index
        %parallel_loop3A_542 = arith.index_cast %parallel_loop3A_539 : i32 to index
        %parallel_loop3A_543 = arith.constant 0 : index
        %parallel_loop3A_544 = tpu.vector_load %arg11[%parallel_loop3A_541, %parallel_loop3A_542, %parallel_loop3A_543] {strides = array<i32>} : memref<2x80x128xf32, #tpu.memory_space<vmem>>, vector<1x1x16xf32>,
        %parallel_loop3A_545 = vector.shape_cast %parallel_loop3A_544 : vector<1x1x16xf32> to vector<16xf32>
        %parallel_loop3A_546 = arith.constant 0 : i32
        %parallel_loop3A_547 = arith.index_cast %parallel_loop3A_546 : i32 to index
        %parallel_loop3A_548 = arith.index_cast %parallel_loop3A_535 : i32 to index
        %parallel_loop3A_549 = arith.constant 0 : index
        %parallel_loop3A_550 = tpu.vector_load %arg10[%parallel_loop3A_547, %parallel_loop3A_548, %parallel_loop3A_549] {strides = array<i32>} : memref<2x40x128xf32, #tpu.memory_space<vmem>>, vector<1x1x16xf32>,
        %parallel_loop3A_551 = vector.shape_cast %parallel_loop3A_550 : vector<1x1x16xf32> to vector<16xf32>
        %parallel_loop3A_552 = arith.mulf %parallel_loop3A_545, %parallel_loop3A_551 : vector<16xf32>
        %parallel_loop3A_553 = arith.index_cast %parallel_loop3A_539 : i32 to index
        %parallel_loop3A_554 = arith.constant 0 : index
        %parallel_loop3A_555 = tpu.vector_load %arg12[%parallel_loop3A_553, %parallel_loop3A_554] {strides = array<i32>} : memref<80x128xf32, #tpu.memory_space<vmem>>, vector<1x16xf32>,
        %parallel_loop3A_556 = vector.shape_cast %parallel_loop3A_555 : vector<1x16xf32> to vector<16xf32>
        %parallel_loop3A_557 = vector.shape_cast %parallel_loop3A_552 : vector<16xf32> to vector<1x16xf32>
        tpu.vector_store %arg12[%parallel_loop3A_553, %parallel_loop3A_554], %parallel_loop3A_557 {strides = array<i32>} : memref<80x128xf32, #tpu.memory_space<vmem>>, vector<1x16xf32>,
        %parallel_loop3A_558 = arith.constant 2 : i32
        %parallel_loop3A_559 = arith.muli %parallel_loop3A_558, %parallel_loop3A_535 : i32
        %parallel_loop3A_560 = arith.constant 0 : i32
        %parallel_loop3A_561 = arith.addi %parallel_loop3A_559, %parallel_loop3A_560 : i32
        %parallel_loop3A_562 = arith.constant 0 : i32
        %parallel_loop3A_563 = arith.index_cast %parallel_loop3A_562 : i32 to index
        %parallel_loop3A_564 = arith.index_cast %parallel_loop3A_561 : i32 to index
        %parallel_loop3A_565 = arith.constant 16 : index
        %parallel_loop3A_566 = tpu.vector_load %arg11[%parallel_loop3A_563, %parallel_loop3A_564, %parallel_loop3A_565] {strides = array<i32>} : memref<2x80x128xf32, #tpu.memory_space<vmem>>, vector<1x1x16xf32>,
        %parallel_loop3A_567 = vector.shape_cast %parallel_loop3A_566 : vector<1x1x16xf32> to vector<16xf32>
        %parallel_loop3A_568 = arith.constant 0 : i32
        %parallel_loop3A_569 = arith.index_cast %parallel_loop3A_568 : i32 to index
        %parallel_loop3A_570 = arith.index_cast %parallel_loop3A_535 : i32 to index
        %parallel_loop3A_571 = arith.constant 16 : index
        %parallel_loop3A_572 = tpu.vector_load %arg10[%parallel_loop3A_569, %parallel_loop3A_570, %parallel_loop3A_571] {strides = array<i32>} : memref<2x40x128xf32, #tpu.memory_space<vmem>>, vector<1x1x16xf32>,
        %parallel_loop3A_573 = vector.shape_cast %parallel_loop3A_572 : vector<1x1x16xf32> to vector<16xf32>
        %parallel_loop3A_574 = arith.mulf %parallel_loop3A_567, %parallel_loop3A_573 : vector<16xf32>
        %parallel_loop3A_575 = arith.index_cast %parallel_loop3A_561 : i32 to index
        %parallel_loop3A_576 = arith.constant 16 : index
        %parallel_loop3A_577 = tpu.vector_load %arg12[%parallel_loop3A_575, %parallel_loop3A_576] {strides = array<i32>} : memref<80x128xf32, #tpu.memory_space<vmem>>, vector<1x16xf32>,
        %parallel_loop3A_578 = vector.shape_cast %parallel_loop3A_577 : vector<1x16xf32> to vector<16xf32>
        %parallel_loop3A_579 = vector.shape_cast %parallel_loop3A_574 : vector<16xf32> to vector<1x16xf32>
        tpu.vector_store %arg12[%parallel_loop3A_575, %parallel_loop3A_576], %parallel_loop3A_579 {strides = array<i32>} : memref<80x128xf32, #tpu.memory_space<vmem>>, vector<1x16xf32>,
        %parallel_loop3A_580 = arith.constant 2 : i32
        %parallel_loop3A_581 = arith.muli %parallel_loop3A_580, %parallel_loop3A_535 : i32
        %parallel_loop3A_582 = arith.constant 0 : i32
        %parallel_loop3A_583 = arith.addi %parallel_loop3A_581, %parallel_loop3A_582 : i32
        %parallel_loop3A_584 = arith.constant 0 : i32
        %parallel_loop3A_585 = arith.index_cast %parallel_loop3A_584 : i32 to index
        %parallel_loop3A_586 = arith.index_cast %parallel_loop3A_583 : i32 to index
        %parallel_loop3A_587 = arith.constant 32 : index
        %parallel_loop3A_588 = tpu.vector_load %arg11[%parallel_loop3A_585, %parallel_loop3A_586, %parallel_loop3A_587] {strides = array<i32>} : memref<2x80x128xf32, #tpu.memory_space<vmem>>, vector<1x1x16xf32>,
        %parallel_loop3A_589 = vector.shape_cast %parallel_loop3A_588 : vector<1x1x16xf32> to vector<16xf32>
        %parallel_loop3A_590 = arith.constant 0 : i32
        %parallel_loop3A_591 = arith.index_cast %parallel_loop3A_590 : i32 to index
        %parallel_loop3A_592 = arith.index_cast %parallel_loop3A_535 : i32 to index
        %parallel_loop3A_593 = arith.constant 32 : index
        %parallel_loop3A_594 = tpu.vector_load %arg10[%parallel_loop3A_591, %parallel_loop3A_592, %parallel_loop3A_593] {strides = array<i32>} : memref<2x40x128xf32, #tpu.memory_space<vmem>>, vector<1x1x16xf32>,
        %parallel_loop3A_595 = vector.shape_cast %parallel_loop3A_594 : vector<1x1x16xf32> to vector<16xf32>
        %parallel_loop3A_596 = arith.mulf %parallel_loop3A_589, %parallel_loop3A_595 : vector<16xf32>
        %parallel_loop3A_597 = arith.index_cast %parallel_loop3A_583 : i32 to index
        %parallel_loop3A_598 = arith.constant 32 : index
        %parallel_loop3A_599 = tpu.vector_load %arg12[%parallel_loop3A_597, %parallel_loop3A_598] {strides = array<i32>} : memref<80x128xf32, #tpu.memory_space<vmem>>, vector<1x16xf32>,
        %parallel_loop3A_600 = vector.shape_cast %parallel_loop3A_599 : vector<1x16xf32> to vector<16xf32>
        %parallel_loop3A_601 = vector.shape_cast %parallel_loop3A_596 : vector<16xf32> to vector<1x16xf32>
        tpu.vector_store %arg12[%parallel_loop3A_597, %parallel_loop3A_598], %parallel_loop3A_601 {strides = array<i32>} : memref<80x128xf32, #tpu.memory_space<vmem>>, vector<1x16xf32>,
        %parallel_loop3A_602 = arith.constant 2 : i32
        %parallel_loop3A_603 = arith.muli %parallel_loop3A_602, %parallel_loop3A_535 : i32
        %parallel_loop3A_604 = arith.constant 0 : i32
        %parallel_loop3A_605 = arith.addi %parallel_loop3A_603, %parallel_loop3A_604 : i32
        %parallel_loop3A_606 = arith.constant 0 : i32
        %parallel_loop3A_607 = arith.index_cast %parallel_loop3A_606 : i32 to index
        %parallel_loop3A_608 = arith.index_cast %parallel_loop3A_605 : i32 to index
        %parallel_loop3A_609 = arith.constant 48 : index
        %parallel_loop3A_610 = tpu.vector_load %arg11[%parallel_loop3A_607, %parallel_loop3A_608, %parallel_loop3A_609] {strides = array<i32>} : memref<2x80x128xf32, #tpu.memory_space<vmem>>, vector<1x1x16xf32>,
        %parallel_loop3A_611 = vector.shape_cast %parallel_loop3A_610 : vector<1x1x16xf32> to vector<16xf32>
        %parallel_loop3A_612 = arith.constant 0 : i32
        %parallel_loop3A_613 = arith.index_cast %parallel_loop3A_612 : i32 to index
        %parallel_loop3A_614 = arith.index_cast %parallel_loop3A_535 : i32 to index
        %parallel_loop3A_615 = arith.constant 48 : index
        %parallel_loop3A_616 = tpu.vector_load %arg10[%parallel_loop3A_613, %parallel_loop3A_614, %parallel_loop3A_615] {strides = array<i32>} : memref<2x40x128xf32, #tpu.memory_space<vmem>>, vector<1x1x16xf32>,
        %parallel_loop3A_617 = vector.shape_cast %parallel_loop3A_616 : vector<1x1x16xf32> to vector<16xf32>
        %parallel_loop3A_618 = arith.mulf %parallel_loop3A_611, %parallel_loop3A_617 : vector<16xf32>
        %parallel_loop3A_619 = arith.index_cast %parallel_loop3A_605 : i32 to index
        %parallel_loop3A_620 = arith.constant 48 : index
        %parallel_loop3A_621 = tpu.vector_load %arg12[%parallel_loop3A_619, %parallel_loop3A_620] {strides = array<i32>} : memref<80x128xf32, #tpu.memory_space<vmem>>, vector<1x16xf32>,
        %parallel_loop3A_622 = vector.shape_cast %parallel_loop3A_621 : vector<1x16xf32> to vector<16xf32>
        %parallel_loop3A_623 = vector.shape_cast %parallel_loop3A_618 : vector<16xf32> to vector<1x16xf32>
        tpu.vector_store %arg12[%parallel_loop3A_619, %parallel_loop3A_620], %parallel_loop3A_623 {strides = array<i32>} : memref<80x128xf32, #tpu.memory_space<vmem>>, vector<1x16xf32>,
        %parallel_loop3A_624 = arith.constant 2 : i32
        %parallel_loop3A_625 = arith.muli %parallel_loop3A_624, %parallel_loop3A_535 : i32
        %parallel_loop3A_626 = arith.constant 1 : i32
        %parallel_loop3A_627 = arith.addi %parallel_loop3A_625, %parallel_loop3A_626 : i32
        %parallel_loop3A_628 = arith.constant 0 : i32
        %parallel_loop3A_629 = arith.index_cast %parallel_loop3A_628 : i32 to index
        %parallel_loop3A_630 = arith.index_cast %parallel_loop3A_627 : i32 to index
        %parallel_loop3A_631 = arith.constant 0 : index
        %parallel_loop3A_632 = tpu.vector_load %arg11[%parallel_loop3A_629, %parallel_loop3A_630, %parallel_loop3A_631] {strides = array<i32>} : memref<2x80x128xf32, #tpu.memory_space<vmem>>, vector<1x1x16xf32>,
        %parallel_loop3A_633 = vector.shape_cast %parallel_loop3A_632 : vector<1x1x16xf32> to vector<16xf32>
        %parallel_loop3A_634 = arith.constant 0 : i32
        %parallel_loop3A_635 = arith.index_cast %parallel_loop3A_634 : i32 to index
        %parallel_loop3A_636 = arith.index_cast %parallel_loop3A_535 : i32 to index
        %parallel_loop3A_637 = arith.constant 64 : index
        %parallel_loop3A_638 = tpu.vector_load %arg10[%parallel_loop3A_635, %parallel_loop3A_636, %parallel_loop3A_637] {strides = array<i32>} : memref<2x40x128xf32, #tpu.memory_space<vmem>>, vector<1x1x16xf32>,
        %parallel_loop3A_639 = vector.shape_cast %parallel_loop3A_638 : vector<1x1x16xf32> to vector<16xf32>
        %parallel_loop3A_640 = arith.mulf %parallel_loop3A_633, %parallel_loop3A_639 : vector<16xf32>
        %parallel_loop3A_641 = arith.index_cast %parallel_loop3A_627 : i32 to index
        %parallel_loop3A_642 = arith.constant 0 : index
        %parallel_loop3A_643 = tpu.vector_load %arg12[%parallel_loop3A_641, %parallel_loop3A_642] {strides = array<i32>} : memref<80x128xf32, #tpu.memory_space<vmem>>, vector<1x16xf32>,
        %parallel_loop3A_644 = vector.shape_cast %parallel_loop3A_643 : vector<1x16xf32> to vector<16xf32>
        %parallel_loop3A_645 = vector.shape_cast %parallel_loop3A_640 : vector<16xf32> to vector<1x16xf32>
        tpu.vector_store %arg12[%parallel_loop3A_641, %parallel_loop3A_642], %parallel_loop3A_645 {strides = array<i32>} : memref<80x128xf32, #tpu.memory_space<vmem>>, vector<1x16xf32>,
        %parallel_loop3A_646 = arith.constant 2 : i32
        %parallel_loop3A_647 = arith.muli %parallel_loop3A_646, %parallel_loop3A_535 : i32
        %parallel_loop3A_648 = arith.constant 1 : i32
        %parallel_loop3A_649 = arith.addi %parallel_loop3A_647, %parallel_loop3A_648 : i32
        %parallel_loop3A_650 = arith.constant 0 : i32
        %parallel_loop3A_651 = arith.index_cast %parallel_loop3A_650 : i32 to index
        %parallel_loop3A_652 = arith.index_cast %parallel_loop3A_649 : i32 to index
        %parallel_loop3A_653 = arith.constant 16 : index
        %parallel_loop3A_654 = tpu.vector_load %arg11[%parallel_loop3A_651, %parallel_loop3A_652, %parallel_loop3A_653] {strides = array<i32>} : memref<2x80x128xf32, #tpu.memory_space<vmem>>, vector<1x1x16xf32>,
        %parallel_loop3A_655 = vector.shape_cast %parallel_loop3A_654 : vector<1x1x16xf32> to vector<16xf32>
        %parallel_loop3A_656 = arith.constant 0 : i32
        %parallel_loop3A_657 = arith.index_cast %parallel_loop3A_656 : i32 to index
        %parallel_loop3A_658 = arith.index_cast %parallel_loop3A_535 : i32 to index
        %parallel_loop3A_659 = arith.constant 80 : index
        %parallel_loop3A_660 = tpu.vector_load %arg10[%parallel_loop3A_657, %parallel_loop3A_658, %parallel_loop3A_659] {strides = array<i32>} : memref<2x40x128xf32, #tpu.memory_space<vmem>>, vector<1x1x16xf32>,
        %parallel_loop3A_661 = vector.shape_cast %parallel_loop3A_660 : vector<1x1x16xf32> to vector<16xf32>
        %parallel_loop3A_662 = arith.mulf %parallel_loop3A_655, %parallel_loop3A_661 : vector<16xf32>
        %parallel_loop3A_663 = arith.index_cast %parallel_loop3A_649 : i32 to index
        %parallel_loop3A_664 = arith.constant 16 : index
        %parallel_loop3A_665 = tpu.vector_load %arg12[%parallel_loop3A_663, %parallel_loop3A_664] {strides = array<i32>} : memref<80x128xf32, #tpu.memory_space<vmem>>, vector<1x16xf32>,
        %parallel_loop3A_666 = vector.shape_cast %parallel_loop3A_665 : vector<1x16xf32> to vector<16xf32>
        %parallel_loop3A_667 = vector.shape_cast %parallel_loop3A_662 : vector<16xf32> to vector<1x16xf32>
        tpu.vector_store %arg12[%parallel_loop3A_663, %parallel_loop3A_664], %parallel_loop3A_667 {strides = array<i32>} : memref<80x128xf32, #tpu.memory_space<vmem>>, vector<1x16xf32>,
        %parallel_loop3A_668 = arith.constant 2 : i32
        %parallel_loop3A_669 = arith.muli %parallel_loop3A_668, %parallel_loop3A_535 : i32
        %parallel_loop3A_670 = arith.constant 1 : i32
        %parallel_loop3A_671 = arith.addi %parallel_loop3A_669, %parallel_loop3A_670 : i32
        %parallel_loop3A_672 = arith.constant 0 : i32
        %parallel_loop3A_673 = arith.index_cast %parallel_loop3A_672 : i32 to index
        %parallel_loop3A_674 = arith.index_cast %parallel_loop3A_671 : i32 to index
        %parallel_loop3A_675 = arith.constant 32 : index
        %parallel_loop3A_676 = tpu.vector_load %arg11[%parallel_loop3A_673, %parallel_loop3A_674, %parallel_loop3A_675] {strides = array<i32>} : memref<2x80x128xf32, #tpu.memory_space<vmem>>, vector<1x1x16xf32>,
        %parallel_loop3A_677 = vector.shape_cast %parallel_loop3A_676 : vector<1x1x16xf32> to vector<16xf32>
        %parallel_loop3A_678 = arith.constant 0 : i32
        %parallel_loop3A_679 = arith.index_cast %parallel_loop3A_678 : i32 to index
        %parallel_loop3A_680 = arith.index_cast %parallel_loop3A_535 : i32 to index
        %parallel_loop3A_681 = arith.constant 96 : index
        %parallel_loop3A_682 = tpu.vector_load %arg10[%parallel_loop3A_679, %parallel_loop3A_680, %parallel_loop3A_681] {strides = array<i32>} : memref<2x40x128xf32, #tpu.memory_space<vmem>>, vector<1x1x16xf32>,
        %parallel_loop3A_683 = vector.shape_cast %parallel_loop3A_682 : vector<1x1x16xf32> to vector<16xf32>
        %parallel_loop3A_684 = arith.mulf %parallel_loop3A_677, %parallel_loop3A_683 : vector<16xf32>
        %parallel_loop3A_685 = arith.index_cast %parallel_loop3A_671 : i32 to index
        %parallel_loop3A_686 = arith.constant 32 : index
        %parallel_loop3A_687 = tpu.vector_load %arg12[%parallel_loop3A_685, %parallel_loop3A_686] {strides = array<i32>} : memref<80x128xf32, #tpu.memory_space<vmem>>, vector<1x16xf32>,
        %parallel_loop3A_688 = vector.shape_cast %parallel_loop3A_687 : vector<1x16xf32> to vector<16xf32>
        %parallel_loop3A_689 = vector.shape_cast %parallel_loop3A_684 : vector<16xf32> to vector<1x16xf32>
        tpu.vector_store %arg12[%parallel_loop3A_685, %parallel_loop3A_686], %parallel_loop3A_689 {strides = array<i32>} : memref<80x128xf32, #tpu.memory_space<vmem>>, vector<1x16xf32>,
        %parallel_loop3A_690 = arith.constant 2 : i32
        %parallel_loop3A_691 = arith.muli %parallel_loop3A_690, %parallel_loop3A_535 : i32
        %parallel_loop3A_692 = arith.constant 1 : i32
        %parallel_loop3A_693 = arith.addi %parallel_loop3A_691, %parallel_loop3A_692 : i32
        %parallel_loop3A_694 = arith.constant 0 : i32
        %parallel_loop3A_695 = arith.index_cast %parallel_loop3A_694 : i32 to index
        %parallel_loop3A_696 = arith.index_cast %parallel_loop3A_693 : i32 to index
        %parallel_loop3A_697 = arith.constant 48 : index
        %parallel_loop3A_698 = tpu.vector_load %arg11[%parallel_loop3A_695, %parallel_loop3A_696, %parallel_loop3A_697] {strides = array<i32>} : memref<2x80x128xf32, #tpu.memory_space<vmem>>, vector<1x1x16xf32>,
        %parallel_loop3A_699 = vector.shape_cast %parallel_loop3A_698 : vector<1x1x16xf32> to vector<16xf32>
        %parallel_loop3A_700 = arith.constant 0 : i32
        %parallel_loop3A_701 = arith.index_cast %parallel_loop3A_700 : i32 to index
        %parallel_loop3A_702 = arith.index_cast %parallel_loop3A_535 : i32 to index
        %parallel_loop3A_703 = arith.constant 112 : index
        %parallel_loop3A_704 = tpu.vector_load %arg10[%parallel_loop3A_701, %parallel_loop3A_702, %parallel_loop3A_703] {strides = array<i32>} : memref<2x40x128xf32, #tpu.memory_space<vmem>>, vector<1x1x16xf32>,
        %parallel_loop3A_705 = vector.shape_cast %parallel_loop3A_704 : vector<1x1x16xf32> to vector<16xf32>
        %parallel_loop3A_706 = arith.mulf %parallel_loop3A_699, %parallel_loop3A_705 : vector<16xf32>
        %parallel_loop3A_707 = arith.index_cast %parallel_loop3A_693 : i32 to index
        %parallel_loop3A_708 = arith.constant 48 : index
        %parallel_loop3A_709 = tpu.vector_load %arg12[%parallel_loop3A_707, %parallel_loop3A_708] {strides = array<i32>} : memref<80x128xf32, #tpu.memory_space<vmem>>, vector<1x16xf32>,
        %parallel_loop3A_710 = vector.shape_cast %parallel_loop3A_709 : vector<1x16xf32> to vector<16xf32>
        %parallel_loop3A_711 = vector.shape_cast %parallel_loop3A_706 : vector<16xf32> to vector<1x16xf32>
        tpu.vector_store %arg12[%parallel_loop3A_707, %parallel_loop3A_708], %parallel_loop3A_711 {strides = array<i32>} : memref<80x128xf32, #tpu.memory_space<vmem>>, vector<1x16xf32>,
      } {sc.loop_unroll_factor = 4 : i64, sc.parallel_access}
      %jit3A_228 = arith.constant 8 : i32
      %div3A_229 = arith.divsi %mul3A_143, %jit3A_228 : i32
      %sign3A_230 = arith.constant 0 : i32
      %sign3A_231 = arith.cmpi sgt, %mul3A_143, %sign3A_230 : i32
      %sign3A_232 = arith.extui %sign3A_231 : i1 to i32
      %sign3A_233 = arith.constant 0 : i32
      %sign3A_234 = arith.cmpi slt, %mul3A_143, %sign3A_233 : i32
      %sign3A_235 = arith.extui %sign3A_234 : i1 to i32
      %sign3A_236 = arith.subi %sign3A_232, %sign3A_235 : i32
      %sign3A_237 = arith.constant 0 : i32
      %sign3A_238 = arith.cmpi sgt, %jit3A_228, %sign3A_237 : i32
      %sign3A_239 = arith.extui %sign3A_238 : i1 to i32
      %sign3A_240 = arith.constant 0 : i32
      %sign3A_241 = arith.cmpi slt, %jit3A_228, %sign3A_240 : i32
      %sign3A_242 = arith.extui %sign3A_241 : i1 to i32
      %sign3A_243 = arith.subi %sign3A_239, %sign3A_242 : i32
      %ne3A_244 = arith.cmpi ne, %sign3A_236, %sign3A_243 : i32
      %rem3A_245 = arith.remsi %mul3A_143, %jit3A_228 : i32
      %ne3A_246 = arith.constant 0 : i32
      %ne3A_247 = arith.cmpi ne, %rem3A_245, %ne3A_246 : i32
      %and3A_248 = arith.andi %ne3A_244, %ne3A_247 : i1
      %sub3A_249 = arith.constant 1 : i32
      %sub3A_250 = arith.subi %div3A_229, %sub3A_249 : i32
      %select_n3A_251 = arith.select %and3A_248, %sub3A_250, %div3A_229 : i32
      %jit3A_252 = arith.constant 2 : i32
      %eq3A_253 = arith.constant 0 : i32
      %eq3A_254 = arith.cmpi eq, %jit3A_252, %eq3A_253 : i32
      %jit3A_255 = arith.constant 1 : i32
      %select_n3A_256 = arith.select %eq3A_254, %jit3A_255, %jit3A_252 : i32
      %rem3A_257 = arith.remsi %select_n3A_251, %select_n3A_256 : i32
      %ne3A_258 = arith.constant 0 : i32
      %ne3A_259 = arith.cmpi ne, %rem3A_257, %ne3A_258 : i32
      %lt3A_260 = arith.constant 0 : i32
      %lt3A_261 = arith.cmpi slt, %rem3A_257, %lt3A_260 : i32
      %lt3A_262 = arith.constant 0 : i32
      %lt3A_263 = arith.cmpi slt, %select_n3A_256, %lt3A_262 : i32
      %ne3A_264 = arith.xori %lt3A_261, %lt3A_263 : i1
      %and3A_265 = arith.andi %ne3A_264, %ne3A_259 : i1
      %add3A_266 = arith.addi %rem3A_257, %select_n3A_256 : i32
      %select_n3A_267 = arith.select %and3A_265, %add3A_266, %rem3A_257 : i32
      %mul3A_268 = arith.constant 8 : i32
      %mul3A_269 = arith.muli %select_n3A_267, %mul3A_268 : i32
      %jit3A_270 = arith.constant 8 : i32
      %eq3A_271 = arith.constant 0 : i32
      %eq3A_272 = arith.cmpi eq, %jit3A_270, %eq3A_271 : i32
      %jit3A_273 = arith.constant 1 : i32
      %select_n3A_274 = arith.select %eq3A_272, %jit3A_273, %jit3A_270 : i32
      %rem3A_275 = arith.remsi %mul3A_143, %select_n3A_274 : i32
      %ne3A_276 = arith.constant 0 : i32
      %ne3A_277 = arith.cmpi ne, %rem3A_275, %ne3A_276 : i32
      %lt3A_278 = arith.constant 0 : i32
      %lt3A_279 = arith.cmpi slt, %rem3A_275, %lt3A_278 : i32
      %lt3A_280 = arith.constant 0 : i32
      %lt3A_281 = arith.cmpi slt, %select_n3A_274, %lt3A_280 : i32
      %ne3A_282 = arith.xori %lt3A_279, %lt3A_281 : i1
      %and3A_283 = arith.andi %ne3A_282, %ne3A_277 : i1
      %add3A_284 = arith.addi %rem3A_275, %select_n3A_274 : i32
      %select_n3A_285 = arith.select %and3A_283, %add3A_284, %rem3A_275 : i32
      %add3A_286 = arith.addi %mul3A_269, %select_n3A_285 : i32
      %dma_start3A_287 = arith.constant 0 : i32
      %dma_start3A_288 = tpu.memref_slice %arg9[%add3A_286, %dma_start3A_287] : memref<16x80xi32, #tpu.memory_space<vmem>> -> memref<1x80xi32, #tpu.memory_space<vmem>>
      %dma_start3A_289 = tpu.memref_squeeze %dma_start3A_288 : memref<1x80xi32, #tpu.memory_space<vmem>> -> memref<80xi32, #tpu.memory_space<vmem>>
      %dma_start3A_290 = arith.constant 0 : i32
      %dma_start3A_291 = arith.constant 0 : i32
      %dma_start3A_292 = tpu.memref_slice %arg7[%dma_start3A_290, %dma_start3A_291] : memref<10112x128xf32, #tpu.memory_space<vmem_shared>> -> memref<10112x128xf32, #tpu.memory_space<vmem_shared>>
      tpu.enqueue_indirect_dma source(%arg12 : memref<80x128xf32, #tpu.memory_space<vmem>>) target(%dma_start3A_292 : memref<10112x128xf32, #tpu.memory_space<vmem_shared>>) offsets(%dma_start3A_289 : memref<80xi32, #tpu.memory_space<vmem>>) semaphore(%arg17 : memref<!tpu.dma_semaphore, #tpu.memory_space<semaphore_mem>>) {add = true}
      %add3A_293 = arith.constant 2 : i32
      %add3A_294 = arith.addi %mul3A_143, %add3A_293 : i32
      %lt3A_295 = arith.constant 125 : i32
      %lt3A_296 = arith.cmpi slt, %add3A_294, %lt3A_295 : i32
      %convert_element_type3A_297 = arith.extui %lt3A_296 : i1 to i32
      %cond3A_298 = arith.constant 0 : i32
      %cond3A_299 = arith.cmpi ne, %convert_element_type3A_297, %cond3A_298 : i32
      scf.if %cond3A_299 {
        %jit3A_535 = arith.constant 8 : i32
        %eq3A_536 = arith.constant 0 : i32
        %eq3A_537 = arith.cmpi eq, %jit3A_535, %eq3A_536 : i32
        %jit3A_538 = arith.constant 1 : i32
        %select_n3A_539 = arith.select %eq3A_537, %jit3A_538, %jit3A_535 : i32
        %rem3A_540 = arith.remsi %add3A_294, %select_n3A_539 : i32
        %ne3A_541 = arith.constant 0 : i32
        %ne3A_542 = arith.cmpi ne, %rem3A_540, %ne3A_541 : i32
        %lt3A_543 = arith.constant 0 : i32
        %lt3A_544 = arith.cmpi slt, %rem3A_540, %lt3A_543 : i32
        %lt3A_545 = arith.constant 0 : i32
        %lt3A_546 = arith.cmpi slt, %select_n3A_539, %lt3A_545 : i32
        %ne3A_547 = arith.xori %lt3A_544, %lt3A_546 : i1
        %and3A_548 = arith.andi %ne3A_547, %ne3A_542 : i1
        %add3A_549 = arith.addi %rem3A_540, %select_n3A_539 : i32
        %select_n3A_550 = arith.select %and3A_548, %add3A_549, %rem3A_540 : i32
        %eq3A_551 = arith.constant 0 : i32
        %eq3A_552 = arith.cmpi eq, %select_n3A_550, %eq3A_551 : i32
        %convert_element_type3A_553 = arith.extui %eq3A_552 : i1 to i32
        %cond3A_554 = arith.constant 0 : i32
        %cond3A_555 = arith.cmpi ne, %convert_element_type3A_553, %cond3A_554 : i32
        scf.if %cond3A_555 {
          %jit3A_645 = arith.constant 8 : i32
          %div3A_646 = arith.divsi %add3A_294, %jit3A_645 : i32
          %sign3A_647 = arith.constant 0 : i32
          %sign3A_648 = arith.cmpi sgt, %add3A_294, %sign3A_647 : i32
          %sign3A_649 = arith.extui %sign3A_648 : i1 to i32
          %sign3A_650 = arith.constant 0 : i32
          %sign3A_651 = arith.cmpi slt, %add3A_294, %sign3A_650 : i32
          %sign3A_652 = arith.extui %sign3A_651 : i1 to i32
          %sign3A_653 = arith.subi %sign3A_649, %sign3A_652 : i32
          %sign3A_654 = arith.constant 0 : i32
          %sign3A_655 = arith.cmpi sgt, %jit3A_645, %sign3A_654 : i32
          %sign3A_656 = arith.extui %sign3A_655 : i1 to i32
          %sign3A_657 = arith.constant 0 : i32
          %sign3A_658 = arith.cmpi slt, %jit3A_645, %sign3A_657 : i32
          %sign3A_659 = arith.extui %sign3A_658 : i1 to i32
          %sign3A_660 = arith.subi %sign3A_656, %sign3A_659 : i32
          %ne3A_661 = arith.cmpi ne, %sign3A_653, %sign3A_660 : i32
          %rem3A_662 = arith.remsi %add3A_294, %jit3A_645 : i32
          %ne3A_663 = arith.constant 0 : i32
          %ne3A_664 = arith.cmpi ne, %rem3A_662, %ne3A_663 : i32
          %and3A_665 = arith.andi %ne3A_661, %ne3A_664 : i1
          %sub3A_666 = arith.constant 1 : i32
          %sub3A_667 = arith.subi %div3A_646, %sub3A_666 : i32
          %select_n3A_668 = arith.select %and3A_665, %sub3A_667, %div3A_646 : i32
          %mul3A_669 = arith.constant 8 : i32
          %mul3A_670 = arith.muli %select_n3A_668, %mul3A_669 : i32
          %multiple_of3A_671 = tpu.assume_multiple %mul3A_670, 8 : i32
          %jit3A_672 = arith.constant 8 : i32
          %div3A_673 = arith.divsi %add3A_294, %jit3A_672 : i32
          %sign3A_674 = arith.constant 0 : i32
          %sign3A_675 = arith.cmpi sgt, %add3A_294, %sign3A_674 : i32
          %sign3A_676 = arith.extui %sign3A_675 : i1 to i32
          %sign3A_677 = arith.constant 0 : i32
          %sign3A_678 = arith.cmpi slt, %add3A_294, %sign3A_677 : i32
          %sign3A_679 = arith.extui %sign3A_678 : i1 to i32
          %sign3A_680 = arith.subi %sign3A_676, %sign3A_679 : i32
          %sign3A_681 = arith.constant 0 : i32
          %sign3A_682 = arith.cmpi sgt, %jit3A_672, %sign3A_681 : i32
          %sign3A_683 = arith.extui %sign3A_682 : i1 to i32
          %sign3A_684 = arith.constant 0 : i32
          %sign3A_685 = arith.cmpi slt, %jit3A_672, %sign3A_684 : i32
          %sign3A_686 = arith.extui %sign3A_685 : i1 to i32
          %sign3A_687 = arith.subi %sign3A_683, %sign3A_686 : i32
          %ne3A_688 = arith.cmpi ne, %sign3A_680, %sign3A_687 : i32
          %rem3A_689 = arith.remsi %add3A_294, %jit3A_672 : i32
          %ne3A_690 = arith.constant 0 : i32
          %ne3A_691 = arith.cmpi ne, %rem3A_689, %ne3A_690 : i32
          %and3A_692 = arith.andi %ne3A_688, %ne3A_691 : i1
          %sub3A_693 = arith.constant 1 : i32
          %sub3A_694 = arith.subi %div3A_673, %sub3A_693 : i32
          %select_n3A_695 = arith.select %and3A_692, %sub3A_694, %div3A_673 : i32
          %jit3A_696 = arith.constant 2 : i32
          %eq3A_697 = arith.constant 0 : i32
          %eq3A_698 = arith.cmpi eq, %jit3A_696, %eq3A_697 : i32
          %jit3A_699 = arith.constant 1 : i32
          %select_n3A_700 = arith.select %eq3A_698, %jit3A_699, %jit3A_696 : i32
          %rem3A_701 = arith.remsi %select_n3A_695, %select_n3A_700 : i32
          %ne3A_702 = arith.constant 0 : i32
          %ne3A_703 = arith.cmpi ne, %rem3A_701, %ne3A_702 : i32
          %lt3A_704 = arith.constant 0 : i32
          %lt3A_705 = arith.cmpi slt, %rem3A_701, %lt3A_704 : i32
          %lt3A_706 = arith.constant 0 : i32
          %lt3A_707 = arith.cmpi slt, %select_n3A_700, %lt3A_706 : i32
          %ne3A_708 = arith.xori %lt3A_705, %lt3A_707 : i1
          %and3A_709 = arith.andi %ne3A_708, %ne3A_703 : i1
          %add3A_710 = arith.addi %rem3A_701, %select_n3A_700 : i32
          %select_n3A_711 = arith.select %and3A_709, %add3A_710, %rem3A_701 : i32
          %mul3A_712 = arith.constant 8 : i32
          %mul3A_713 = arith.muli %select_n3A_711, %mul3A_712 : i32
          "tpu.region"() ({
            %run_scoped3A = tpu.sem_alloc : memref<!tpu.dma_semaphore, #tpu.memory_space<semaphore_mem>>
            %dma_start3A_714 = arith.constant 0 : i32
            %dma_start3A_715 = tpu.memref_slice %arg8[%mul3A_713, %dma_start3A_714] : memref<16x80xi32, #tpu.memory_space<vmem>> -> memref<8x80xi32, #tpu.memory_space<vmem>>
            %dma_start3A_716 = arith.constant 0 : i32
            %dma_start3A_717 = tpu.memref_slice %arg4[%add3A, %multiple_of3A_671, %dma_start3A_716] : memref<32x125x80xi32, #tpu.memory_space<hbm>> -> memref<1x8x80xi32, #tpu.memory_space<hbm>>
            %dma_start3A_718 = tpu.memref_squeeze %dma_start3A_717 : memref<1x8x80xi32, #tpu.memory_space<hbm>> -> memref<8x80xi32, #tpu.memory_space<hbm>>
            %dma_start3A_719 = arith.constant 0 : i32
            %dma_start3A_720 = tpu.memref_slice %arg8[%mul3A_713, %dma_start3A_719] : memref<16x80xi32, #tpu.memory_space<vmem>> -> memref<8x80xi32, #tpu.memory_space<vmem>>
            %dma_start3A_721 = arith.constant 0 : i32
            %dma_start3A_722 = tpu.memref_slice %arg4[%add3A, %multiple_of3A_671, %dma_start3A_721] : memref<32x125x80xi32, #tpu.memory_space<hbm>> -> memref<1x8x80xi32, #tpu.memory_space<hbm>>
            %dma_start3A_723 = tpu.memref_squeeze %dma_start3A_722 : memref<1x8x80xi32, #tpu.memory_space<hbm>> -> memref<8x80xi32, #tpu.memory_space<hbm>>
            tpu.enqueue_dma source(%dma_start3A_723 : memref<8x80xi32, #tpu.memory_space<hbm>>) target(%dma_start3A_720 : memref<8x80xi32, #tpu.memory_space<vmem>>) target_semaphore(%run_scoped3A : memref<!tpu.dma_semaphore, #tpu.memory_space<semaphore_mem>>)
            %dma_wait3A_724 = arith.constant 0 : i32
            %dma_wait3A_725 = tpu.memref_slice %arg8[%mul3A_713, %dma_wait3A_724] : memref<16x80xi32, #tpu.memory_space<vmem>> -> memref<8x80xi32, #tpu.memory_space<vmem>>
            %dma_wait3A_726 = arith.constant 0 : i32
            %dma_wait3A_727 = tpu.memref_slice %arg4[%add3A, %multiple_of3A_671, %dma_wait3A_726] : memref<32x125x80xi32, #tpu.memory_space<hbm>> -> memref<1x8x80xi32, #tpu.memory_space<hbm>>
            %dma_wait3A_728 = tpu.memref_squeeze %dma_wait3A_727 : memref<1x8x80xi32, #tpu.memory_space<hbm>> -> memref<8x80xi32, #tpu.memory_space<hbm>>
            %dma_wait3A_729 = arith.constant 0 : i32
            %dma_wait3A_730 = tpu.memref_slice %arg8[%mul3A_713, %dma_wait3A_729] : memref<16x80xi32, #tpu.memory_space<vmem>> -> memref<8x80xi32, #tpu.memory_space<vmem>>
            %dma_wait3A_731 = arith.constant 0 : i32
            %dma_wait3A_732 = tpu.memref_slice %arg4[%add3A, %multiple_of3A_671, %dma_wait3A_731] : memref<32x125x80xi32, #tpu.memory_space<hbm>> -> memref<1x8x80xi32, #tpu.memory_space<hbm>>
            %dma_wait3A_733 = tpu.memref_squeeze %dma_wait3A_732 : memref<1x8x80xi32, #tpu.memory_space<hbm>> -> memref<8x80xi32, #tpu.memory_space<hbm>>
            tpu.wait_dma2 semaphore(%run_scoped3A : memref<!tpu.dma_semaphore, #tpu.memory_space<semaphore_mem>>) src(%dma_wait3A_733 : memref<8x80xi32, #tpu.memory_space<hbm>>) dst(%dma_wait3A_730 : memref<8x80xi32, #tpu.memory_space<vmem>>)
            tpu.yield
          }) : () -> ()
          "tpu.region"() ({
            %run_scoped3A = tpu.sem_alloc : memref<!tpu.dma_semaphore, #tpu.memory_space<semaphore_mem>>
            %dma_start3A_714 = arith.constant 0 : i32
            %dma_start3A_715 = tpu.memref_slice %arg9[%mul3A_713, %dma_start3A_714] : memref<16x80xi32, #tpu.memory_space<vmem>> -> memref<8x80xi32, #tpu.memory_space<vmem>>
            %dma_start3A_716 = arith.constant 0 : i32
            %dma_start3A_717 = tpu.memref_slice %arg5[%add3A, %multiple_of3A_671, %dma_start3A_716] : memref<32x125x80xi32, #tpu.memory_space<hbm>> -> memref<1x8x80xi32, #tpu.memory_space<hbm>>
            %dma_start3A_718 = tpu.memref_squeeze %dma_start3A_717 : memref<1x8x80xi32, #tpu.memory_space<hbm>> -> memref<8x80xi32, #tpu.memory_space<hbm>>
            %dma_start3A_719 = arith.constant 0 : i32
            %dma_start3A_720 = tpu.memref_slice %arg9[%mul3A_713, %dma_start3A_719] : memref<16x80xi32, #tpu.memory_space<vmem>> -> memref<8x80xi32, #tpu.memory_space<vmem>>
            %dma_start3A_721 = arith.constant 0 : i32
            %dma_start3A_722 = tpu.memref_slice %arg5[%add3A, %multiple_of3A_671, %dma_start3A_721] : memref<32x125x80xi32, #tpu.memory_space<hbm>> -> memref<1x8x80xi32, #tpu.memory_space<hbm>>
            %dma_start3A_723 = tpu.memref_squeeze %dma_start3A_722 : memref<1x8x80xi32, #tpu.memory_space<hbm>> -> memref<8x80xi32, #tpu.memory_space<hbm>>
            tpu.enqueue_dma source(%dma_start3A_723 : memref<8x80xi32, #tpu.memory_space<hbm>>) target(%dma_start3A_720 : memref<8x80xi32, #tpu.memory_space<vmem>>) target_semaphore(%run_scoped3A : memref<!tpu.dma_semaphore, #tpu.memory_space<semaphore_mem>>)
            %dma_wait3A_724 = arith.constant 0 : i32
            %dma_wait3A_725 = tpu.memref_slice %arg9[%mul3A_713, %dma_wait3A_724] : memref<16x80xi32, #tpu.memory_space<vmem>> -> memref<8x80xi32, #tpu.memory_space<vmem>>
            %dma_wait3A_726 = arith.constant 0 : i32
            %dma_wait3A_727 = tpu.memref_slice %arg5[%add3A, %multiple_of3A_671, %dma_wait3A_726] : memref<32x125x80xi32, #tpu.memory_space<hbm>> -> memref<1x8x80xi32, #tpu.memory_space<hbm>>
            %dma_wait3A_728 = tpu.memref_squeeze %dma_wait3A_727 : memref<1x8x80xi32, #tpu.memory_space<hbm>> -> memref<8x80xi32, #tpu.memory_space<hbm>>
            %dma_wait3A_729 = arith.constant 0 : i32
            %dma_wait3A_730 = tpu.memref_slice %arg9[%mul3A_713, %dma_wait3A_729] : memref<16x80xi32, #tpu.memory_space<vmem>> -> memref<8x80xi32, #tpu.memory_space<vmem>>
            %dma_wait3A_731 = arith.constant 0 : i32
            %dma_wait3A_732 = tpu.memref_slice %arg5[%add3A, %multiple_of3A_671, %dma_wait3A_731] : memref<32x125x80xi32, #tpu.memory_space<hbm>> -> memref<1x8x80xi32, #tpu.memory_space<hbm>>
            %dma_wait3A_733 = tpu.memref_squeeze %dma_wait3A_732 : memref<1x8x80xi32, #tpu.memory_space<hbm>> -> memref<8x80xi32, #tpu.memory_space<hbm>>
            tpu.wait_dma2 semaphore(%run_scoped3A : memref<!tpu.dma_semaphore, #tpu.memory_space<semaphore_mem>>) src(%dma_wait3A_733 : memref<8x80xi32, #tpu.memory_space<hbm>>) dst(%dma_wait3A_730 : memref<8x80xi32, #tpu.memory_space<vmem>>)
            tpu.yield
          }) : () -> ()
        } else {
        }
        %mul3A_556 = arith.constant 5000 : i32
        %mul3A_557 = arith.muli %add3A, %mul3A_556 : i32
        %mul3A_558 = arith.constant 40 : i32
        %mul3A_559 = arith.muli %add3A_294, %mul3A_558 : i32
        %add3A_560 = arith.addi %mul3A_557, %mul3A_559 : i32
        %multiple_of3A_561 = tpu.assume_multiple %add3A_560, 8 : i32
        %dma_start3A_562 = arith.constant 0 : i32
        %dma_start3A_563 = arith.constant 0 : i32
        %dma_start3A_564 = arith.constant 0 : i32
        %dma_start3A_565 = tpu.memref_slice %arg10[%dma_start3A_562, %dma_start3A_563, %dma_start3A_564] : memref<2x40x128xf32, #tpu.memory_space<vmem>> -> memref<1x40x128xf32, #tpu.memory_space<vmem>>
        %dma_start3A_566 = tpu.memref_squeeze %dma_start3A_565 : memref<1x40x128xf32, #tpu.memory_space<vmem>> -> memref<40x128xf32, #tpu.memory_space<vmem>>
        %dma_start3A_567 = arith.constant 0 : i32
        %dma_start3A_568 = tpu.memref_slice %arg3[%multiple_of3A_561, %dma_start3A_567] : memref<160000x128xf32, #tpu.memory_space<hbm>> -> memref<40x128xf32, #tpu.memory_space<hbm>>
        %dma_start3A_569 = arith.constant 0 : i32
        %dma_start3A_570 = arith.constant 0 : i32
        %dma_start3A_571 = tpu.memref_slice %arg10[%dma_start3A_562, %dma_start3A_569, %dma_start3A_570] : memref<2x40x128xf32, #tpu.memory_space<vmem>> -> memref<1x40x128xf32, #tpu.memory_space<vmem>>
        %dma_start3A_572 = tpu.memref_squeeze %dma_start3A_571 : memref<1x40x128xf32, #tpu.memory_space<vmem>> -> memref<40x128xf32, #tpu.memory_space<vmem>>
        %dma_start3A_573 = arith.constant 0 : i32
        %dma_start3A_574 = tpu.memref_slice %arg3[%multiple_of3A_561, %dma_start3A_573] : memref<160000x128xf32, #tpu.memory_space<hbm>> -> memref<40x128xf32, #tpu.memory_space<hbm>>
        tpu.enqueue_dma source(%dma_start3A_574 : memref<40x128xf32, #tpu.memory_space<hbm>>) target(%dma_start3A_572 : memref<40x128xf32, #tpu.memory_space<vmem>>) target_semaphore(%arg13 : memref<!tpu.dma_semaphore, #tpu.memory_space<semaphore_mem>>)
        %jit3A_575 = arith.constant 8 : i32
        %div3A_576 = arith.divsi %add3A_294, %jit3A_575 : i32
        %sign3A_577 = arith.constant 0 : i32
        %sign3A_578 = arith.cmpi sgt, %add3A_294, %sign3A_577 : i32
        %sign3A_579 = arith.extui %sign3A_578 : i1 to i32
        %sign3A_580 = arith.constant 0 : i32
        %sign3A_581 = arith.cmpi slt, %add3A_294, %sign3A_580 : i32
        %sign3A_582 = arith.extui %sign3A_581 : i1 to i32
        %sign3A_583 = arith.subi %sign3A_579, %sign3A_582 : i32
        %sign3A_584 = arith.constant 0 : i32
        %sign3A_585 = arith.cmpi sgt, %jit3A_575, %sign3A_584 : i32
        %sign3A_586 = arith.extui %sign3A_585 : i1 to i32
        %sign3A_587 = arith.constant 0 : i32
        %sign3A_588 = arith.cmpi slt, %jit3A_575, %sign3A_587 : i32
        %sign3A_589 = arith.extui %sign3A_588 : i1 to i32
        %sign3A_590 = arith.subi %sign3A_586, %sign3A_589 : i32
        %ne3A_591 = arith.cmpi ne, %sign3A_583, %sign3A_590 : i32
        %rem3A_592 = arith.remsi %add3A_294, %jit3A_575 : i32
        %ne3A_593 = arith.constant 0 : i32
        %ne3A_594 = arith.cmpi ne, %rem3A_592, %ne3A_593 : i32
        %and3A_595 = arith.andi %ne3A_591, %ne3A_594 : i1
        %sub3A_596 = arith.constant 1 : i32
        %sub3A_597 = arith.subi %div3A_576, %sub3A_596 : i32
        %select_n3A_598 = arith.select %and3A_595, %sub3A_597, %div3A_576 : i32
        %jit3A_599 = arith.constant 2 : i32
        %eq3A_600 = arith.constant 0 : i32
        %eq3A_601 = arith.cmpi eq, %jit3A_599, %eq3A_600 : i32
        %jit3A_602 = arith.constant 1 : i32
        %select_n3A_603 = arith.select %eq3A_601, %jit3A_602, %jit3A_599 : i32
        %rem3A_604 = arith.remsi %select_n3A_598, %select_n3A_603 : i32
        %ne3A_605 = arith.constant 0 : i32
        %ne3A_606 = arith.cmpi ne, %rem3A_604, %ne3A_605 : i32
        %lt3A_607 = arith.constant 0 : i32
        %lt3A_608 = arith.cmpi slt, %rem3A_604, %lt3A_607 : i32
        %lt3A_609 = arith.constant 0 : i32
        %lt3A_610 = arith.cmpi slt, %select_n3A_603, %lt3A_609 : i32
        %ne3A_611 = arith.xori %lt3A_608, %lt3A_610 : i1
        %and3A_612 = arith.andi %ne3A_611, %ne3A_606 : i1
        %add3A_613 = arith.addi %rem3A_604, %select_n3A_603 : i32
        %select_n3A_614 = arith.select %and3A_612, %add3A_613, %rem3A_604 : i32
        %mul3A_615 = arith.constant 8 : i32
        %mul3A_616 = arith.muli %select_n3A_614, %mul3A_615 : i32
        %jit3A_617 = arith.constant 8 : i32
        %eq3A_618 = arith.constant 0 : i32
        %eq3A_619 = arith.cmpi eq, %jit3A_617, %eq3A_618 : i32
        %jit3A_620 = arith.constant 1 : i32
        %select_n3A_621 = arith.select %eq3A_619, %jit3A_620, %jit3A_617 : i32
        %rem3A_622 = arith.remsi %add3A_294, %select_n3A_621 : i32
        %ne3A_623 = arith.constant 0 : i32
        %ne3A_624 = arith.cmpi ne, %rem3A_622, %ne3A_623 : i32
        %lt3A_625 = arith.constant 0 : i32
        %lt3A_626 = arith.cmpi slt, %rem3A_622, %lt3A_625 : i32
        %lt3A_627 = arith.constant 0 : i32
        %lt3A_628 = arith.cmpi slt, %select_n3A_621, %lt3A_627 : i32
        %ne3A_629 = arith.xori %lt3A_626, %lt3A_628 : i1
        %and3A_630 = arith.andi %ne3A_629, %ne3A_624 : i1
        %add3A_631 = arith.addi %rem3A_622, %select_n3A_621 : i32
        %select_n3A_632 = arith.select %and3A_630, %add3A_631, %rem3A_622 : i32
        %add3A_633 = arith.addi %mul3A_616, %select_n3A_632 : i32
        %dma_start3A_634 = arith.constant 0 : i32
        %dma_start3A_635 = arith.constant 0 : i32
        %dma_start3A_636 = arith.constant 0 : i32
        %dma_start3A_637 = tpu.memref_slice %arg11[%dma_start3A_634, %dma_start3A_635, %dma_start3A_636] : memref<2x80x128xf32, #tpu.memory_space<vmem>> -> memref<1x80x128xf32, #tpu.memory_space<vmem>>
        %dma_start3A_638 = tpu.memref_squeeze %dma_start3A_637 : memref<1x80x128xf32, #tpu.memory_space<vmem>> -> memref<80x128xf32, #tpu.memory_space<vmem>>
        %dma_start3A_639 = arith.constant 0 : i32
        %dma_start3A_640 = tpu.memref_slice %arg8[%add3A_633, %dma_start3A_639] : memref<16x80xi32, #tpu.memory_space<vmem>> -> memref<1x80xi32, #tpu.memory_space<vmem>>
        %dma_start3A_641 = tpu.memref_squeeze %dma_start3A_640 : memref<1x80xi32, #tpu.memory_space<vmem>> -> memref<80xi32, #tpu.memory_space<vmem>>
        %dma_start3A_642 = arith.constant 0 : i32
        %dma_start3A_643 = arith.constant 0 : i32
        %dma_start3A_644 = tpu.memref_slice %arg2[%dma_start3A_642, %dma_start3A_643] : memref<10000x128xf32, #tpu.memory_space<hbm>> -> memref<10000x128xf32, #tpu.memory_space<hbm>>
        tpu.enqueue_indirect_dma source(%dma_start3A_644 : memref<10000x128xf32, #tpu.memory_space<hbm>>) target(%dma_start3A_638 : memref<80x128xf32, #tpu.memory_space<vmem>>) offsets(%dma_start3A_641 : memref<80xi32, #tpu.memory_space<vmem>>) semaphore(%arg15 : memref<!tpu.dma_semaphore, #tpu.memory_space<semaphore_mem>>)
      } else {
      }
      %mul3A_300 = arith.constant 2 : i32
      %mul3A_301 = arith.muli %mul3A_300, %scan3A_141 : i32
      %add3A_302 = arith.constant 1 : i32
      %add3A_303 = arith.addi %mul3A_301, %add3A_302 : i32
      %mul3A_304 = arith.constant 5000 : i32
      %mul3A_305 = arith.muli %add3A, %mul3A_304 : i32
      %mul3A_306 = arith.constant 40 : i32
      %mul3A_307 = arith.muli %add3A_303, %mul3A_306 : i32
      %add3A_308 = arith.addi %mul3A_305, %mul3A_307 : i32
      %multiple_of3A_309 = tpu.assume_multiple %add3A_308, 8 : i32
      %dma_wait3A_310 = arith.constant 1 : i32
      %dma_wait3A_311 = arith.constant 0 : i32
      %dma_wait3A_312 = arith.constant 0 : i32
      %dma_wait3A_313 = tpu.memref_slice %arg10[%dma_wait3A_310, %dma_wait3A_311, %dma_wait3A_312] : memref<2x40x128xf32, #tpu.memory_space<vmem>> -> memref<1x40x128xf32, #tpu.memory_space<vmem>>
      %dma_wait3A_314 = tpu.memref_squeeze %dma_wait3A_313 : memref<1x40x128xf32, #tpu.memory_space<vmem>> -> memref<40x128xf32, #tpu.memory_space<vmem>>
      %dma_wait3A_315 = arith.constant 0 : i32
      %dma_wait3A_316 = tpu.memref_slice %arg3[%multiple_of3A_309, %dma_wait3A_315] : memref<160000x128xf32, #tpu.memory_space<hbm>> -> memref<40x128xf32, #tpu.memory_space<hbm>>
      %dma_wait3A_317 = arith.constant 0 : i32
      %dma_wait3A_318 = arith.constant 0 : i32
      %dma_wait3A_319 = tpu.memref_slice %arg10[%dma_wait3A_310, %dma_wait3A_317, %dma_wait3A_318] : memref<2x40x128xf32, #tpu.memory_space<vmem>> -> memref<1x40x128xf32, #tpu.memory_space<vmem>>
      %dma_wait3A_320 = tpu.memref_squeeze %dma_wait3A_319 : memref<1x40x128xf32, #tpu.memory_space<vmem>> -> memref<40x128xf32, #tpu.memory_space<vmem>>
      %dma_wait3A_321 = arith.constant 0 : i32
      %dma_wait3A_322 = tpu.memref_slice %arg3[%multiple_of3A_309, %dma_wait3A_321] : memref<160000x128xf32, #tpu.memory_space<hbm>> -> memref<40x128xf32, #tpu.memory_space<hbm>>
      tpu.wait_dma2 semaphore(%arg14 : memref<!tpu.dma_semaphore, #tpu.memory_space<semaphore_mem>>) src(%dma_wait3A_322 : memref<40x128xf32, #tpu.memory_space<hbm>>) dst(%dma_wait3A_320 : memref<40x128xf32, #tpu.memory_space<vmem>>)
      %jit3A_323 = arith.constant 8 : i32
      %div3A_324 = arith.divsi %add3A_303, %jit3A_323 : i32
      %sign3A_325 = arith.constant 0 : i32
      %sign3A_326 = arith.cmpi sgt, %add3A_303, %sign3A_325 : i32
      %sign3A_327 = arith.extui %sign3A_326 : i1 to i32
      %sign3A_328 = arith.constant 0 : i32
      %sign3A_329 = arith.cmpi slt, %add3A_303, %sign3A_328 : i32
      %sign3A_330 = arith.extui %sign3A_329 : i1 to i32
      %sign3A_331 = arith.subi %sign3A_327, %sign3A_330 : i32
      %sign3A_332 = arith.constant 0 : i32
      %sign3A_333 = arith.cmpi sgt, %jit3A_323, %sign3A_332 : i32
      %sign3A_334 = arith.extui %sign3A_333 : i1 to i32
      %sign3A_335 = arith.constant 0 : i32
      %sign3A_336 = arith.cmpi slt, %jit3A_323, %sign3A_335 : i32
      %sign3A_337 = arith.extui %sign3A_336 : i1 to i32
      %sign3A_338 = arith.subi %sign3A_334, %sign3A_337 : i32
      %ne3A_339 = arith.cmpi ne, %sign3A_331, %sign3A_338 : i32
      %rem3A_340 = arith.remsi %add3A_303, %jit3A_323 : i32
      %ne3A_341 = arith.constant 0 : i32
      %ne3A_342 = arith.cmpi ne, %rem3A_340, %ne3A_341 : i32
      %and3A_343 = arith.andi %ne3A_339, %ne3A_342 : i1
      %sub3A_344 = arith.constant 1 : i32
      %sub3A_345 = arith.subi %div3A_324, %sub3A_344 : i32
      %select_n3A_346 = arith.select %and3A_343, %sub3A_345, %div3A_324 : i32
      %jit3A_347 = arith.constant 2 : i32
      %eq3A_348 = arith.constant 0 : i32
      %eq3A_349 = arith.cmpi eq, %jit3A_347, %eq3A_348 : i32
      %jit3A_350 = arith.constant 1 : i32
      %select_n3A_351 = arith.select %eq3A_349, %jit3A_350, %jit3A_347 : i32
      %rem3A_352 = arith.remsi %select_n3A_346, %select_n3A_351 : i32
      %ne3A_353 = arith.constant 0 : i32
      %ne3A_354 = arith.cmpi ne, %rem3A_352, %ne3A_353 : i32
      %lt3A_355 = arith.constant 0 : i32
      %lt3A_356 = arith.cmpi slt, %rem3A_352, %lt3A_355 : i32
      %lt3A_357 = arith.constant 0 : i32
      %lt3A_358 = arith.cmpi slt, %select_n3A_351, %lt3A_357 : i32
      %ne3A_359 = arith.xori %lt3A_356, %lt3A_358 : i1
      %and3A_360 = arith.andi %ne3A_359, %ne3A_354 : i1
      %add3A_361 = arith.addi %rem3A_352, %select_n3A_351 : i32
      %select_n3A_362 = arith.select %and3A_360, %add3A_361, %rem3A_352 : i32
      %mul3A_363 = arith.constant 8 : i32
      %mul3A_364 = arith.muli %select_n3A_362, %mul3A_363 : i32
      %jit3A_365 = arith.constant 8 : i32
      %eq3A_366 = arith.constant 0 : i32
      %eq3A_367 = arith.cmpi eq, %jit3A_365, %eq3A_366 : i32
      %jit3A_368 = arith.constant 1 : i32
      %select_n3A_369 = arith.select %eq3A_367, %jit3A_368, %jit3A_365 : i32
      %rem3A_370 = arith.remsi %add3A_303, %select_n3A_369 : i32
      %ne3A_371 = arith.constant 0 : i32
      %ne3A_372 = arith.cmpi ne, %rem3A_370, %ne3A_371 : i32
      %lt3A_373 = arith.constant 0 : i32
      %lt3A_374 = arith.cmpi slt, %rem3A_370, %lt3A_373 : i32
      %lt3A_375 = arith.constant 0 : i32
      %lt3A_376 = arith.cmpi slt, %select_n3A_369, %lt3A_375 : i32
      %ne3A_377 = arith.xori %lt3A_374, %lt3A_376 : i1
      %and3A_378 = arith.andi %ne3A_377, %ne3A_372 : i1
      %add3A_379 = arith.addi %rem3A_370, %select_n3A_369 : i32
      %select_n3A_380 = arith.select %and3A_378, %add3A_379, %rem3A_370 : i32
      %add3A_381 = arith.addi %mul3A_364, %select_n3A_380 : i32
      %dma_wait3A_382 = arith.constant 1 : i32
      %dma_wait3A_383 = arith.constant 0 : i32
      %dma_wait3A_384 = arith.constant 0 : i32
      %dma_wait3A_385 = tpu.memref_slice %arg11[%dma_wait3A_382, %dma_wait3A_383, %dma_wait3A_384] : memref<2x80x128xf32, #tpu.memory_space<vmem>> -> memref<1x80x128xf32, #tpu.memory_space<vmem>>
      %dma_wait3A_386 = tpu.memref_squeeze %dma_wait3A_385 : memref<1x80x128xf32, #tpu.memory_space<vmem>> -> memref<80x128xf32, #tpu.memory_space<vmem>>
      %dma_wait3A_387 = arith.constant 0 : i32
      %dma_wait3A_388 = tpu.memref_slice %arg8[%add3A_381, %dma_wait3A_387] : memref<16x80xi32, #tpu.memory_space<vmem>> -> memref<1x80xi32, #tpu.memory_space<vmem>>
      %dma_wait3A_389 = tpu.memref_squeeze %dma_wait3A_388 : memref<1x80xi32, #tpu.memory_space<vmem>> -> memref<80xi32, #tpu.memory_space<vmem>>
      %dma_wait3A_390 = arith.constant 0 : i32
      %dma_wait3A_391 = arith.constant 0 : i32
      %dma_wait3A_392 = tpu.memref_slice %arg2[%dma_wait3A_390, %dma_wait3A_391] : memref<10000x128xf32, #tpu.memory_space<hbm>> -> memref<10000x128xf32, #tpu.memory_space<hbm>>
      tpu.wait_indirect_dma semaphore(%arg16 : memref<!tpu.dma_semaphore, #tpu.memory_space<semaphore_mem>>) src(%dma_wait3A_392 : memref<10000x128xf32, #tpu.memory_space<hbm>>) dst(%dma_wait3A_386 : memref<80x128xf32, #tpu.memory_space<vmem>>)
      %sub3A_393 = arith.constant 1 : i32
      %sub3A_394 = arith.subi %add3A_303, %sub3A_393 : i32
      %jit3A_395 = arith.constant 8 : i32
      %div3A_396 = arith.divsi %sub3A_394, %jit3A_395 : i32
      %sign3A_397 = arith.constant 0 : i32
      %sign3A_398 = arith.cmpi sgt, %sub3A_394, %sign3A_397 : i32
      %sign3A_399 = arith.extui %sign3A_398 : i1 to i32
      %sign3A_400 = arith.constant 0 : i32
      %sign3A_401 = arith.cmpi slt, %sub3A_394, %sign3A_400 : i32
      %sign3A_402 = arith.extui %sign3A_401 : i1 to i32
      %sign3A_403 = arith.subi %sign3A_399, %sign3A_402 : i32
      %sign3A_404 = arith.constant 0 : i32
      %sign3A_405 = arith.cmpi sgt, %jit3A_395, %sign3A_404 : i32
      %sign3A_406 = arith.extui %sign3A_405 : i1 to i32
      %sign3A_407 = arith.constant 0 : i32
      %sign3A_408 = arith.cmpi slt, %jit3A_395, %sign3A_407 : i32
      %sign3A_409 = arith.extui %sign3A_408 : i1 to i32
      %sign3A_410 = arith.subi %sign3A_406, %sign3A_409 : i32
      %ne3A_411 = arith.cmpi ne, %sign3A_403, %sign3A_410 : i32
      %rem3A_412 = arith.remsi %sub3A_394, %jit3A_395 : i32
      %ne3A_413 = arith.constant 0 : i32
      %ne3A_414 = arith.cmpi ne, %rem3A_412, %ne3A_413 : i32
      %and3A_415 = arith.andi %ne3A_411, %ne3A_414 : i1
      %sub3A_416 = arith.constant 1 : i32
      %sub3A_417 = arith.subi %div3A_396, %sub3A_416 : i32
      %select_n3A_418 = arith.select %and3A_415, %sub3A_417, %div3A_396 : i32
      %jit3A_419 = arith.constant 2 : i32
      %eq3A_420 = arith.constant 0 : i32
      %eq3A_421 = arith.cmpi eq, %jit3A_419, %eq3A_420 : i32
      %jit3A_422 = arith.constant 1 : i32
      %select_n3A_423 = arith.select %eq3A_421, %jit3A_422, %jit3A_419 : i32
      %rem3A_424 = arith.remsi %select_n3A_418, %select_n3A_423 : i32
      %ne3A_425 = arith.constant 0 : i32
      %ne3A_426 = arith.cmpi ne, %rem3A_424, %ne3A_425 : i32
      %lt3A_427 = arith.constant 0 : i32
      %lt3A_428 = arith.cmpi slt, %rem3A_424, %lt3A_427 : i32
      %lt3A_429 = arith.constant 0 : i32
      %lt3A_430 = arith.cmpi slt, %select_n3A_423, %lt3A_429 : i32
      %ne3A_431 = arith.xori %lt3A_428, %lt3A_430 : i1
      %and3A_432 = arith.andi %ne3A_431, %ne3A_426 : i1
      %add3A_433 = arith.addi %rem3A_424, %select_n3A_423 : i32
      %select_n3A_434 = arith.select %and3A_432, %add3A_433, %rem3A_424 : i32
      %mul3A_435 = arith.constant 8 : i32
      %mul3A_436 = arith.muli %select_n3A_434, %mul3A_435 : i32
      %jit3A_437 = arith.constant 8 : i32
      %eq3A_438 = arith.constant 0 : i32
      %eq3A_439 = arith.cmpi eq, %jit3A_437, %eq3A_438 : i32
      %jit3A_440 = arith.constant 1 : i32
      %select_n3A_441 = arith.select %eq3A_439, %jit3A_440, %jit3A_437 : i32
      %rem3A_442 = arith.remsi %sub3A_394, %select_n3A_441 : i32
      %ne3A_443 = arith.constant 0 : i32
      %ne3A_444 = arith.cmpi ne, %rem3A_442, %ne3A_443 : i32
      %lt3A_445 = arith.constant 0 : i32
      %lt3A_446 = arith.cmpi slt, %rem3A_442, %lt3A_445 : i32
      %lt3A_447 = arith.constant 0 : i32
      %lt3A_448 = arith.cmpi slt, %select_n3A_441, %lt3A_447 : i32
      %ne3A_449 = arith.xori %lt3A_446, %lt3A_448 : i1
      %and3A_450 = arith.andi %ne3A_449, %ne3A_444 : i1
      %add3A_451 = arith.addi %rem3A_442, %select_n3A_441 : i32
      %select_n3A_452 = arith.select %and3A_450, %add3A_451, %rem3A_442 : i32
      %add3A_453 = arith.addi %mul3A_436, %select_n3A_452 : i32
      %dma_wait3A_454 = arith.constant 0 : i32
      %dma_wait3A_455 = tpu.memref_slice %arg9[%add3A_453, %dma_wait3A_454] : memref<16x80xi32, #tpu.memory_space<vmem>> -> memref<1x80xi32, #tpu.memory_space<vmem>>
      %dma_wait3A_456 = tpu.memref_squeeze %dma_wait3A_455 : memref<1x80xi32, #tpu.memory_space<vmem>> -> memref<80xi32, #tpu.memory_space<vmem>>
      %dma_wait3A_457 = arith.constant 0 : i32
      %dma_wait3A_458 = arith.constant 0 : i32
      %dma_wait3A_459 = tpu.memref_slice %arg7[%dma_wait3A_457, %dma_wait3A_458] : memref<10112x128xf32, #tpu.memory_space<vmem_shared>> -> memref<10112x128xf32, #tpu.memory_space<vmem_shared>>
      tpu.wait_indirect_dma semaphore(%arg17 : memref<!tpu.dma_semaphore, #tpu.memory_space<semaphore_mem>>) src(%arg12 : memref<80x128xf32, #tpu.memory_space<vmem>>) dst(%dma_wait3A_459 : memref<10112x128xf32, #tpu.memory_space<vmem_shared>>)
      %parallel_loop3A_460 = arith.constant 0 : i32
      %parallel_loop3A_461 = arith.constant 40 : i32
      %parallel_loop3A_462 = arith.constant 1 : i32
      scf.for %parallel_loop3A_535 = %parallel_loop3A_460 to %parallel_loop3A_461 step %parallel_loop3A_462  : i32 {
        %parallel_loop3A_536 = arith.constant 2 : i32
        %parallel_loop3A_537 = arith.muli %parallel_loop3A_536, %parallel_loop3A_535 : i32
        %parallel_loop3A_538 = arith.constant 0 : i32
        %parallel_loop3A_539 = arith.addi %parallel_loop3A_537, %parallel_loop3A_538 : i32
        %parallel_loop3A_540 = arith.constant 1 : i32
        %parallel_loop3A_541 = arith.index_cast %parallel_loop3A_540 : i32 to index
        %parallel_loop3A_542 = arith.index_cast %parallel_loop3A_539 : i32 to index
        %parallel_loop3A_543 = arith.constant 0 : index
        %parallel_loop3A_544 = tpu.vector_load %arg11[%parallel_loop3A_541, %parallel_loop3A_542, %parallel_loop3A_543] {strides = array<i32>} : memref<2x80x128xf32, #tpu.memory_space<vmem>>, vector<1x1x16xf32>,
        %parallel_loop3A_545 = vector.shape_cast %parallel_loop3A_544 : vector<1x1x16xf32> to vector<16xf32>
        %parallel_loop3A_546 = arith.constant 1 : i32
        %parallel_loop3A_547 = arith.index_cast %parallel_loop3A_546 : i32 to index
        %parallel_loop3A_548 = arith.index_cast %parallel_loop3A_535 : i32 to index
        %parallel_loop3A_549 = arith.constant 0 : index
        %parallel_loop3A_550 = tpu.vector_load %arg10[%parallel_loop3A_547, %parallel_loop3A_548, %parallel_loop3A_549] {strides = array<i32>} : memref<2x40x128xf32, #tpu.memory_space<vmem>>, vector<1x1x16xf32>,
        %parallel_loop3A_551 = vector.shape_cast %parallel_loop3A_550 : vector<1x1x16xf32> to vector<16xf32>
        %parallel_loop3A_552 = arith.mulf %parallel_loop3A_545, %parallel_loop3A_551 : vector<16xf32>
        %parallel_loop3A_553 = arith.index_cast %parallel_loop3A_539 : i32 to index
        %parallel_loop3A_554 = arith.constant 0 : index
        %parallel_loop3A_555 = tpu.vector_load %arg12[%parallel_loop3A_553, %parallel_loop3A_554] {strides = array<i32>} : memref<80x128xf32, #tpu.memory_space<vmem>>, vector<1x16xf32>,
        %parallel_loop3A_556 = vector.shape_cast %parallel_loop3A_555 : vector<1x16xf32> to vector<16xf32>
        %parallel_loop3A_557 = vector.shape_cast %parallel_loop3A_552 : vector<16xf32> to vector<1x16xf32>
        tpu.vector_store %arg12[%parallel_loop3A_553, %parallel_loop3A_554], %parallel_loop3A_557 {strides = array<i32>} : memref<80x128xf32, #tpu.memory_space<vmem>>, vector<1x16xf32>,
        %parallel_loop3A_558 = arith.constant 2 : i32
        %parallel_loop3A_559 = arith.muli %parallel_loop3A_558, %parallel_loop3A_535 : i32
        %parallel_loop3A_560 = arith.constant 0 : i32
        %parallel_loop3A_561 = arith.addi %parallel_loop3A_559, %parallel_loop3A_560 : i32
        %parallel_loop3A_562 = arith.constant 1 : i32
        %parallel_loop3A_563 = arith.index_cast %parallel_loop3A_562 : i32 to index
        %parallel_loop3A_564 = arith.index_cast %parallel_loop3A_561 : i32 to index
        %parallel_loop3A_565 = arith.constant 16 : index
        %parallel_loop3A_566 = tpu.vector_load %arg11[%parallel_loop3A_563, %parallel_loop3A_564, %parallel_loop3A_565] {strides = array<i32>} : memref<2x80x128xf32, #tpu.memory_space<vmem>>, vector<1x1x16xf32>,
        %parallel_loop3A_567 = vector.shape_cast %parallel_loop3A_566 : vector<1x1x16xf32> to vector<16xf32>
        %parallel_loop3A_568 = arith.constant 1 : i32
        %parallel_loop3A_569 = arith.index_cast %parallel_loop3A_568 : i32 to index
        %parallel_loop3A_570 = arith.index_cast %parallel_loop3A_535 : i32 to index
        %parallel_loop3A_571 = arith.constant 16 : index
        %parallel_loop3A_572 = tpu.vector_load %arg10[%parallel_loop3A_569, %parallel_loop3A_570, %parallel_loop3A_571] {strides = array<i32>} : memref<2x40x128xf32, #tpu.memory_space<vmem>>, vector<1x1x16xf32>,
        %parallel_loop3A_573 = vector.shape_cast %parallel_loop3A_572 : vector<1x1x16xf32> to vector<16xf32>
        %parallel_loop3A_574 = arith.mulf %parallel_loop3A_567, %parallel_loop3A_573 : vector<16xf32>
        %parallel_loop3A_575 = arith.index_cast %parallel_loop3A_561 : i32 to index
        %parallel_loop3A_576 = arith.constant 16 : index
        %parallel_loop3A_577 = tpu.vector_load %arg12[%parallel_loop3A_575, %parallel_loop3A_576] {strides = array<i32>} : memref<80x128xf32, #tpu.memory_space<vmem>>, vector<1x16xf32>,
        %parallel_loop3A_578 = vector.shape_cast %parallel_loop3A_577 : vector<1x16xf32> to vector<16xf32>
        %parallel_loop3A_579 = vector.shape_cast %parallel_loop3A_574 : vector<16xf32> to vector<1x16xf32>
        tpu.vector_store %arg12[%parallel_loop3A_575, %parallel_loop3A_576], %parallel_loop3A_579 {strides = array<i32>} : memref<80x128xf32, #tpu.memory_space<vmem>>, vector<1x16xf32>,
        %parallel_loop3A_580 = arith.constant 2 : i32
        %parallel_loop3A_581 = arith.muli %parallel_loop3A_580, %parallel_loop3A_535 : i32
        %parallel_loop3A_582 = arith.constant 0 : i32
        %parallel_loop3A_583 = arith.addi %parallel_loop3A_581, %parallel_loop3A_582 : i32
        %parallel_loop3A_584 = arith.constant 1 : i32
        %parallel_loop3A_585 = arith.index_cast %parallel_loop3A_584 : i32 to index
        %parallel_loop3A_586 = arith.index_cast %parallel_loop3A_583 : i32 to index
        %parallel_loop3A_587 = arith.constant 32 : index
        %parallel_loop3A_588 = tpu.vector_load %arg11[%parallel_loop3A_585, %parallel_loop3A_586, %parallel_loop3A_587] {strides = array<i32>} : memref<2x80x128xf32, #tpu.memory_space<vmem>>, vector<1x1x16xf32>,
        %parallel_loop3A_589 = vector.shape_cast %parallel_loop3A_588 : vector<1x1x16xf32> to vector<16xf32>
        %parallel_loop3A_590 = arith.constant 1 : i32
        %parallel_loop3A_591 = arith.index_cast %parallel_loop3A_590 : i32 to index
        %parallel_loop3A_592 = arith.index_cast %parallel_loop3A_535 : i32 to index
        %parallel_loop3A_593 = arith.constant 32 : index
        %parallel_loop3A_594 = tpu.vector_load %arg10[%parallel_loop3A_591, %parallel_loop3A_592, %parallel_loop3A_593] {strides = array<i32>} : memref<2x40x128xf32, #tpu.memory_space<vmem>>, vector<1x1x16xf32>,
        %parallel_loop3A_595 = vector.shape_cast %parallel_loop3A_594 : vector<1x1x16xf32> to vector<16xf32>
        %parallel_loop3A_596 = arith.mulf %parallel_loop3A_589, %parallel_loop3A_595 : vector<16xf32>
        %parallel_loop3A_597 = arith.index_cast %parallel_loop3A_583 : i32 to index
        %parallel_loop3A_598 = arith.constant 32 : index
        %parallel_loop3A_599 = tpu.vector_load %arg12[%parallel_loop3A_597, %parallel_loop3A_598] {strides = array<i32>} : memref<80x128xf32, #tpu.memory_space<vmem>>, vector<1x16xf32>,
        %parallel_loop3A_600 = vector.shape_cast %parallel_loop3A_599 : vector<1x16xf32> to vector<16xf32>
        %parallel_loop3A_601 = vector.shape_cast %parallel_loop3A_596 : vector<16xf32> to vector<1x16xf32>
        tpu.vector_store %arg12[%parallel_loop3A_597, %parallel_loop3A_598], %parallel_loop3A_601 {strides = array<i32>} : memref<80x128xf32, #tpu.memory_space<vmem>>, vector<1x16xf32>,
        %parallel_loop3A_602 = arith.constant 2 : i32
        %parallel_loop3A_603 = arith.muli %parallel_loop3A_602, %parallel_loop3A_535 : i32
        %parallel_loop3A_604 = arith.constant 0 : i32
        %parallel_loop3A_605 = arith.addi %parallel_loop3A_603, %parallel_loop3A_604 : i32
        %parallel_loop3A_606 = arith.constant 1 : i32
        %parallel_loop3A_607 = arith.index_cast %parallel_loop3A_606 : i32 to index
        %parallel_loop3A_608 = arith.index_cast %parallel_loop3A_605 : i32 to index
        %parallel_loop3A_609 = arith.constant 48 : index
        %parallel_loop3A_610 = tpu.vector_load %arg11[%parallel_loop3A_607, %parallel_loop3A_608, %parallel_loop3A_609] {strides = array<i32>} : memref<2x80x128xf32, #tpu.memory_space<vmem>>, vector<1x1x16xf32>,
        %parallel_loop3A_611 = vector.shape_cast %parallel_loop3A_610 : vector<1x1x16xf32> to vector<16xf32>
        %parallel_loop3A_612 = arith.constant 1 : i32
        %parallel_loop3A_613 = arith.index_cast %parallel_loop3A_612 : i32 to index
        %parallel_loop3A_614 = arith.index_cast %parallel_loop3A_535 : i32 to index
        %parallel_loop3A_615 = arith.constant 48 : index
        %parallel_loop3A_616 = tpu.vector_load %arg10[%parallel_loop3A_613, %parallel_loop3A_614, %parallel_loop3A_615] {strides = array<i32>} : memref<2x40x128xf32, #tpu.memory_space<vmem>>, vector<1x1x16xf32>,
        %parallel_loop3A_617 = vector.shape_cast %parallel_loop3A_616 : vector<1x1x16xf32> to vector<16xf32>
        %parallel_loop3A_618 = arith.mulf %parallel_loop3A_611, %parallel_loop3A_617 : vector<16xf32>
        %parallel_loop3A_619 = arith.index_cast %parallel_loop3A_605 : i32 to index
        %parallel_loop3A_620 = arith.constant 48 : index
        %parallel_loop3A_621 = tpu.vector_load %arg12[%parallel_loop3A_619, %parallel_loop3A_620] {strides = array<i32>} : memref<80x128xf32, #tpu.memory_space<vmem>>, vector<1x16xf32>,
        %parallel_loop3A_622 = vector.shape_cast %parallel_loop3A_621 : vector<1x16xf32> to vector<16xf32>
        %parallel_loop3A_623 = vector.shape_cast %parallel_loop3A_618 : vector<16xf32> to vector<1x16xf32>
        tpu.vector_store %arg12[%parallel_loop3A_619, %parallel_loop3A_620], %parallel_loop3A_623 {strides = array<i32>} : memref<80x128xf32, #tpu.memory_space<vmem>>, vector<1x16xf32>,
        %parallel_loop3A_624 = arith.constant 2 : i32
        %parallel_loop3A_625 = arith.muli %parallel_loop3A_624, %parallel_loop3A_535 : i32
        %parallel_loop3A_626 = arith.constant 1 : i32
        %parallel_loop3A_627 = arith.addi %parallel_loop3A_625, %parallel_loop3A_626 : i32
        %parallel_loop3A_628 = arith.constant 1 : i32
        %parallel_loop3A_629 = arith.index_cast %parallel_loop3A_628 : i32 to index
        %parallel_loop3A_630 = arith.index_cast %parallel_loop3A_627 : i32 to index
        %parallel_loop3A_631 = arith.constant 0 : index
        %parallel_loop3A_632 = tpu.vector_load %arg11[%parallel_loop3A_629, %parallel_loop3A_630, %parallel_loop3A_631] {strides = array<i32>} : memref<2x80x128xf32, #tpu.memory_space<vmem>>, vector<1x1x16xf32>,
        %parallel_loop3A_633 = vector.shape_cast %parallel_loop3A_632 : vector<1x1x16xf32> to vector<16xf32>
        %parallel_loop3A_634 = arith.constant 1 : i32
        %parallel_loop3A_635 = arith.index_cast %parallel_loop3A_634 : i32 to index
        %parallel_loop3A_636 = arith.index_cast %parallel_loop3A_535 : i32 to index
        %parallel_loop3A_637 = arith.constant 64 : index
        %parallel_loop3A_638 = tpu.vector_load %arg10[%parallel_loop3A_635, %parallel_loop3A_636, %parallel_loop3A_637] {strides = array<i32>} : memref<2x40x128xf32, #tpu.memory_space<vmem>>, vector<1x1x16xf32>,
        %parallel_loop3A_639 = vector.shape_cast %parallel_loop3A_638 : vector<1x1x16xf32> to vector<16xf32>
        %parallel_loop3A_640 = arith.mulf %parallel_loop3A_633, %parallel_loop3A_639 : vector<16xf32>
        %parallel_loop3A_641 = arith.index_cast %parallel_loop3A_627 : i32 to index
        %parallel_loop3A_642 = arith.constant 0 : index
        %parallel_loop3A_643 = tpu.vector_load %arg12[%parallel_loop3A_641, %parallel_loop3A_642] {strides = array<i32>} : memref<80x128xf32, #tpu.memory_space<vmem>>, vector<1x16xf32>,
        %parallel_loop3A_644 = vector.shape_cast %parallel_loop3A_643 : vector<1x16xf32> to vector<16xf32>
        %parallel_loop3A_645 = vector.shape_cast %parallel_loop3A_640 : vector<16xf32> to vector<1x16xf32>
        tpu.vector_store %arg12[%parallel_loop3A_641, %parallel_loop3A_642], %parallel_loop3A_645 {strides = array<i32>} : memref<80x128xf32, #tpu.memory_space<vmem>>, vector<1x16xf32>,
        %parallel_loop3A_646 = arith.constant 2 : i32
        %parallel_loop3A_647 = arith.muli %parallel_loop3A_646, %parallel_loop3A_535 : i32
        %parallel_loop3A_648 = arith.constant 1 : i32
        %parallel_loop3A_649 = arith.addi %parallel_loop3A_647, %parallel_loop3A_648 : i32
        %parallel_loop3A_650 = arith.constant 1 : i32
        %parallel_loop3A_651 = arith.index_cast %parallel_loop3A_650 : i32 to index
        %parallel_loop3A_652 = arith.index_cast %parallel_loop3A_649 : i32 to index
        %parallel_loop3A_653 = arith.constant 16 : index
        %parallel_loop3A_654 = tpu.vector_load %arg11[%parallel_loop3A_651, %parallel_loop3A_652, %parallel_loop3A_653] {strides = array<i32>} : memref<2x80x128xf32, #tpu.memory_space<vmem>>, vector<1x1x16xf32>,
        %parallel_loop3A_655 = vector.shape_cast %parallel_loop3A_654 : vector<1x1x16xf32> to vector<16xf32>
        %parallel_loop3A_656 = arith.constant 1 : i32
        %parallel_loop3A_657 = arith.index_cast %parallel_loop3A_656 : i32 to index
        %parallel_loop3A_658 = arith.index_cast %parallel_loop3A_535 : i32 to index
        %parallel_loop3A_659 = arith.constant 80 : index
        %parallel_loop3A_660 = tpu.vector_load %arg10[%parallel_loop3A_657, %parallel_loop3A_658, %parallel_loop3A_659] {strides = array<i32>} : memref<2x40x128xf32, #tpu.memory_space<vmem>>, vector<1x1x16xf32>,
        %parallel_loop3A_661 = vector.shape_cast %parallel_loop3A_660 : vector<1x1x16xf32> to vector<16xf32>
        %parallel_loop3A_662 = arith.mulf %parallel_loop3A_655, %parallel_loop3A_661 : vector<16xf32>
        %parallel_loop3A_663 = arith.index_cast %parallel_loop3A_649 : i32 to index
        %parallel_loop3A_664 = arith.constant 16 : index
        %parallel_loop3A_665 = tpu.vector_load %arg12[%parallel_loop3A_663, %parallel_loop3A_664] {strides = array<i32>} : memref<80x128xf32, #tpu.memory_space<vmem>>, vector<1x16xf32>,
        %parallel_loop3A_666 = vector.shape_cast %parallel_loop3A_665 : vector<1x16xf32> to vector<16xf32>
        %parallel_loop3A_667 = vector.shape_cast %parallel_loop3A_662 : vector<16xf32> to vector<1x16xf32>
        tpu.vector_store %arg12[%parallel_loop3A_663, %parallel_loop3A_664], %parallel_loop3A_667 {strides = array<i32>} : memref<80x128xf32, #tpu.memory_space<vmem>>, vector<1x16xf32>,
        %parallel_loop3A_668 = arith.constant 2 : i32
        %parallel_loop3A_669 = arith.muli %parallel_loop3A_668, %parallel_loop3A_535 : i32
        %parallel_loop3A_670 = arith.constant 1 : i32
        %parallel_loop3A_671 = arith.addi %parallel_loop3A_669, %parallel_loop3A_670 : i32
        %parallel_loop3A_672 = arith.constant 1 : i32
        %parallel_loop3A_673 = arith.index_cast %parallel_loop3A_672 : i32 to index
        %parallel_loop3A_674 = arith.index_cast %parallel_loop3A_671 : i32 to index
        %parallel_loop3A_675 = arith.constant 32 : index
        %parallel_loop3A_676 = tpu.vector_load %arg11[%parallel_loop3A_673, %parallel_loop3A_674, %parallel_loop3A_675] {strides = array<i32>} : memref<2x80x128xf32, #tpu.memory_space<vmem>>, vector<1x1x16xf32>,
        %parallel_loop3A_677 = vector.shape_cast %parallel_loop3A_676 : vector<1x1x16xf32> to vector<16xf32>
        %parallel_loop3A_678 = arith.constant 1 : i32
        %parallel_loop3A_679 = arith.index_cast %parallel_loop3A_678 : i32 to index
        %parallel_loop3A_680 = arith.index_cast %parallel_loop3A_535 : i32 to index
        %parallel_loop3A_681 = arith.constant 96 : index
        %parallel_loop3A_682 = tpu.vector_load %arg10[%parallel_loop3A_679, %parallel_loop3A_680, %parallel_loop3A_681] {strides = array<i32>} : memref<2x40x128xf32, #tpu.memory_space<vmem>>, vector<1x1x16xf32>,
        %parallel_loop3A_683 = vector.shape_cast %parallel_loop3A_682 : vector<1x1x16xf32> to vector<16xf32>
        %parallel_loop3A_684 = arith.mulf %parallel_loop3A_677, %parallel_loop3A_683 : vector<16xf32>
        %parallel_loop3A_685 = arith.index_cast %parallel_loop3A_671 : i32 to index
        %parallel_loop3A_686 = arith.constant 32 : index
        %parallel_loop3A_687 = tpu.vector_load %arg12[%parallel_loop3A_685, %parallel_loop3A_686] {strides = array<i32>} : memref<80x128xf32, #tpu.memory_space<vmem>>, vector<1x16xf32>,
        %parallel_loop3A_688 = vector.shape_cast %parallel_loop3A_687 : vector<1x16xf32> to vector<16xf32>
        %parallel_loop3A_689 = vector.shape_cast %parallel_loop3A_684 : vector<16xf32> to vector<1x16xf32>
        tpu.vector_store %arg12[%parallel_loop3A_685, %parallel_loop3A_686], %parallel_loop3A_689 {strides = array<i32>} : memref<80x128xf32, #tpu.memory_space<vmem>>, vector<1x16xf32>,
        %parallel_loop3A_690 = arith.constant 2 : i32
        %parallel_loop3A_691 = arith.muli %parallel_loop3A_690, %parallel_loop3A_535 : i32
        %parallel_loop3A_692 = arith.constant 1 : i32
        %parallel_loop3A_693 = arith.addi %parallel_loop3A_691, %parallel_loop3A_692 : i32
        %parallel_loop3A_694 = arith.constant 1 : i32
        %parallel_loop3A_695 = arith.index_cast %parallel_loop3A_694 : i32 to index
        %parallel_loop3A_696 = arith.index_cast %parallel_loop3A_693 : i32 to index
        %parallel_loop3A_697 = arith.constant 48 : index
        %parallel_loop3A_698 = tpu.vector_load %arg11[%parallel_loop3A_695, %parallel_loop3A_696, %parallel_loop3A_697] {strides = array<i32>} : memref<2x80x128xf32, #tpu.memory_space<vmem>>, vector<1x1x16xf32>,
        %parallel_loop3A_699 = vector.shape_cast %parallel_loop3A_698 : vector<1x1x16xf32> to vector<16xf32>
        %parallel_loop3A_700 = arith.constant 1 : i32
        %parallel_loop3A_701 = arith.index_cast %parallel_loop3A_700 : i32 to index
        %parallel_loop3A_702 = arith.index_cast %parallel_loop3A_535 : i32 to index
        %parallel_loop3A_703 = arith.constant 112 : index
        %parallel_loop3A_704 = tpu.vector_load %arg10[%parallel_loop3A_701, %parallel_loop3A_702, %parallel_loop3A_703] {strides = array<i32>} : memref<2x40x128xf32, #tpu.memory_space<vmem>>, vector<1x1x16xf32>,
        %parallel_loop3A_705 = vector.shape_cast %parallel_loop3A_704 : vector<1x1x16xf32> to vector<16xf32>
        %parallel_loop3A_706 = arith.mulf %parallel_loop3A_699, %parallel_loop3A_705 : vector<16xf32>
        %parallel_loop3A_707 = arith.index_cast %parallel_loop3A_693 : i32 to index
        %parallel_loop3A_708 = arith.constant 48 : index
        %parallel_loop3A_709 = tpu.vector_load %arg12[%parallel_loop3A_707, %parallel_loop3A_708] {strides = array<i32>} : memref<80x128xf32, #tpu.memory_space<vmem>>, vector<1x16xf32>,
        %parallel_loop3A_710 = vector.shape_cast %parallel_loop3A_709 : vector<1x16xf32> to vector<16xf32>
        %parallel_loop3A_711 = vector.shape_cast %parallel_loop3A_706 : vector<16xf32> to vector<1x16xf32>
        tpu.vector_store %arg12[%parallel_loop3A_707, %parallel_loop3A_708], %parallel_loop3A_711 {strides = array<i32>} : memref<80x128xf32, #tpu.memory_space<vmem>>, vector<1x16xf32>,
      } {sc.loop_unroll_factor = 4 : i64, sc.parallel_access}
      %jit3A_463 = arith.constant 8 : i32
      %div3A_464 = arith.divsi %add3A_303, %jit3A_463 : i32
      %sign3A_465 = arith.constant 0 : i32
      %sign3A_466 = arith.cmpi sgt, %add3A_303, %sign3A_465 : i32
      %sign3A_467 = arith.extui %sign3A_466 : i1 to i32
      %sign3A_468 = arith.constant 0 : i32
      %sign3A_469 = arith.cmpi slt, %add3A_303, %sign3A_468 : i32
      %sign3A_470 = arith.extui %sign3A_469 : i1 to i32
      %sign3A_471 = arith.subi %sign3A_467, %sign3A_470 : i32
      %sign3A_472 = arith.constant 0 : i32
      %sign3A_473 = arith.cmpi sgt, %jit3A_463, %sign3A_472 : i32
      %sign3A_474 = arith.extui %sign3A_473 : i1 to i32
      %sign3A_475 = arith.constant 0 : i32
      %sign3A_476 = arith.cmpi slt, %jit3A_463, %sign3A_475 : i32
      %sign3A_477 = arith.extui %sign3A_476 : i1 to i32
      %sign3A_478 = arith.subi %sign3A_474, %sign3A_477 : i32
      %ne3A_479 = arith.cmpi ne, %sign3A_471, %sign3A_478 : i32
      %rem3A_480 = arith.remsi %add3A_303, %jit3A_463 : i32
      %ne3A_481 = arith.constant 0 : i32
      %ne3A_482 = arith.cmpi ne, %rem3A_480, %ne3A_481 : i32
      %and3A_483 = arith.andi %ne3A_479, %ne3A_482 : i1
      %sub3A_484 = arith.constant 1 : i32
      %sub3A_485 = arith.subi %div3A_464, %sub3A_484 : i32
      %select_n3A_486 = arith.select %and3A_483, %sub3A_485, %div3A_464 : i32
      %jit3A_487 = arith.constant 2 : i32
      %eq3A_488 = arith.constant 0 : i32
      %eq3A_489 = arith.cmpi eq, %jit3A_487, %eq3A_488 : i32
      %jit3A_490 = arith.constant 1 : i32
      %select_n3A_491 = arith.select %eq3A_489, %jit3A_490, %jit3A_487 : i32
      %rem3A_492 = arith.remsi %select_n3A_486, %select_n3A_491 : i32
      %ne3A_493 = arith.constant 0 : i32
      %ne3A_494 = arith.cmpi ne, %rem3A_492, %ne3A_493 : i32
      %lt3A_495 = arith.constant 0 : i32
      %lt3A_496 = arith.cmpi slt, %rem3A_492, %lt3A_495 : i32
      %lt3A_497 = arith.constant 0 : i32
      %lt3A_498 = arith.cmpi slt, %select_n3A_491, %lt3A_497 : i32
      %ne3A_499 = arith.xori %lt3A_496, %lt3A_498 : i1
      %and3A_500 = arith.andi %ne3A_499, %ne3A_494 : i1
      %add3A_501 = arith.addi %rem3A_492, %select_n3A_491 : i32
      %select_n3A_502 = arith.select %and3A_500, %add3A_501, %rem3A_492 : i32
      %mul3A_503 = arith.constant 8 : i32
      %mul3A_504 = arith.muli %select_n3A_502, %mul3A_503 : i32
      %jit3A_505 = arith.constant 8 : i32
      %eq3A_506 = arith.constant 0 : i32
      %eq3A_507 = arith.cmpi eq, %jit3A_505, %eq3A_506 : i32
      %jit3A_508 = arith.constant 1 : i32
      %select_n3A_509 = arith.select %eq3A_507, %jit3A_508, %jit3A_505 : i32
      %rem3A_510 = arith.remsi %add3A_303, %select_n3A_509 : i32
      %ne3A_511 = arith.constant 0 : i32
      %ne3A_512 = arith.cmpi ne, %rem3A_510, %ne3A_511 : i32
      %lt3A_513 = arith.constant 0 : i32
      %lt3A_514 = arith.cmpi slt, %rem3A_510, %lt3A_513 : i32
      %lt3A_515 = arith.constant 0 : i32
      %lt3A_516 = arith.cmpi slt, %select_n3A_509, %lt3A_515 : i32
      %ne3A_517 = arith.xori %lt3A_514, %lt3A_516 : i1
      %and3A_518 = arith.andi %ne3A_517, %ne3A_512 : i1
      %add3A_519 = arith.addi %rem3A_510, %select_n3A_509 : i32
      %select_n3A_520 = arith.select %and3A_518, %add3A_519, %rem3A_510 : i32
      %add3A_521 = arith.addi %mul3A_504, %select_n3A_520 : i32
      %dma_start3A_522 = arith.constant 0 : i32
      %dma_start3A_523 = tpu.memref_slice %arg9[%add3A_521, %dma_start3A_522] : memref<16x80xi32, #tpu.memory_space<vmem>> -> memref<1x80xi32, #tpu.memory_space<vmem>>
      %dma_start3A_524 = tpu.memref_squeeze %dma_start3A_523 : memref<1x80xi32, #tpu.memory_space<vmem>> -> memref<80xi32, #tpu.memory_space<vmem>>
      %dma_start3A_525 = arith.constant 0 : i32
      %dma_start3A_526 = arith.constant 0 : i32
      %dma_start3A_527 = tpu.memref_slice %arg7[%dma_start3A_525, %dma_start3A_526] : memref<10112x128xf32, #tpu.memory_space<vmem_shared>> -> memref<10112x128xf32, #tpu.memory_space<vmem_shared>>
      tpu.enqueue_indirect_dma source(%arg12 : memref<80x128xf32, #tpu.memory_space<vmem>>) target(%dma_start3A_527 : memref<10112x128xf32, #tpu.memory_space<vmem_shared>>) offsets(%dma_start3A_524 : memref<80xi32, #tpu.memory_space<vmem>>) semaphore(%arg17 : memref<!tpu.dma_semaphore, #tpu.memory_space<semaphore_mem>>) {add = true}
      %add3A_528 = arith.constant 2 : i32
      %add3A_529 = arith.addi %add3A_303, %add3A_528 : i32
      %lt3A_530 = arith.constant 125 : i32
      %lt3A_531 = arith.cmpi slt, %add3A_529, %lt3A_530 : i32
      %convert_element_type3A_532 = arith.extui %lt3A_531 : i1 to i32
      %cond3A_533 = arith.constant 0 : i32
      %cond3A_534 = arith.cmpi ne, %convert_element_type3A_532, %cond3A_533 : i32
      scf.if %cond3A_534 {
        %jit3A_535 = arith.constant 8 : i32
        %eq3A_536 = arith.constant 0 : i32
        %eq3A_537 = arith.cmpi eq, %jit3A_535, %eq3A_536 : i32
        %jit3A_538 = arith.constant 1 : i32
        %select_n3A_539 = arith.select %eq3A_537, %jit3A_538, %jit3A_535 : i32
        %rem3A_540 = arith.remsi %add3A_529, %select_n3A_539 : i32
        %ne3A_541 = arith.constant 0 : i32
        %ne3A_542 = arith.cmpi ne, %rem3A_540, %ne3A_541 : i32
        %lt3A_543 = arith.constant 0 : i32
        %lt3A_544 = arith.cmpi slt, %rem3A_540, %lt3A_543 : i32
        %lt3A_545 = arith.constant 0 : i32
        %lt3A_546 = arith.cmpi slt, %select_n3A_539, %lt3A_545 : i32
        %ne3A_547 = arith.xori %lt3A_544, %lt3A_546 : i1
        %and3A_548 = arith.andi %ne3A_547, %ne3A_542 : i1
        %add3A_549 = arith.addi %rem3A_540, %select_n3A_539 : i32
        %select_n3A_550 = arith.select %and3A_548, %add3A_549, %rem3A_540 : i32
        %eq3A_551 = arith.constant 0 : i32
        %eq3A_552 = arith.cmpi eq, %select_n3A_550, %eq3A_551 : i32
        %convert_element_type3A_553 = arith.extui %eq3A_552 : i1 to i32
        %cond3A_554 = arith.constant 0 : i32
        %cond3A_555 = arith.cmpi ne, %convert_element_type3A_553, %cond3A_554 : i32
        scf.if %cond3A_555 {
          %jit3A_645 = arith.constant 8 : i32
          %div3A_646 = arith.divsi %add3A_529, %jit3A_645 : i32
          %sign3A_647 = arith.constant 0 : i32
          %sign3A_648 = arith.cmpi sgt, %add3A_529, %sign3A_647 : i32
          %sign3A_649 = arith.extui %sign3A_648 : i1 to i32
          %sign3A_650 = arith.constant 0 : i32
          %sign3A_651 = arith.cmpi slt, %add3A_529, %sign3A_650 : i32
          %sign3A_652 = arith.extui %sign3A_651 : i1 to i32
          %sign3A_653 = arith.subi %sign3A_649, %sign3A_652 : i32
          %sign3A_654 = arith.constant 0 : i32
          %sign3A_655 = arith.cmpi sgt, %jit3A_645, %sign3A_654 : i32
          %sign3A_656 = arith.extui %sign3A_655 : i1 to i32
          %sign3A_657 = arith.constant 0 : i32
          %sign3A_658 = arith.cmpi slt, %jit3A_645, %sign3A_657 : i32
          %sign3A_659 = arith.extui %sign3A_658 : i1 to i32
          %sign3A_660 = arith.subi %sign3A_656, %sign3A_659 : i32
          %ne3A_661 = arith.cmpi ne, %sign3A_653, %sign3A_660 : i32
          %rem3A_662 = arith.remsi %add3A_529, %jit3A_645 : i32
          %ne3A_663 = arith.constant 0 : i32
          %ne3A_664 = arith.cmpi ne, %rem3A_662, %ne3A_663 : i32
          %and3A_665 = arith.andi %ne3A_661, %ne3A_664 : i1
          %sub3A_666 = arith.constant 1 : i32
          %sub3A_667 = arith.subi %div3A_646, %sub3A_666 : i32
          %select_n3A_668 = arith.select %and3A_665, %sub3A_667, %div3A_646 : i32
          %mul3A_669 = arith.constant 8 : i32
          %mul3A_670 = arith.muli %select_n3A_668, %mul3A_669 : i32
          %multiple_of3A_671 = tpu.assume_multiple %mul3A_670, 8 : i32
          %jit3A_672 = arith.constant 8 : i32
          %div3A_673 = arith.divsi %add3A_529, %jit3A_672 : i32
          %sign3A_674 = arith.constant 0 : i32
          %sign3A_675 = arith.cmpi sgt, %add3A_529, %sign3A_674 : i32
          %sign3A_676 = arith.extui %sign3A_675 : i1 to i32
          %sign3A_677 = arith.constant 0 : i32
          %sign3A_678 = arith.cmpi slt, %add3A_529, %sign3A_677 : i32
          %sign3A_679 = arith.extui %sign3A_678 : i1 to i32
          %sign3A_680 = arith.subi %sign3A_676, %sign3A_679 : i32
          %sign3A_681 = arith.constant 0 : i32
          %sign3A_682 = arith.cmpi sgt, %jit3A_672, %sign3A_681 : i32
          %sign3A_683 = arith.extui %sign3A_682 : i1 to i32
          %sign3A_684 = arith.constant 0 : i32
          %sign3A_685 = arith.cmpi slt, %jit3A_672, %sign3A_684 : i32
          %sign3A_686 = arith.extui %sign3A_685 : i1 to i32
          %sign3A_687 = arith.subi %sign3A_683, %sign3A_686 : i32
          %ne3A_688 = arith.cmpi ne, %sign3A_680, %sign3A_687 : i32
          %rem3A_689 = arith.remsi %add3A_529, %jit3A_672 : i32
          %ne3A_690 = arith.constant 0 : i32
          %ne3A_691 = arith.cmpi ne, %rem3A_689, %ne3A_690 : i32
          %and3A_692 = arith.andi %ne3A_688, %ne3A_691 : i1
          %sub3A_693 = arith.constant 1 : i32
          %sub3A_694 = arith.subi %div3A_673, %sub3A_693 : i32
          %select_n3A_695 = arith.select %and3A_692, %sub3A_694, %div3A_673 : i32
          %jit3A_696 = arith.constant 2 : i32
          %eq3A_697 = arith.constant 0 : i32
          %eq3A_698 = arith.cmpi eq, %jit3A_696, %eq3A_697 : i32
          %jit3A_699 = arith.constant 1 : i32
          %select_n3A_700 = arith.select %eq3A_698, %jit3A_699, %jit3A_696 : i32
          %rem3A_701 = arith.remsi %select_n3A_695, %select_n3A_700 : i32
          %ne3A_702 = arith.constant 0 : i32
          %ne3A_703 = arith.cmpi ne, %rem3A_701, %ne3A_702 : i32
          %lt3A_704 = arith.constant 0 : i32
          %lt3A_705 = arith.cmpi slt, %rem3A_701, %lt3A_704 : i32
          %lt3A_706 = arith.constant 0 : i32
          %lt3A_707 = arith.cmpi slt, %select_n3A_700, %lt3A_706 : i32
          %ne3A_708 = arith.xori %lt3A_705, %lt3A_707 : i1
          %and3A_709 = arith.andi %ne3A_708, %ne3A_703 : i1
          %add3A_710 = arith.addi %rem3A_701, %select_n3A_700 : i32
          %select_n3A_711 = arith.select %and3A_709, %add3A_710, %rem3A_701 : i32
          %mul3A_712 = arith.constant 8 : i32
          %mul3A_713 = arith.muli %select_n3A_711, %mul3A_712 : i32
          "tpu.region"() ({
            %run_scoped3A = tpu.sem_alloc : memref<!tpu.dma_semaphore, #tpu.memory_space<semaphore_mem>>
            %dma_start3A_714 = arith.constant 0 : i32
            %dma_start3A_715 = tpu.memref_slice %arg8[%mul3A_713, %dma_start3A_714] : memref<16x80xi32, #tpu.memory_space<vmem>> -> memref<8x80xi32, #tpu.memory_space<vmem>>
            %dma_start3A_716 = arith.constant 0 : i32
            %dma_start3A_717 = tpu.memref_slice %arg4[%add3A, %multiple_of3A_671, %dma_start3A_716] : memref<32x125x80xi32, #tpu.memory_space<hbm>> -> memref<1x8x80xi32, #tpu.memory_space<hbm>>
            %dma_start3A_718 = tpu.memref_squeeze %dma_start3A_717 : memref<1x8x80xi32, #tpu.memory_space<hbm>> -> memref<8x80xi32, #tpu.memory_space<hbm>>
            %dma_start3A_719 = arith.constant 0 : i32
            %dma_start3A_720 = tpu.memref_slice %arg8[%mul3A_713, %dma_start3A_719] : memref<16x80xi32, #tpu.memory_space<vmem>> -> memref<8x80xi32, #tpu.memory_space<vmem>>
            %dma_start3A_721 = arith.constant 0 : i32
            %dma_start3A_722 = tpu.memref_slice %arg4[%add3A, %multiple_of3A_671, %dma_start3A_721] : memref<32x125x80xi32, #tpu.memory_space<hbm>> -> memref<1x8x80xi32, #tpu.memory_space<hbm>>
            %dma_start3A_723 = tpu.memref_squeeze %dma_start3A_722 : memref<1x8x80xi32, #tpu.memory_space<hbm>> -> memref<8x80xi32, #tpu.memory_space<hbm>>
            tpu.enqueue_dma source(%dma_start3A_723 : memref<8x80xi32, #tpu.memory_space<hbm>>) target(%dma_start3A_720 : memref<8x80xi32, #tpu.memory_space<vmem>>) target_semaphore(%run_scoped3A : memref<!tpu.dma_semaphore, #tpu.memory_space<semaphore_mem>>)
            %dma_wait3A_724 = arith.constant 0 : i32
            %dma_wait3A_725 = tpu.memref_slice %arg8[%mul3A_713, %dma_wait3A_724] : memref<16x80xi32, #tpu.memory_space<vmem>> -> memref<8x80xi32, #tpu.memory_space<vmem>>
            %dma_wait3A_726 = arith.constant 0 : i32
            %dma_wait3A_727 = tpu.memref_slice %arg4[%add3A, %multiple_of3A_671, %dma_wait3A_726] : memref<32x125x80xi32, #tpu.memory_space<hbm>> -> memref<1x8x80xi32, #tpu.memory_space<hbm>>
            %dma_wait3A_728 = tpu.memref_squeeze %dma_wait3A_727 : memref<1x8x80xi32, #tpu.memory_space<hbm>> -> memref<8x80xi32, #tpu.memory_space<hbm>>
            %dma_wait3A_729 = arith.constant 0 : i32
            %dma_wait3A_730 = tpu.memref_slice %arg8[%mul3A_713, %dma_wait3A_729] : memref<16x80xi32, #tpu.memory_space<vmem>> -> memref<8x80xi32, #tpu.memory_space<vmem>>
            %dma_wait3A_731 = arith.constant 0 : i32
            %dma_wait3A_732 = tpu.memref_slice %arg4[%add3A, %multiple_of3A_671, %dma_wait3A_731] : memref<32x125x80xi32, #tpu.memory_space<hbm>> -> memref<1x8x80xi32, #tpu.memory_space<hbm>>
            %dma_wait3A_733 = tpu.memref_squeeze %dma_wait3A_732 : memref<1x8x80xi32, #tpu.memory_space<hbm>> -> memref<8x80xi32, #tpu.memory_space<hbm>>
            tpu.wait_dma2 semaphore(%run_scoped3A : memref<!tpu.dma_semaphore, #tpu.memory_space<semaphore_mem>>) src(%dma_wait3A_733 : memref<8x80xi32, #tpu.memory_space<hbm>>) dst(%dma_wait3A_730 : memref<8x80xi32, #tpu.memory_space<vmem>>)
            tpu.yield
          }) : () -> ()
          "tpu.region"() ({
            %run_scoped3A = tpu.sem_alloc : memref<!tpu.dma_semaphore, #tpu.memory_space<semaphore_mem>>
            %dma_start3A_714 = arith.constant 0 : i32
            %dma_start3A_715 = tpu.memref_slice %arg9[%mul3A_713, %dma_start3A_714] : memref<16x80xi32, #tpu.memory_space<vmem>> -> memref<8x80xi32, #tpu.memory_space<vmem>>
            %dma_start3A_716 = arith.constant 0 : i32
            %dma_start3A_717 = tpu.memref_slice %arg5[%add3A, %multiple_of3A_671, %dma_start3A_716] : memref<32x125x80xi32, #tpu.memory_space<hbm>> -> memref<1x8x80xi32, #tpu.memory_space<hbm>>
            %dma_start3A_718 = tpu.memref_squeeze %dma_start3A_717 : memref<1x8x80xi32, #tpu.memory_space<hbm>> -> memref<8x80xi32, #tpu.memory_space<hbm>>
            %dma_start3A_719 = arith.constant 0 : i32
            %dma_start3A_720 = tpu.memref_slice %arg9[%mul3A_713, %dma_start3A_719] : memref<16x80xi32, #tpu.memory_space<vmem>> -> memref<8x80xi32, #tpu.memory_space<vmem>>
            %dma_start3A_721 = arith.constant 0 : i32
            %dma_start3A_722 = tpu.memref_slice %arg5[%add3A, %multiple_of3A_671, %dma_start3A_721] : memref<32x125x80xi32, #tpu.memory_space<hbm>> -> memref<1x8x80xi32, #tpu.memory_space<hbm>>
            %dma_start3A_723 = tpu.memref_squeeze %dma_start3A_722 : memref<1x8x80xi32, #tpu.memory_space<hbm>> -> memref<8x80xi32, #tpu.memory_space<hbm>>
            tpu.enqueue_dma source(%dma_start3A_723 : memref<8x80xi32, #tpu.memory_space<hbm>>) target(%dma_start3A_720 : memref<8x80xi32, #tpu.memory_space<vmem>>) target_semaphore(%run_scoped3A : memref<!tpu.dma_semaphore, #tpu.memory_space<semaphore_mem>>)
            %dma_wait3A_724 = arith.constant 0 : i32
            %dma_wait3A_725 = tpu.memref_slice %arg9[%mul3A_713, %dma_wait3A_724] : memref<16x80xi32, #tpu.memory_space<vmem>> -> memref<8x80xi32, #tpu.memory_space<vmem>>
            %dma_wait3A_726 = arith.constant 0 : i32
            %dma_wait3A_727 = tpu.memref_slice %arg5[%add3A, %multiple_of3A_671, %dma_wait3A_726] : memref<32x125x80xi32, #tpu.memory_space<hbm>> -> memref<1x8x80xi32, #tpu.memory_space<hbm>>
            %dma_wait3A_728 = tpu.memref_squeeze %dma_wait3A_727 : memref<1x8x80xi32, #tpu.memory_space<hbm>> -> memref<8x80xi32, #tpu.memory_space<hbm>>
            %dma_wait3A_729 = arith.constant 0 : i32
            %dma_wait3A_730 = tpu.memref_slice %arg9[%mul3A_713, %dma_wait3A_729] : memref<16x80xi32, #tpu.memory_space<vmem>> -> memref<8x80xi32, #tpu.memory_space<vmem>>
            %dma_wait3A_731 = arith.constant 0 : i32
            %dma_wait3A_732 = tpu.memref_slice %arg5[%add3A, %multiple_of3A_671, %dma_wait3A_731] : memref<32x125x80xi32, #tpu.memory_space<hbm>> -> memref<1x8x80xi32, #tpu.memory_space<hbm>>
            %dma_wait3A_733 = tpu.memref_squeeze %dma_wait3A_732 : memref<1x8x80xi32, #tpu.memory_space<hbm>> -> memref<8x80xi32, #tpu.memory_space<hbm>>
            tpu.wait_dma2 semaphore(%run_scoped3A : memref<!tpu.dma_semaphore, #tpu.memory_space<semaphore_mem>>) src(%dma_wait3A_733 : memref<8x80xi32, #tpu.memory_space<hbm>>) dst(%dma_wait3A_730 : memref<8x80xi32, #tpu.memory_space<vmem>>)
            tpu.yield
          }) : () -> ()
        } else {
        }
        %mul3A_556 = arith.constant 5000 : i32
        %mul3A_557 = arith.muli %add3A, %mul3A_556 : i32
        %mul3A_558 = arith.constant 40 : i32
        %mul3A_559 = arith.muli %add3A_529, %mul3A_558 : i32
        %add3A_560 = arith.addi %mul3A_557, %mul3A_559 : i32
        %multiple_of3A_561 = tpu.assume_multiple %add3A_560, 8 : i32
        %dma_start3A_562 = arith.constant 1 : i32
        %dma_start3A_563 = arith.constant 0 : i32
        %dma_start3A_564 = arith.constant 0 : i32
        %dma_start3A_565 = tpu.memref_slice %arg10[%dma_start3A_562, %dma_start3A_563, %dma_start3A_564] : memref<2x40x128xf32, #tpu.memory_space<vmem>> -> memref<1x40x128xf32, #tpu.memory_space<vmem>>
        %dma_start3A_566 = tpu.memref_squeeze %dma_start3A_565 : memref<1x40x128xf32, #tpu.memory_space<vmem>> -> memref<40x128xf32, #tpu.memory_space<vmem>>
        %dma_start3A_567 = arith.constant 0 : i32
        %dma_start3A_568 = tpu.memref_slice %arg3[%multiple_of3A_561, %dma_start3A_567] : memref<160000x128xf32, #tpu.memory_space<hbm>> -> memref<40x128xf32, #tpu.memory_space<hbm>>
        %dma_start3A_569 = arith.constant 0 : i32
        %dma_start3A_570 = arith.constant 0 : i32
        %dma_start3A_571 = tpu.memref_slice %arg10[%dma_start3A_562, %dma_start3A_569, %dma_start3A_570] : memref<2x40x128xf32, #tpu.memory_space<vmem>> -> memref<1x40x128xf32, #tpu.memory_space<vmem>>
        %dma_start3A_572 = tpu.memref_squeeze %dma_start3A_571 : memref<1x40x128xf32, #tpu.memory_space<vmem>> -> memref<40x128xf32, #tpu.memory_space<vmem>>
        %dma_start3A_573 = arith.constant 0 : i32
        %dma_start3A_574 = tpu.memref_slice %arg3[%multiple_of3A_561, %dma_start3A_573] : memref<160000x128xf32, #tpu.memory_space<hbm>> -> memref<40x128xf32, #tpu.memory_space<hbm>>
        tpu.enqueue_dma source(%dma_start3A_574 : memref<40x128xf32, #tpu.memory_space<hbm>>) target(%dma_start3A_572 : memref<40x128xf32, #tpu.memory_space<vmem>>) target_semaphore(%arg14 : memref<!tpu.dma_semaphore, #tpu.memory_space<semaphore_mem>>)
        %jit3A_575 = arith.constant 8 : i32
        %div3A_576 = arith.divsi %add3A_529, %jit3A_575 : i32
        %sign3A_577 = arith.constant 0 : i32
        %sign3A_578 = arith.cmpi sgt, %add3A_529, %sign3A_577 : i32
        %sign3A_579 = arith.extui %sign3A_578 : i1 to i32
        %sign3A_580 = arith.constant 0 : i32
        %sign3A_581 = arith.cmpi slt, %add3A_529, %sign3A_580 : i32
        %sign3A_582 = arith.extui %sign3A_581 : i1 to i32
        %sign3A_583 = arith.subi %sign3A_579, %sign3A_582 : i32
        %sign3A_584 = arith.constant 0 : i32
        %sign3A_585 = arith.cmpi sgt, %jit3A_575, %sign3A_584 : i32
        %sign3A_586 = arith.extui %sign3A_585 : i1 to i32
        %sign3A_587 = arith.constant 0 : i32
        %sign3A_588 = arith.cmpi slt, %jit3A_575, %sign3A_587 : i32
        %sign3A_589 = arith.extui %sign3A_588 : i1 to i32
        %sign3A_590 = arith.subi %sign3A_586, %sign3A_589 : i32
        %ne3A_591 = arith.cmpi ne, %sign3A_583, %sign3A_590 : i32
        %rem3A_592 = arith.remsi %add3A_529, %jit3A_575 : i32
        %ne3A_593 = arith.constant 0 : i32
        %ne3A_594 = arith.cmpi ne, %rem3A_592, %ne3A_593 : i32
        %and3A_595 = arith.andi %ne3A_591, %ne3A_594 : i1
        %sub3A_596 = arith.constant 1 : i32
        %sub3A_597 = arith.subi %div3A_576, %sub3A_596 : i32
        %select_n3A_598 = arith.select %and3A_595, %sub3A_597, %div3A_576 : i32
        %jit3A_599 = arith.constant 2 : i32
        %eq3A_600 = arith.constant 0 : i32
        %eq3A_601 = arith.cmpi eq, %jit3A_599, %eq3A_600 : i32
        %jit3A_602 = arith.constant 1 : i32
        %select_n3A_603 = arith.select %eq3A_601, %jit3A_602, %jit3A_599 : i32
        %rem3A_604 = arith.remsi %select_n3A_598, %select_n3A_603 : i32
        %ne3A_605 = arith.constant 0 : i32
        %ne3A_606 = arith.cmpi ne, %rem3A_604, %ne3A_605 : i32
        %lt3A_607 = arith.constant 0 : i32
        %lt3A_608 = arith.cmpi slt, %rem3A_604, %lt3A_607 : i32
        %lt3A_609 = arith.constant 0 : i32
        %lt3A_610 = arith.cmpi slt, %select_n3A_603, %lt3A_609 : i32
        %ne3A_611 = arith.xori %lt3A_608, %lt3A_610 : i1
        %and3A_612 = arith.andi %ne3A_611, %ne3A_606 : i1
        %add3A_613 = arith.addi %rem3A_604, %select_n3A_603 : i32
        %select_n3A_614 = arith.select %and3A_612, %add3A_613, %rem3A_604 : i32
        %mul3A_615 = arith.constant 8 : i32
        %mul3A_616 = arith.muli %select_n3A_614, %mul3A_615 : i32
        %jit3A_617 = arith.constant 8 : i32
        %eq3A_618 = arith.constant 0 : i32
        %eq3A_619 = arith.cmpi eq, %jit3A_617, %eq3A_618 : i32
        %jit3A_620 = arith.constant 1 : i32
        %select_n3A_621 = arith.select %eq3A_619, %jit3A_620, %jit3A_617 : i32
        %rem3A_622 = arith.remsi %add3A_529, %select_n3A_621 : i32
        %ne3A_623 = arith.constant 0 : i32
        %ne3A_624 = arith.cmpi ne, %rem3A_622, %ne3A_623 : i32
        %lt3A_625 = arith.constant 0 : i32
        %lt3A_626 = arith.cmpi slt, %rem3A_622, %lt3A_625 : i32
        %lt3A_627 = arith.constant 0 : i32
        %lt3A_628 = arith.cmpi slt, %select_n3A_621, %lt3A_627 : i32
        %ne3A_629 = arith.xori %lt3A_626, %lt3A_628 : i1
        %and3A_630 = arith.andi %ne3A_629, %ne3A_624 : i1
        %add3A_631 = arith.addi %rem3A_622, %select_n3A_621 : i32
        %select_n3A_632 = arith.select %and3A_630, %add3A_631, %rem3A_622 : i32
        %add3A_633 = arith.addi %mul3A_616, %select_n3A_632 : i32
        %dma_start3A_634 = arith.constant 1 : i32
        %dma_start3A_635 = arith.constant 0 : i32
        %dma_start3A_636 = arith.constant 0 : i32
        %dma_start3A_637 = tpu.memref_slice %arg11[%dma_start3A_634, %dma_start3A_635, %dma_start3A_636] : memref<2x80x128xf32, #tpu.memory_space<vmem>> -> memref<1x80x128xf32, #tpu.memory_space<vmem>>
        %dma_start3A_638 = tpu.memref_squeeze %dma_start3A_637 : memref<1x80x128xf32, #tpu.memory_space<vmem>> -> memref<80x128xf32, #tpu.memory_space<vmem>>
        %dma_start3A_639 = arith.constant 0 : i32
        %dma_start3A_640 = tpu.memref_slice %arg8[%add3A_633, %dma_start3A_639] : memref<16x80xi32, #tpu.memory_space<vmem>> -> memref<1x80xi32, #tpu.memory_space<vmem>>
        %dma_start3A_641 = tpu.memref_squeeze %dma_start3A_640 : memref<1x80xi32, #tpu.memory_space<vmem>> -> memref<80xi32, #tpu.memory_space<vmem>>
        %dma_start3A_642 = arith.constant 0 : i32
        %dma_start3A_643 = arith.constant 0 : i32
        %dma_start3A_644 = tpu.memref_slice %arg2[%dma_start3A_642, %dma_start3A_643] : memref<10000x128xf32, #tpu.memory_space<hbm>> -> memref<10000x128xf32, #tpu.memory_space<hbm>>
        tpu.enqueue_indirect_dma source(%dma_start3A_644 : memref<10000x128xf32, #tpu.memory_space<hbm>>) target(%dma_start3A_638 : memref<80x128xf32, #tpu.memory_space<vmem>>) offsets(%dma_start3A_641 : memref<80xi32, #tpu.memory_space<vmem>>) semaphore(%arg16 : memref<!tpu.dma_semaphore, #tpu.memory_space<semaphore_mem>>)
      } else {
      }
    }
    %scan3A_83 = arith.constant 62 : i32
    %mul3A_84 = arith.constant 5000 : i32
    %mul3A_85 = arith.muli %add3A, %mul3A_84 : i32
    %add3A_86 = arith.constant 4960 : i32
    %add3A_87 = arith.addi %mul3A_85, %add3A_86 : i32
    %multiple_of3A_88 = tpu.assume_multiple %add3A_87, 8 : i32
    %dma_wait3A = arith.constant 0 : i32
    %dma_wait3A_89 = arith.constant 0 : i32
    %dma_wait3A_90 = arith.constant 0 : i32
    %dma_wait3A_91 = tpu.memref_slice %arg10[%dma_wait3A, %dma_wait3A_89, %dma_wait3A_90] : memref<2x40x128xf32, #tpu.memory_space<vmem>> -> memref<1x40x128xf32, #tpu.memory_space<vmem>>
    %dma_wait3A_92 = tpu.memref_squeeze %dma_wait3A_91 : memref<1x40x128xf32, #tpu.memory_space<vmem>> -> memref<40x128xf32, #tpu.memory_space<vmem>>
    %dma_wait3A_93 = arith.constant 0 : i32
    %dma_wait3A_94 = tpu.memref_slice %arg3[%multiple_of3A_88, %dma_wait3A_93] : memref<160000x128xf32, #tpu.memory_space<hbm>> -> memref<40x128xf32, #tpu.memory_space<hbm>>
    %dma_wait3A_95 = arith.constant 0 : i32
    %dma_wait3A_96 = arith.constant 0 : i32
    %dma_wait3A_97 = tpu.memref_slice %arg10[%dma_wait3A, %dma_wait3A_95, %dma_wait3A_96] : memref<2x40x128xf32, #tpu.memory_space<vmem>> -> memref<1x40x128xf32, #tpu.memory_space<vmem>>
    %dma_wait3A_98 = tpu.memref_squeeze %dma_wait3A_97 : memref<1x40x128xf32, #tpu.memory_space<vmem>> -> memref<40x128xf32, #tpu.memory_space<vmem>>
    %dma_wait3A_99 = arith.constant 0 : i32
    %dma_wait3A_100 = tpu.memref_slice %arg3[%multiple_of3A_88, %dma_wait3A_99] : memref<160000x128xf32, #tpu.memory_space<hbm>> -> memref<40x128xf32, #tpu.memory_space<hbm>>
    tpu.wait_dma2 semaphore(%arg13 : memref<!tpu.dma_semaphore, #tpu.memory_space<semaphore_mem>>) src(%dma_wait3A_100 : memref<40x128xf32, #tpu.memory_space<hbm>>) dst(%dma_wait3A_98 : memref<40x128xf32, #tpu.memory_space<vmem>>)
    %dma_wait3A_101 = arith.constant 12 : i32
    %dma_wait3A_102 = arith.constant 0 : i32
    %dma_wait3A_103 = arith.constant 0 : i32
    %dma_wait3A_104 = arith.constant 0 : i32
    %dma_wait3A_105 = tpu.memref_slice %arg11[%dma_wait3A_102, %dma_wait3A_103, %dma_wait3A_104] : memref<2x80x128xf32, #tpu.memory_space<vmem>> -> memref<1x80x128xf32, #tpu.memory_space<vmem>>
    %dma_wait3A_106 = tpu.memref_squeeze %dma_wait3A_105 : memref<1x80x128xf32, #tpu.memory_space<vmem>> -> memref<80x128xf32, #tpu.memory_space<vmem>>
    %dma_wait3A_107 = arith.constant 0 : i32
    %dma_wait3A_108 = tpu.memref_slice %arg8[%dma_wait3A_101, %dma_wait3A_107] : memref<16x80xi32, #tpu.memory_space<vmem>> -> memref<1x80xi32, #tpu.memory_space<vmem>>
    %dma_wait3A_109 = tpu.memref_squeeze %dma_wait3A_108 : memref<1x80xi32, #tpu.memory_space<vmem>> -> memref<80xi32, #tpu.memory_space<vmem>>
    %dma_wait3A_110 = arith.constant 0 : i32
    %dma_wait3A_111 = arith.constant 0 : i32
    %dma_wait3A_112 = tpu.memref_slice %arg2[%dma_wait3A_110, %dma_wait3A_111] : memref<10000x128xf32, #tpu.memory_space<hbm>> -> memref<10000x128xf32, #tpu.memory_space<hbm>>
    tpu.wait_indirect_dma semaphore(%arg15 : memref<!tpu.dma_semaphore, #tpu.memory_space<semaphore_mem>>) src(%dma_wait3A_112 : memref<10000x128xf32, #tpu.memory_space<hbm>>) dst(%dma_wait3A_106 : memref<80x128xf32, #tpu.memory_space<vmem>>)
    %dma_wait3A_113 = arith.constant 11 : i32
    %dma_wait3A_114 = arith.constant 0 : i32
    %dma_wait3A_115 = tpu.memref_slice %arg9[%dma_wait3A_113, %dma_wait3A_114] : memref<16x80xi32, #tpu.memory_space<vmem>> -> memref<1x80xi32, #tpu.memory_space<vmem>>
    %dma_wait3A_116 = tpu.memref_squeeze %dma_wait3A_115 : memref<1x80xi32, #tpu.memory_space<vmem>> -> memref<80xi32, #tpu.memory_space<vmem>>
    %dma_wait3A_117 = arith.constant 0 : i32
    %dma_wait3A_118 = arith.constant 0 : i32
    %dma_wait3A_119 = tpu.memref_slice %arg7[%dma_wait3A_117, %dma_wait3A_118] : memref<10112x128xf32, #tpu.memory_space<vmem_shared>> -> memref<10112x128xf32, #tpu.memory_space<vmem_shared>>
    tpu.wait_indirect_dma semaphore(%arg17 : memref<!tpu.dma_semaphore, #tpu.memory_space<semaphore_mem>>) src(%arg12 : memref<80x128xf32, #tpu.memory_space<vmem>>) dst(%dma_wait3A_119 : memref<10112x128xf32, #tpu.memory_space<vmem_shared>>)
    %parallel_loop3A = arith.constant 0 : i32
    %parallel_loop3A_120 = arith.constant 40 : i32
    %parallel_loop3A_121 = arith.constant 1 : i32
    scf.for %parallel_loop3A_141 = %parallel_loop3A to %parallel_loop3A_120 step %parallel_loop3A_121  : i32 {
      %parallel_loop3A_142 = arith.constant 2 : i32
      %parallel_loop3A_143 = arith.muli %parallel_loop3A_142, %parallel_loop3A_141 : i32
      %parallel_loop3A_144 = arith.constant 0 : i32
      %parallel_loop3A_145 = arith.addi %parallel_loop3A_143, %parallel_loop3A_144 : i32
      %parallel_loop3A_146 = arith.constant 0 : i32
      %parallel_loop3A_147 = arith.index_cast %parallel_loop3A_146 : i32 to index
      %parallel_loop3A_148 = arith.index_cast %parallel_loop3A_145 : i32 to index
      %parallel_loop3A_149 = arith.constant 0 : index
      %parallel_loop3A_150 = tpu.vector_load %arg11[%parallel_loop3A_147, %parallel_loop3A_148, %parallel_loop3A_149] {strides = array<i32>} : memref<2x80x128xf32, #tpu.memory_space<vmem>>, vector<1x1x16xf32>,
      %parallel_loop3A_151 = vector.shape_cast %parallel_loop3A_150 : vector<1x1x16xf32> to vector<16xf32>
      %parallel_loop3A_152 = arith.constant 0 : i32
      %parallel_loop3A_153 = arith.index_cast %parallel_loop3A_152 : i32 to index
      %parallel_loop3A_154 = arith.index_cast %parallel_loop3A_141 : i32 to index
      %parallel_loop3A_155 = arith.constant 0 : index
      %parallel_loop3A_156 = tpu.vector_load %arg10[%parallel_loop3A_153, %parallel_loop3A_154, %parallel_loop3A_155] {strides = array<i32>} : memref<2x40x128xf32, #tpu.memory_space<vmem>>, vector<1x1x16xf32>,
      %parallel_loop3A_157 = vector.shape_cast %parallel_loop3A_156 : vector<1x1x16xf32> to vector<16xf32>
      %parallel_loop3A_158 = arith.mulf %parallel_loop3A_151, %parallel_loop3A_157 : vector<16xf32>
      %parallel_loop3A_159 = arith.index_cast %parallel_loop3A_145 : i32 to index
      %parallel_loop3A_160 = arith.constant 0 : index
      %parallel_loop3A_161 = tpu.vector_load %arg12[%parallel_loop3A_159, %parallel_loop3A_160] {strides = array<i32>} : memref<80x128xf32, #tpu.memory_space<vmem>>, vector<1x16xf32>,
      %parallel_loop3A_162 = vector.shape_cast %parallel_loop3A_161 : vector<1x16xf32> to vector<16xf32>
      %parallel_loop3A_163 = vector.shape_cast %parallel_loop3A_158 : vector<16xf32> to vector<1x16xf32>
      tpu.vector_store %arg12[%parallel_loop3A_159, %parallel_loop3A_160], %parallel_loop3A_163 {strides = array<i32>} : memref<80x128xf32, #tpu.memory_space<vmem>>, vector<1x16xf32>,
      %parallel_loop3A_164 = arith.constant 2 : i32
      %parallel_loop3A_165 = arith.muli %parallel_loop3A_164, %parallel_loop3A_141 : i32
      %parallel_loop3A_166 = arith.constant 0 : i32
      %parallel_loop3A_167 = arith.addi %parallel_loop3A_165, %parallel_loop3A_166 : i32
      %parallel_loop3A_168 = arith.constant 0 : i32
      %parallel_loop3A_169 = arith.index_cast %parallel_loop3A_168 : i32 to index
      %parallel_loop3A_170 = arith.index_cast %parallel_loop3A_167 : i32 to index
      %parallel_loop3A_171 = arith.constant 16 : index
      %parallel_loop3A_172 = tpu.vector_load %arg11[%parallel_loop3A_169, %parallel_loop3A_170, %parallel_loop3A_171] {strides = array<i32>} : memref<2x80x128xf32, #tpu.memory_space<vmem>>, vector<1x1x16xf32>,
      %parallel_loop3A_173 = vector.shape_cast %parallel_loop3A_172 : vector<1x1x16xf32> to vector<16xf32>
      %parallel_loop3A_174 = arith.constant 0 : i32
      %parallel_loop3A_175 = arith.index_cast %parallel_loop3A_174 : i32 to index
      %parallel_loop3A_176 = arith.index_cast %parallel_loop3A_141 : i32 to index
      %parallel_loop3A_177 = arith.constant 16 : index
      %parallel_loop3A_178 = tpu.vector_load %arg10[%parallel_loop3A_175, %parallel_loop3A_176, %parallel_loop3A_177] {strides = array<i32>} : memref<2x40x128xf32, #tpu.memory_space<vmem>>, vector<1x1x16xf32>,
      %parallel_loop3A_179 = vector.shape_cast %parallel_loop3A_178 : vector<1x1x16xf32> to vector<16xf32>
      %parallel_loop3A_180 = arith.mulf %parallel_loop3A_173, %parallel_loop3A_179 : vector<16xf32>
      %parallel_loop3A_181 = arith.index_cast %parallel_loop3A_167 : i32 to index
      %parallel_loop3A_182 = arith.constant 16 : index
      %parallel_loop3A_183 = tpu.vector_load %arg12[%parallel_loop3A_181, %parallel_loop3A_182] {strides = array<i32>} : memref<80x128xf32, #tpu.memory_space<vmem>>, vector<1x16xf32>,
      %parallel_loop3A_184 = vector.shape_cast %parallel_loop3A_183 : vector<1x16xf32> to vector<16xf32>
      %parallel_loop3A_185 = vector.shape_cast %parallel_loop3A_180 : vector<16xf32> to vector<1x16xf32>
      tpu.vector_store %arg12[%parallel_loop3A_181, %parallel_loop3A_182], %parallel_loop3A_185 {strides = array<i32>} : memref<80x128xf32, #tpu.memory_space<vmem>>, vector<1x16xf32>,
      %parallel_loop3A_186 = arith.constant 2 : i32
      %parallel_loop3A_187 = arith.muli %parallel_loop3A_186, %parallel_loop3A_141 : i32
      %parallel_loop3A_188 = arith.constant 0 : i32
      %parallel_loop3A_189 = arith.addi %parallel_loop3A_187, %parallel_loop3A_188 : i32
      %parallel_loop3A_190 = arith.constant 0 : i32
      %parallel_loop3A_191 = arith.index_cast %parallel_loop3A_190 : i32 to index
      %parallel_loop3A_192 = arith.index_cast %parallel_loop3A_189 : i32 to index
      %parallel_loop3A_193 = arith.constant 32 : index
      %parallel_loop3A_194 = tpu.vector_load %arg11[%parallel_loop3A_191, %parallel_loop3A_192, %parallel_loop3A_193] {strides = array<i32>} : memref<2x80x128xf32, #tpu.memory_space<vmem>>, vector<1x1x16xf32>,
      %parallel_loop3A_195 = vector.shape_cast %parallel_loop3A_194 : vector<1x1x16xf32> to vector<16xf32>
      %parallel_loop3A_196 = arith.constant 0 : i32
      %parallel_loop3A_197 = arith.index_cast %parallel_loop3A_196 : i32 to index
      %parallel_loop3A_198 = arith.index_cast %parallel_loop3A_141 : i32 to index
      %parallel_loop3A_199 = arith.constant 32 : index
      %parallel_loop3A_200 = tpu.vector_load %arg10[%parallel_loop3A_197, %parallel_loop3A_198, %parallel_loop3A_199] {strides = array<i32>} : memref<2x40x128xf32, #tpu.memory_space<vmem>>, vector<1x1x16xf32>,
      %parallel_loop3A_201 = vector.shape_cast %parallel_loop3A_200 : vector<1x1x16xf32> to vector<16xf32>
      %parallel_loop3A_202 = arith.mulf %parallel_loop3A_195, %parallel_loop3A_201 : vector<16xf32>
      %parallel_loop3A_203 = arith.index_cast %parallel_loop3A_189 : i32 to index
      %parallel_loop3A_204 = arith.constant 32 : index
      %parallel_loop3A_205 = tpu.vector_load %arg12[%parallel_loop3A_203, %parallel_loop3A_204] {strides = array<i32>} : memref<80x128xf32, #tpu.memory_space<vmem>>, vector<1x16xf32>,
      %parallel_loop3A_206 = vector.shape_cast %parallel_loop3A_205 : vector<1x16xf32> to vector<16xf32>
      %parallel_loop3A_207 = vector.shape_cast %parallel_loop3A_202 : vector<16xf32> to vector<1x16xf32>
      tpu.vector_store %arg12[%parallel_loop3A_203, %parallel_loop3A_204], %parallel_loop3A_207 {strides = array<i32>} : memref<80x128xf32, #tpu.memory_space<vmem>>, vector<1x16xf32>,
      %parallel_loop3A_208 = arith.constant 2 : i32
      %parallel_loop3A_209 = arith.muli %parallel_loop3A_208, %parallel_loop3A_141 : i32
      %parallel_loop3A_210 = arith.constant 0 : i32
      %parallel_loop3A_211 = arith.addi %parallel_loop3A_209, %parallel_loop3A_210 : i32
      %parallel_loop3A_212 = arith.constant 0 : i32
      %parallel_loop3A_213 = arith.index_cast %parallel_loop3A_212 : i32 to index
      %parallel_loop3A_214 = arith.index_cast %parallel_loop3A_211 : i32 to index
      %parallel_loop3A_215 = arith.constant 48 : index
      %parallel_loop3A_216 = tpu.vector_load %arg11[%parallel_loop3A_213, %parallel_loop3A_214, %parallel_loop3A_215] {strides = array<i32>} : memref<2x80x128xf32, #tpu.memory_space<vmem>>, vector<1x1x16xf32>,
      %parallel_loop3A_217 = vector.shape_cast %parallel_loop3A_216 : vector<1x1x16xf32> to vector<16xf32>
      %parallel_loop3A_218 = arith.constant 0 : i32
      %parallel_loop3A_219 = arith.index_cast %parallel_loop3A_218 : i32 to index
      %parallel_loop3A_220 = arith.index_cast %parallel_loop3A_141 : i32 to index
      %parallel_loop3A_221 = arith.constant 48 : index
      %parallel_loop3A_222 = tpu.vector_load %arg10[%parallel_loop3A_219, %parallel_loop3A_220, %parallel_loop3A_221] {strides = array<i32>} : memref<2x40x128xf32, #tpu.memory_space<vmem>>, vector<1x1x16xf32>,
      %parallel_loop3A_223 = vector.shape_cast %parallel_loop3A_222 : vector<1x1x16xf32> to vector<16xf32>
      %parallel_loop3A_224 = arith.mulf %parallel_loop3A_217, %parallel_loop3A_223 : vector<16xf32>
      %parallel_loop3A_225 = arith.index_cast %parallel_loop3A_211 : i32 to index
      %parallel_loop3A_226 = arith.constant 48 : index
      %parallel_loop3A_227 = tpu.vector_load %arg12[%parallel_loop3A_225, %parallel_loop3A_226] {strides = array<i32>} : memref<80x128xf32, #tpu.memory_space<vmem>>, vector<1x16xf32>,
      %parallel_loop3A_228 = vector.shape_cast %parallel_loop3A_227 : vector<1x16xf32> to vector<16xf32>
      %parallel_loop3A_229 = vector.shape_cast %parallel_loop3A_224 : vector<16xf32> to vector<1x16xf32>
      tpu.vector_store %arg12[%parallel_loop3A_225, %parallel_loop3A_226], %parallel_loop3A_229 {strides = array<i32>} : memref<80x128xf32, #tpu.memory_space<vmem>>, vector<1x16xf32>,
      %parallel_loop3A_230 = arith.constant 2 : i32
      %parallel_loop3A_231 = arith.muli %parallel_loop3A_230, %parallel_loop3A_141 : i32
      %parallel_loop3A_232 = arith.constant 1 : i32
      %parallel_loop3A_233 = arith.addi %parallel_loop3A_231, %parallel_loop3A_232 : i32
      %parallel_loop3A_234 = arith.constant 0 : i32
      %parallel_loop3A_235 = arith.index_cast %parallel_loop3A_234 : i32 to index
      %parallel_loop3A_236 = arith.index_cast %parallel_loop3A_233 : i32 to index
      %parallel_loop3A_237 = arith.constant 0 : index
      %parallel_loop3A_238 = tpu.vector_load %arg11[%parallel_loop3A_235, %parallel_loop3A_236, %parallel_loop3A_237] {strides = array<i32>} : memref<2x80x128xf32, #tpu.memory_space<vmem>>, vector<1x1x16xf32>,
      %parallel_loop3A_239 = vector.shape_cast %parallel_loop3A_238 : vector<1x1x16xf32> to vector<16xf32>
      %parallel_loop3A_240 = arith.constant 0 : i32
      %parallel_loop3A_241 = arith.index_cast %parallel_loop3A_240 : i32 to index
      %parallel_loop3A_242 = arith.index_cast %parallel_loop3A_141 : i32 to index
      %parallel_loop3A_243 = arith.constant 64 : index
      %parallel_loop3A_244 = tpu.vector_load %arg10[%parallel_loop3A_241, %parallel_loop3A_242, %parallel_loop3A_243] {strides = array<i32>} : memref<2x40x128xf32, #tpu.memory_space<vmem>>, vector<1x1x16xf32>,
      %parallel_loop3A_245 = vector.shape_cast %parallel_loop3A_244 : vector<1x1x16xf32> to vector<16xf32>
      %parallel_loop3A_246 = arith.mulf %parallel_loop3A_239, %parallel_loop3A_245 : vector<16xf32>
      %parallel_loop3A_247 = arith.index_cast %parallel_loop3A_233 : i32 to index
      %parallel_loop3A_248 = arith.constant 0 : index
      %parallel_loop3A_249 = tpu.vector_load %arg12[%parallel_loop3A_247, %parallel_loop3A_248] {strides = array<i32>} : memref<80x128xf32, #tpu.memory_space<vmem>>, vector<1x16xf32>,
      %parallel_loop3A_250 = vector.shape_cast %parallel_loop3A_249 : vector<1x16xf32> to vector<16xf32>
      %parallel_loop3A_251 = vector.shape_cast %parallel_loop3A_246 : vector<16xf32> to vector<1x16xf32>
      tpu.vector_store %arg12[%parallel_loop3A_247, %parallel_loop3A_248], %parallel_loop3A_251 {strides = array<i32>} : memref<80x128xf32, #tpu.memory_space<vmem>>, vector<1x16xf32>,
      %parallel_loop3A_252 = arith.constant 2 : i32
      %parallel_loop3A_253 = arith.muli %parallel_loop3A_252, %parallel_loop3A_141 : i32
      %parallel_loop3A_254 = arith.constant 1 : i32
      %parallel_loop3A_255 = arith.addi %parallel_loop3A_253, %parallel_loop3A_254 : i32
      %parallel_loop3A_256 = arith.constant 0 : i32
      %parallel_loop3A_257 = arith.index_cast %parallel_loop3A_256 : i32 to index
      %parallel_loop3A_258 = arith.index_cast %parallel_loop3A_255 : i32 to index
      %parallel_loop3A_259 = arith.constant 16 : index
      %parallel_loop3A_260 = tpu.vector_load %arg11[%parallel_loop3A_257, %parallel_loop3A_258, %parallel_loop3A_259] {strides = array<i32>} : memref<2x80x128xf32, #tpu.memory_space<vmem>>, vector<1x1x16xf32>,
      %parallel_loop3A_261 = vector.shape_cast %parallel_loop3A_260 : vector<1x1x16xf32> to vector<16xf32>
      %parallel_loop3A_262 = arith.constant 0 : i32
      %parallel_loop3A_263 = arith.index_cast %parallel_loop3A_262 : i32 to index
      %parallel_loop3A_264 = arith.index_cast %parallel_loop3A_141 : i32 to index
      %parallel_loop3A_265 = arith.constant 80 : index
      %parallel_loop3A_266 = tpu.vector_load %arg10[%parallel_loop3A_263, %parallel_loop3A_264, %parallel_loop3A_265] {strides = array<i32>} : memref<2x40x128xf32, #tpu.memory_space<vmem>>, vector<1x1x16xf32>,
      %parallel_loop3A_267 = vector.shape_cast %parallel_loop3A_266 : vector<1x1x16xf32> to vector<16xf32>
      %parallel_loop3A_268 = arith.mulf %parallel_loop3A_261, %parallel_loop3A_267 : vector<16xf32>
      %parallel_loop3A_269 = arith.index_cast %parallel_loop3A_255 : i32 to index
      %parallel_loop3A_270 = arith.constant 16 : index
      %parallel_loop3A_271 = tpu.vector_load %arg12[%parallel_loop3A_269, %parallel_loop3A_270] {strides = array<i32>} : memref<80x128xf32, #tpu.memory_space<vmem>>, vector<1x16xf32>,
      %parallel_loop3A_272 = vector.shape_cast %parallel_loop3A_271 : vector<1x16xf32> to vector<16xf32>
      %parallel_loop3A_273 = vector.shape_cast %parallel_loop3A_268 : vector<16xf32> to vector<1x16xf32>
      tpu.vector_store %arg12[%parallel_loop3A_269, %parallel_loop3A_270], %parallel_loop3A_273 {strides = array<i32>} : memref<80x128xf32, #tpu.memory_space<vmem>>, vector<1x16xf32>,
      %parallel_loop3A_274 = arith.constant 2 : i32
      %parallel_loop3A_275 = arith.muli %parallel_loop3A_274, %parallel_loop3A_141 : i32
      %parallel_loop3A_276 = arith.constant 1 : i32
      %parallel_loop3A_277 = arith.addi %parallel_loop3A_275, %parallel_loop3A_276 : i32
      %parallel_loop3A_278 = arith.constant 0 : i32
      %parallel_loop3A_279 = arith.index_cast %parallel_loop3A_278 : i32 to index
      %parallel_loop3A_280 = arith.index_cast %parallel_loop3A_277 : i32 to index
      %parallel_loop3A_281 = arith.constant 32 : index
      %parallel_loop3A_282 = tpu.vector_load %arg11[%parallel_loop3A_279, %parallel_loop3A_280, %parallel_loop3A_281] {strides = array<i32>} : memref<2x80x128xf32, #tpu.memory_space<vmem>>, vector<1x1x16xf32>,
      %parallel_loop3A_283 = vector.shape_cast %parallel_loop3A_282 : vector<1x1x16xf32> to vector<16xf32>
      %parallel_loop3A_284 = arith.constant 0 : i32
      %parallel_loop3A_285 = arith.index_cast %parallel_loop3A_284 : i32 to index
      %parallel_loop3A_286 = arith.index_cast %parallel_loop3A_141 : i32 to index
      %parallel_loop3A_287 = arith.constant 96 : index
      %parallel_loop3A_288 = tpu.vector_load %arg10[%parallel_loop3A_285, %parallel_loop3A_286, %parallel_loop3A_287] {strides = array<i32>} : memref<2x40x128xf32, #tpu.memory_space<vmem>>, vector<1x1x16xf32>,
      %parallel_loop3A_289 = vector.shape_cast %parallel_loop3A_288 : vector<1x1x16xf32> to vector<16xf32>
      %parallel_loop3A_290 = arith.mulf %parallel_loop3A_283, %parallel_loop3A_289 : vector<16xf32>
      %parallel_loop3A_291 = arith.index_cast %parallel_loop3A_277 : i32 to index
      %parallel_loop3A_292 = arith.constant 32 : index
      %parallel_loop3A_293 = tpu.vector_load %arg12[%parallel_loop3A_291, %parallel_loop3A_292] {strides = array<i32>} : memref<80x128xf32, #tpu.memory_space<vmem>>, vector<1x16xf32>,
      %parallel_loop3A_294 = vector.shape_cast %parallel_loop3A_293 : vector<1x16xf32> to vector<16xf32>
      %parallel_loop3A_295 = vector.shape_cast %parallel_loop3A_290 : vector<16xf32> to vector<1x16xf32>
      tpu.vector_store %arg12[%parallel_loop3A_291, %parallel_loop3A_292], %parallel_loop3A_295 {strides = array<i32>} : memref<80x128xf32, #tpu.memory_space<vmem>>, vector<1x16xf32>,
      %parallel_loop3A_296 = arith.constant 2 : i32
      %parallel_loop3A_297 = arith.muli %parallel_loop3A_296, %parallel_loop3A_141 : i32
      %parallel_loop3A_298 = arith.constant 1 : i32
      %parallel_loop3A_299 = arith.addi %parallel_loop3A_297, %parallel_loop3A_298 : i32
      %parallel_loop3A_300 = arith.constant 0 : i32
      %parallel_loop3A_301 = arith.index_cast %parallel_loop3A_300 : i32 to index
      %parallel_loop3A_302 = arith.index_cast %parallel_loop3A_299 : i32 to index
      %parallel_loop3A_303 = arith.constant 48 : index
      %parallel_loop3A_304 = tpu.vector_load %arg11[%parallel_loop3A_301, %parallel_loop3A_302, %parallel_loop3A_303] {strides = array<i32>} : memref<2x80x128xf32, #tpu.memory_space<vmem>>, vector<1x1x16xf32>,
      %parallel_loop3A_305 = vector.shape_cast %parallel_loop3A_304 : vector<1x1x16xf32> to vector<16xf32>
      %parallel_loop3A_306 = arith.constant 0 : i32
      %parallel_loop3A_307 = arith.index_cast %parallel_loop3A_306 : i32 to index
      %parallel_loop3A_308 = arith.index_cast %parallel_loop3A_141 : i32 to index
      %parallel_loop3A_309 = arith.constant 112 : index
      %parallel_loop3A_310 = tpu.vector_load %arg10[%parallel_loop3A_307, %parallel_loop3A_308, %parallel_loop3A_309] {strides = array<i32>} : memref<2x40x128xf32, #tpu.memory_space<vmem>>, vector<1x1x16xf32>,
      %parallel_loop3A_311 = vector.shape_cast %parallel_loop3A_310 : vector<1x1x16xf32> to vector<16xf32>
      %parallel_loop3A_312 = arith.mulf %parallel_loop3A_305, %parallel_loop3A_311 : vector<16xf32>
      %parallel_loop3A_313 = arith.index_cast %parallel_loop3A_299 : i32 to index
      %parallel_loop3A_314 = arith.constant 48 : index
      %parallel_loop3A_315 = tpu.vector_load %arg12[%parallel_loop3A_313, %parallel_loop3A_314] {strides = array<i32>} : memref<80x128xf32, #tpu.memory_space<vmem>>, vector<1x16xf32>,
      %parallel_loop3A_316 = vector.shape_cast %parallel_loop3A_315 : vector<1x16xf32> to vector<16xf32>
      %parallel_loop3A_317 = vector.shape_cast %parallel_loop3A_312 : vector<16xf32> to vector<1x16xf32>
      tpu.vector_store %arg12[%parallel_loop3A_313, %parallel_loop3A_314], %parallel_loop3A_317 {strides = array<i32>} : memref<80x128xf32, #tpu.memory_space<vmem>>, vector<1x16xf32>,
    } {sc.loop_unroll_factor = 4 : i64, sc.parallel_access}
    %dma_start3A_122 = arith.constant 12 : i32
    %dma_start3A_123 = arith.constant 0 : i32
    %dma_start3A_124 = tpu.memref_slice %arg9[%dma_start3A_122, %dma_start3A_123] : memref<16x80xi32, #tpu.memory_space<vmem>> -> memref<1x80xi32, #tpu.memory_space<vmem>>
    %dma_start3A_125 = tpu.memref_squeeze %dma_start3A_124 : memref<1x80xi32, #tpu.memory_space<vmem>> -> memref<80xi32, #tpu.memory_space<vmem>>
    %dma_start3A_126 = arith.constant 0 : i32
    %dma_start3A_127 = arith.constant 0 : i32
    %dma_start3A_128 = tpu.memref_slice %arg7[%dma_start3A_126, %dma_start3A_127] : memref<10112x128xf32, #tpu.memory_space<vmem_shared>> -> memref<10112x128xf32, #tpu.memory_space<vmem_shared>>
    tpu.enqueue_indirect_dma source(%arg12 : memref<80x128xf32, #tpu.memory_space<vmem>>) target(%dma_start3A_128 : memref<10112x128xf32, #tpu.memory_space<vmem_shared>>) offsets(%dma_start3A_125 : memref<80xi32, #tpu.memory_space<vmem>>) semaphore(%arg17 : memref<!tpu.dma_semaphore, #tpu.memory_space<semaphore_mem>>) {add = true}
    %dma_wait3A_129 = arith.constant 12 : i32
    %dma_wait3A_130 = arith.constant 0 : i32
    %dma_wait3A_131 = tpu.memref_slice %arg9[%dma_wait3A_129, %dma_wait3A_130] : memref<16x80xi32, #tpu.memory_space<vmem>> -> memref<1x80xi32, #tpu.memory_space<vmem>>
    %dma_wait3A_132 = tpu.memref_squeeze %dma_wait3A_131 : memref<1x80xi32, #tpu.memory_space<vmem>> -> memref<80xi32, #tpu.memory_space<vmem>>
    %dma_wait3A_133 = arith.constant 0 : i32
    %dma_wait3A_134 = arith.constant 0 : i32
    %dma_wait3A_135 = tpu.memref_slice %arg7[%dma_wait3A_133, %dma_wait3A_134] : memref<10112x128xf32, #tpu.memory_space<vmem_shared>> -> memref<10112x128xf32, #tpu.memory_space<vmem_shared>>
    tpu.wait_indirect_dma semaphore(%arg17 : memref<!tpu.dma_semaphore, #tpu.memory_space<semaphore_mem>>) src(%arg12 : memref<80x128xf32, #tpu.memory_space<vmem>>) dst(%dma_wait3A_135 : memref<10112x128xf32, #tpu.memory_space<vmem_shared>>)
    %barrier3A_136 = arith.constant 0 : index
    tpu.barrier barrier_id(%barrier3A_136)
    %mul3A_137 = arith.constant 632 : i32
    %mul3A_138 = arith.muli %arg1, %mul3A_137 : i32
    %mul3A_139 = arith.constant 632 : i32
    %mul3A_140 = arith.muli %arg1, %mul3A_139 : i32
    "tpu.region"() ({
      %run_scoped3A = tpu.sem_alloc : memref<!tpu.dma_semaphore, #tpu.memory_space<semaphore_mem>>
      %dma_start3A_141 = arith.constant 0 : i32
      %dma_start3A_142 = tpu.memref_slice %arg6[%arg0, %mul3A_140, %dma_start3A_141] : memref<2x10112x128xf32, #tpu.memory_space<hbm>> -> memref<1x632x128xf32, #tpu.memory_space<hbm>>
      %dma_start3A_143 = tpu.memref_squeeze %dma_start3A_142 : memref<1x632x128xf32, #tpu.memory_space<hbm>> -> memref<632x128xf32, #tpu.memory_space<hbm>>
      %dma_start3A_144 = arith.constant 0 : i32
      %dma_start3A_145 = tpu.memref_slice %arg7[%mul3A_138, %dma_start3A_144] : memref<10112x128xf32, #tpu.memory_space<vmem_shared>> -> memref<632x128xf32, #tpu.memory_space<vmem_shared>>
      tpu.enqueue_dma source(%dma_start3A_145 : memref<632x128xf32, #tpu.memory_space<vmem_shared>>) target(%dma_start3A_143 : memref<632x128xf32, #tpu.memory_space<hbm>>) target_semaphore(%run_scoped3A : memref<!tpu.dma_semaphore, #tpu.memory_space<semaphore_mem>>)
      %dma_wait3A_146 = arith.constant 0 : i32
      %dma_wait3A_147 = tpu.memref_slice %arg6[%arg0, %mul3A_140, %dma_wait3A_146] : memref<2x10112x128xf32, #tpu.memory_space<hbm>> -> memref<1x632x128xf32, #tpu.memory_space<hbm>>
      %dma_wait3A_148 = tpu.memref_squeeze %dma_wait3A_147 : memref<1x632x128xf32, #tpu.memory_space<hbm>> -> memref<632x128xf32, #tpu.memory_space<hbm>>
      %dma_wait3A_149 = arith.constant 0 : i32
      %dma_wait3A_150 = tpu.memref_slice %arg7[%mul3A_138, %dma_wait3A_149] : memref<10112x128xf32, #tpu.memory_space<vmem_shared>> -> memref<632x128xf32, #tpu.memory_space<vmem_shared>>
      tpu.wait_dma2 semaphore(%run_scoped3A : memref<!tpu.dma_semaphore, #tpu.memory_space<semaphore_mem>>) src(%dma_wait3A_150 : memref<632x128xf32, #tpu.memory_space<vmem_shared>>) dst(%dma_wait3A_148 : memref<632x128xf32, #tpu.memory_space<hbm>>)
      tpu.yield
    }) : () -> ()
    return
  }
}

module attributes {stable_mosaic.version = 14 : i64} {
  func.func @_nodeproj_body(%arg0: i32, %arg1: memref<2000x128xf32, #tpu.memory_space<vmem>>, %arg2: memref<128x128xf32, #tpu.memory_space<vmem>>, %arg3: memref<1x128xf32, #tpu.memory_space<vmem>>, %arg4: memref<2000x128xf32, #tpu.memory_space<vmem>>) attributes {dimension_semantics = [#tpu.dimension_semantics<arbitrary>], iteration_bounds = array<i64: 5>, scalar_prefetch = 0 : i64, scratch_operands = 0 : i64, tpu.core_type = #tpu.core_type<tc>, window_params = [{transform_indices = @transform_0, window_bounds = array<i64: 2000, 128>}, {pipeline_mode = #tpu.pipeline_mode<synchronous>, transform_indices = @transform_1, window_bounds = array<i64: 128, 128>}, {pipeline_mode = #tpu.pipeline_mode<synchronous>, transform_indices = @transform_2, window_bounds = array<i64: 1, 128>}, {transform_indices = @transform_3, window_bounds = array<i64: 2000, 128>}]} {
    %get3A = arith.constant 0 : index
    %get3A_0 = arith.constant 0 : index
    %get3A_1 = vector.load %arg1[%get3A, %get3A_0] : memref<2000x128xf32, #tpu.memory_space<vmem>>, vector<2000x128xf32>
    %get3A_2 = arith.constant 0 : index
    %get3A_3 = arith.constant 0 : index
    %get3A_4 = vector.load %arg2[%get3A_2, %get3A_3] : memref<128x128xf32, #tpu.memory_space<vmem>>, vector<128x128xf32>
    %dot_general3A = arith.constant dense<0.000000e+00> : vector<2000x128xf32>
    %dot_general3A_5 = tpu.matmul %get3A_1, %get3A_4, %dot_general3A {dimension_numbers = #tpu.dot_dimension_numbers<[1], [0], [0], [1], [0, 0, 1, 1], [], []>, transpose_lhs_hint = false} : vector<2000x128xf32>, vector<128x128xf32>, vector<2000x128xf32> -> vector<2000x128xf32>
    %get3A_6 = arith.constant 0 : index
    %get3A_7 = arith.constant 0 : index
    %get3A_8 = vector.load %arg3[%get3A_6, %get3A_7] : memref<1x128xf32, #tpu.memory_space<vmem>>, vector<1x128xf32>
    %add3A = vector.broadcast %get3A_8 : vector<1x128xf32> to vector<2000x128xf32>
    %add3A_9 = arith.addf %dot_general3A_5, %add3A : vector<2000x128xf32>
    %swap3A = arith.constant 0 : index
    %swap3A_10 = arith.constant 0 : index
    %swap3A_11 = vector.load %arg4[%swap3A, %swap3A_10] : memref<2000x128xf32, #tpu.memory_space<vmem>>, vector<2000x128xf32>
    tpu.vector_store %arg4[%swap3A, %swap3A_10], %add3A_9 {strides = array<i32>} : memref<2000x128xf32, #tpu.memory_space<vmem>>, vector<2000x128xf32>,
    return
  }
  func.func @transform_0(%arg0: i32) -> (i32, i32) {
    %c0_i32 = arith.constant 0 : i32
    %c0_i32_0 = arith.constant 0 : i32
    return %arg0, %c0_i32 : i32, i32
  }
  func.func @transform_1(%arg0: i32) -> (i32, i32) {
    %c0_i32 = arith.constant 0 : i32
    %c0_i32_0 = arith.constant 0 : i32
    %c0_i32_1 = arith.constant 0 : i32
    return %c0_i32, %c0_i32_0 : i32, i32
  }
  func.func @transform_2(%arg0: i32) -> (i32, i32) {
    %c0_i32 = arith.constant 0 : i32
    %c0_i32_0 = arith.constant 0 : i32
    %c0_i32_1 = arith.constant 0 : i32
    return %c0_i32, %c0_i32_0 : i32, i32
  }
  func.func @transform_3(%arg0: i32) -> (i32, i32) {
    %c0_i32 = arith.constant 0 : i32
    %c0_i32_0 = arith.constant 0 : i32
    return %arg0, %c0_i32 : i32, i32
  }
}

module attributes {stable_mosaic.version = 14 : i64} {
  func.func @_edgemlp_body(%arg0: i32, %arg1: memref<16x16000xf32, #tpu.memory_space<vmem>>, %arg2: memref<16x16000xf32, #tpu.memory_space<vmem>>, %arg3: memref<32x128xf32, #tpu.memory_space<vmem>>, %arg4: memref<1x128xf32, #tpu.memory_space<vmem>>, %arg5: memref<128x128xf32, #tpu.memory_space<vmem>>, %arg6: memref<1x128xf32, #tpu.memory_space<vmem>>, %arg7: memref<16000x128xf32, #tpu.memory_space<vmem>>) attributes {dimension_semantics = [#tpu.dimension_semantics<arbitrary>], iteration_bounds = array<i64: 10>, scalar_prefetch = 0 : i64, scratch_operands = 0 : i64, tpu.core_type = #tpu.core_type<tc>, window_params = [{transform_indices = @transform_0, window_bounds = array<i64: 16, 16000>}, {transform_indices = @transform_1, window_bounds = array<i64: 16, 16000>}, {pipeline_mode = #tpu.pipeline_mode<synchronous>, transform_indices = @transform_2, window_bounds = array<i64: 32, 128>}, {pipeline_mode = #tpu.pipeline_mode<synchronous>, transform_indices = @transform_3, window_bounds = array<i64: 1, 128>}, {pipeline_mode = #tpu.pipeline_mode<synchronous>, transform_indices = @transform_4, window_bounds = array<i64: 128, 128>}, {pipeline_mode = #tpu.pipeline_mode<synchronous>, transform_indices = @transform_5, window_bounds = array<i64: 1, 128>}, {transform_indices = @transform_6, window_bounds = array<i64: 16000, 128>}]} {
    %get3A = arith.constant 0 : index
    %get3A_0 = arith.constant 0 : index
    %get3A_1 = vector.load %arg1[%get3A, %get3A_0] : memref<16x16000xf32, #tpu.memory_space<vmem>>, vector<16x16000xf32>
    %get3A_2 = arith.constant 0 : index
    %get3A_3 = arith.constant 0 : index
    %get3A_4 = vector.load %arg2[%get3A_2, %get3A_3] : memref<16x16000xf32, #tpu.memory_space<vmem>>, vector<16x16000xf32>
    %concatenate3A = tpu.concatenate %get3A_1, %get3A_4 in 0 : vector<16x16000xf32>, vector<16x16000xf32> -> vector<32x16000xf32>
    %get3A_5 = arith.constant 0 : index
    %get3A_6 = arith.constant 0 : index
    %get3A_7 = vector.load %arg3[%get3A_5, %get3A_6] : memref<32x128xf32, #tpu.memory_space<vmem>>, vector<32x128xf32>
    %dot_general3A = arith.constant dense<0.000000e+00> : vector<16000x128xf32>
    %dot_general3A_8 = tpu.matmul %concatenate3A, %get3A_7, %dot_general3A {dimension_numbers = #tpu.dot_dimension_numbers<[0], [0], [1], [1], [0, 1, 1, 1], [], []>, transpose_lhs_hint = false} : vector<32x16000xf32>, vector<32x128xf32>, vector<16000x128xf32> -> vector<16000x128xf32>
    %get3A_9 = arith.constant 0 : index
    %get3A_10 = arith.constant 0 : index
    %get3A_11 = vector.load %arg4[%get3A_9, %get3A_10] : memref<1x128xf32, #tpu.memory_space<vmem>>, vector<1x128xf32>
    %add3A = vector.broadcast %get3A_11 : vector<1x128xf32> to vector<16000x128xf32>
    %add3A_12 = arith.addf %dot_general3A_8, %add3A : vector<16000x128xf32>
    %abs3A = math.absf %add3A_12 : vector<16000x128xf32>
    %mul3A = arith.constant -1.44269502 : f32
    %mul3A_13 = vector.broadcast %mul3A : f32 to vector<16000x128xf32>
    %mul3A_14 = arith.mulf %abs3A, %mul3A_13 : vector<16000x128xf32>
    %exp23A = math.exp2 %mul3A_14 : vector<16000x128xf32>
    %max3A = arith.constant 0.000000e+00 : f32
    %max3A_15 = vector.broadcast %max3A : f32 to vector<16000x128xf32>
    %max3A_16 = arith.maximumf %add3A_12, %max3A_15 : vector<16000x128xf32>
    %add3A_17 = arith.constant 1.000000e+00 : f32
    %add3A_18 = vector.broadcast %add3A_17 : f32 to vector<16000x128xf32>
    %add3A_19 = arith.addf %add3A_18, %exp23A : vector<16000x128xf32>
    %log3A = math.log %add3A_19 : vector<16000x128xf32>
    %log3A_20 = arith.constant 2.000000e+00 : f32
    %log3A_21 = math.log %log3A_20 : f32
    %div3A = vector.broadcast %log3A_21 : f32 to vector<16000x128xf32>
    %div3A_22 = arith.divf %log3A, %div3A : vector<16000x128xf32>
    %mul3A_23 = arith.constant 0.693147182 : f32
    %mul3A_24 = vector.broadcast %mul3A_23 : f32 to vector<16000x128xf32>
    %mul3A_25 = arith.mulf %div3A_22, %mul3A_24 : vector<16000x128xf32>
    %add3A_26 = arith.addf %max3A_16, %mul3A_25 : vector<16000x128xf32>
    %sub3A = arith.constant 0.693147182 : f32
    %sub3A_27 = vector.broadcast %sub3A : f32 to vector<16000x128xf32>
    %sub3A_28 = arith.subf %add3A_26, %sub3A_27 : vector<16000x128xf32>
    %get3A_29 = arith.constant 0 : index
    %get3A_30 = arith.constant 0 : index
    %get3A_31 = vector.load %arg5[%get3A_29, %get3A_30] : memref<128x128xf32, #tpu.memory_space<vmem>>, vector<128x128xf32>
    %dot_general3A_32 = arith.constant dense<0.000000e+00> : vector<16000x128xf32>
    %dot_general3A_33 = tpu.matmul %sub3A_28, %get3A_31, %dot_general3A_32 {dimension_numbers = #tpu.dot_dimension_numbers<[1], [0], [0], [1], [0, 0, 1, 1], [], []>, transpose_lhs_hint = false} : vector<16000x128xf32>, vector<128x128xf32>, vector<16000x128xf32> -> vector<16000x128xf32>
    %get3A_34 = arith.constant 0 : index
    %get3A_35 = arith.constant 0 : index
    %get3A_36 = vector.load %arg6[%get3A_34, %get3A_35] : memref<1x128xf32, #tpu.memory_space<vmem>>, vector<1x128xf32>
    %add3A_37 = vector.broadcast %get3A_36 : vector<1x128xf32> to vector<16000x128xf32>
    %add3A_38 = arith.addf %dot_general3A_33, %add3A_37 : vector<16000x128xf32>
    %abs3A_39 = math.absf %add3A_38 : vector<16000x128xf32>
    %mul3A_40 = arith.constant -1.44269502 : f32
    %mul3A_41 = vector.broadcast %mul3A_40 : f32 to vector<16000x128xf32>
    %mul3A_42 = arith.mulf %abs3A_39, %mul3A_41 : vector<16000x128xf32>
    %exp23A_43 = math.exp2 %mul3A_42 : vector<16000x128xf32>
    %max3A_44 = arith.constant 0.000000e+00 : f32
    %max3A_45 = vector.broadcast %max3A_44 : f32 to vector<16000x128xf32>
    %max3A_46 = arith.maximumf %add3A_38, %max3A_45 : vector<16000x128xf32>
    %add3A_47 = arith.constant 1.000000e+00 : f32
    %add3A_48 = vector.broadcast %add3A_47 : f32 to vector<16000x128xf32>
    %add3A_49 = arith.addf %add3A_48, %exp23A_43 : vector<16000x128xf32>
    %log3A_50 = math.log %add3A_49 : vector<16000x128xf32>
    %log3A_51 = arith.constant 2.000000e+00 : f32
    %log3A_52 = math.log %log3A_51 : f32
    %div3A_53 = vector.broadcast %log3A_52 : f32 to vector<16000x128xf32>
    %div3A_54 = arith.divf %log3A_50, %div3A_53 : vector<16000x128xf32>
    %mul3A_55 = arith.constant 0.693147182 : f32
    %mul3A_56 = vector.broadcast %mul3A_55 : f32 to vector<16000x128xf32>
    %mul3A_57 = arith.mulf %div3A_54, %mul3A_56 : vector<16000x128xf32>
    %add3A_58 = arith.addf %max3A_46, %mul3A_57 : vector<16000x128xf32>
    %sub3A_59 = arith.constant 0.693147182 : f32
    %sub3A_60 = vector.broadcast %sub3A_59 : f32 to vector<16000x128xf32>
    %sub3A_61 = arith.subf %add3A_58, %sub3A_60 : vector<16000x128xf32>
    %swap3A = arith.constant 0 : index
    %swap3A_62 = arith.constant 0 : index
    %swap3A_63 = vector.load %arg7[%swap3A, %swap3A_62] : memref<16000x128xf32, #tpu.memory_space<vmem>>, vector<16000x128xf32>
    tpu.vector_store %arg7[%swap3A, %swap3A_62], %sub3A_61 {strides = array<i32>} : memref<16000x128xf32, #tpu.memory_space<vmem>>, vector<16000x128xf32>,
    return
  }
  func.func @transform_0(%arg0: i32) -> (i32, i32) {
    %c0_i32 = arith.constant 0 : i32
    %c0_i32_0 = arith.constant 0 : i32
    return %c0_i32, %arg0 : i32, i32
  }
  func.func @transform_1(%arg0: i32) -> (i32, i32) {
    %add3A = arith.constant 10 : i32
    %add3A_0 = arith.addi %arg0, %add3A : i32
    %c0_i32 = arith.constant 0 : i32
    %c0_i32_1 = arith.constant 0 : i32
    return %c0_i32, %add3A_0 : i32, i32
  }
  func.func @transform_2(%arg0: i32) -> (i32, i32) {
    %c0_i32 = arith.constant 0 : i32
    %c0_i32_0 = arith.constant 0 : i32
    %c0_i32_1 = arith.constant 0 : i32
    return %c0_i32, %c0_i32_0 : i32, i32
  }
  func.func @transform_3(%arg0: i32) -> (i32, i32) {
    %c0_i32 = arith.constant 0 : i32
    %c0_i32_0 = arith.constant 0 : i32
    %c0_i32_1 = arith.constant 0 : i32
    return %c0_i32, %c0_i32_0 : i32, i32
  }
  func.func @transform_4(%arg0: i32) -> (i32, i32) {
    %c0_i32 = arith.constant 0 : i32
    %c0_i32_0 = arith.constant 0 : i32
    %c0_i32_1 = arith.constant 0 : i32
    return %c0_i32, %c0_i32_0 : i32, i32
  }
  func.func @transform_5(%arg0: i32) -> (i32, i32) {
    %c0_i32 = arith.constant 0 : i32
    %c0_i32_0 = arith.constant 0 : i32
    %c0_i32_1 = arith.constant 0 : i32
    return %c0_i32, %c0_i32_0 : i32, i32
  }
  func.func @transform_6(%arg0: i32) -> (i32, i32) {
    %c0_i32 = arith.constant 0 : i32
    %c0_i32_0 = arith.constant 0 : i32
    return %arg0, %c0_i32 : i32, i32
  }
}

module attributes {stable_mosaic.version = 14 : i64} {
  func.func @_outproj_body(%arg0: i32, %arg1: memref<2x2000x128xf32, #tpu.memory_space<vmem>>, %arg2: memref<64x128xf32, #tpu.memory_space<vmem>>, %arg3: memref<1x128xf32, #tpu.memory_space<vmem>>, %arg4: memref<2000x128xf32, #tpu.memory_space<vmem>>) attributes {dimension_semantics = [#tpu.dimension_semantics<arbitrary>], iteration_bounds = array<i64: 5>, scalar_prefetch = 0 : i64, scratch_operands = 0 : i64, tpu.core_type = #tpu.core_type<tc>, window_params = [{transform_indices = @transform_0, window_bounds = array<i64: 2, 2000, 128>}, {pipeline_mode = #tpu.pipeline_mode<synchronous>, transform_indices = @transform_1, window_bounds = array<i64: 64, 128>}, {pipeline_mode = #tpu.pipeline_mode<synchronous>, transform_indices = @transform_2, window_bounds = array<i64: 1, 128>}, {transform_indices = @transform_3, window_bounds = array<i64: 2000, 128>}]} {
    %get3A = arith.constant 0 : index
    %get3A_0 = arith.constant 0 : index
    %get3A_1 = arith.constant 0 : index
    %get3A_2 = vector.load %arg1[%get3A, %get3A_0, %get3A_1] : memref<2x2000x128xf32, #tpu.memory_space<vmem>>, vector<1x2000x64xf32>
    %get3A_3 = vector.shape_cast %get3A_2 : vector<1x2000x64xf32> to vector<2000x64xf32>
    %get3A_4 = arith.constant 1 : index
    %get3A_5 = arith.constant 0 : index
    %get3A_6 = arith.constant 0 : index
    %get3A_7 = vector.load %arg1[%get3A_4, %get3A_5, %get3A_6] : memref<2x2000x128xf32, #tpu.memory_space<vmem>>, vector<1x2000x64xf32>
    %get3A_8 = vector.shape_cast %get3A_7 : vector<1x2000x64xf32> to vector<2000x64xf32>
    %add3A = arith.addf %get3A_3, %get3A_8 : vector<2000x64xf32>
    %get3A_9 = arith.constant 0 : index
    %get3A_10 = arith.constant 0 : index
    %get3A_11 = vector.load %arg2[%get3A_9, %get3A_10] : memref<64x128xf32, #tpu.memory_space<vmem>>, vector<64x128xf32>
    %dot_general3A = arith.constant dense<0.000000e+00> : vector<2000x128xf32>
    %dot_general3A_12 = tpu.matmul %add3A, %get3A_11, %dot_general3A {dimension_numbers = #tpu.dot_dimension_numbers<[1], [0], [0], [1], [0, 0, 1, 1], [], []>, transpose_lhs_hint = false} : vector<2000x64xf32>, vector<64x128xf32>, vector<2000x128xf32> -> vector<2000x128xf32>
    %get3A_13 = arith.constant 0 : index
    %get3A_14 = arith.constant 0 : index
    %get3A_15 = vector.load %arg3[%get3A_13, %get3A_14] : memref<1x128xf32, #tpu.memory_space<vmem>>, vector<1x128xf32>
    %add3A_16 = vector.broadcast %get3A_15 : vector<1x128xf32> to vector<2000x128xf32>
    %add3A_17 = arith.addf %dot_general3A_12, %add3A_16 : vector<2000x128xf32>
    %abs3A = math.absf %add3A_17 : vector<2000x128xf32>
    %mul3A = arith.constant -1.44269502 : f32
    %mul3A_18 = vector.broadcast %mul3A : f32 to vector<2000x128xf32>
    %mul3A_19 = arith.mulf %abs3A, %mul3A_18 : vector<2000x128xf32>
    %exp23A = math.exp2 %mul3A_19 : vector<2000x128xf32>
    %max3A = arith.constant 0.000000e+00 : f32
    %max3A_20 = vector.broadcast %max3A : f32 to vector<2000x128xf32>
    %max3A_21 = arith.maximumf %add3A_17, %max3A_20 : vector<2000x128xf32>
    %add3A_22 = arith.constant 1.000000e+00 : f32
    %add3A_23 = vector.broadcast %add3A_22 : f32 to vector<2000x128xf32>
    %add3A_24 = arith.addf %add3A_23, %exp23A : vector<2000x128xf32>
    %log3A = math.log %add3A_24 : vector<2000x128xf32>
    %log3A_25 = arith.constant 2.000000e+00 : f32
    %log3A_26 = math.log %log3A_25 : f32
    %div3A = vector.broadcast %log3A_26 : f32 to vector<2000x128xf32>
    %div3A_27 = arith.divf %log3A, %div3A : vector<2000x128xf32>
    %mul3A_28 = arith.constant 0.693147182 : f32
    %mul3A_29 = vector.broadcast %mul3A_28 : f32 to vector<2000x128xf32>
    %mul3A_30 = arith.mulf %div3A_27, %mul3A_29 : vector<2000x128xf32>
    %add3A_31 = arith.addf %max3A_21, %mul3A_30 : vector<2000x128xf32>
    %sub3A = arith.constant 0.693147182 : f32
    %sub3A_32 = vector.broadcast %sub3A : f32 to vector<2000x128xf32>
    %sub3A_33 = arith.subf %add3A_31, %sub3A_32 : vector<2000x128xf32>
    %swap3A = arith.constant 0 : index
    %swap3A_34 = arith.constant 0 : index
    %swap3A_35 = vector.load %arg4[%swap3A, %swap3A_34] : memref<2000x128xf32, #tpu.memory_space<vmem>>, vector<2000x128xf32>
    tpu.vector_store %arg4[%swap3A, %swap3A_34], %sub3A_33 {strides = array<i32>} : memref<2000x128xf32, #tpu.memory_space<vmem>>, vector<2000x128xf32>,
    return
  }
  func.func @transform_0(%arg0: i32) -> (i32, i32, i32) {
    %c0_i32 = arith.constant 0 : i32
    %c0_i32_0 = arith.constant 0 : i32
    %c0_i32_1 = arith.constant 0 : i32
    return %c0_i32, %arg0, %c0_i32_0 : i32, i32, i32
  }
  func.func @transform_1(%arg0: i32) -> (i32, i32) {
    %c0_i32 = arith.constant 0 : i32
    %c0_i32_0 = arith.constant 0 : i32
    %c0_i32_1 = arith.constant 0 : i32
    return %c0_i32, %c0_i32_0 : i32, i32
  }
  func.func @transform_2(%arg0: i32) -> (i32, i32) {
    %c0_i32 = arith.constant 0 : i32
    %c0_i32_0 = arith.constant 0 : i32
    %c0_i32_1 = arith.constant 0 : i32
    return %c0_i32, %c0_i32_0 : i32, i32
  }
  func.func @transform_3(%arg0: i32) -> (i32, i32) {
    %c0_i32 = arith.constant 0 : i32
    %c0_i32_0 = arith.constant 0 : i32
    return %arg0, %c0_i32 : i32, i32
  }
}

</mosaic_0001>

<sc_bundles>
// kernel: kernel.6.cloned.1.call-start
scs
__scs_entry_jumppad:
0x0: {  	(pc) =	sbr.rel $0x88, $3  }
0x1: {  	(tag) =	ssettag $0x0;
	lr =	simm.s32 $0x1  }
0x2: {  	[smem:$0x3F96] =	sst lr;
	_ =	strace $0xD0000000  }
0x3: {  	_ = 	snop  }
0x4: {  	_ = 	snop  }
0x5: {  	_ = 	snop  }
0x6: {  	_ = 	snop  }
0x7: {  	_ = 	snop  }
__scs_overlays_trampoline_lowered:
0x8: {  	[smem:$0x3FA5] =	sst s0  }
0x9: {  	[smem:$0x3FA6] =	sst s1  }
0xa: {  	[smem:$0x3FA7] =	sst s2  }
0xb: {  	[smem:$0x3FA8] =	sst s3  }
0xc: {  	[smem:$0x3FA9] =	sst s4  }
0xd: {  	[smem:$0x3FAA] =	sst s5  }
0xe: {  	[smem:$0x3FAB] =	sst s6  }
0xf: {  	[smem:$0x3FAC] =	sst s7  }
0x10: {  	[smem:$0x3FAD] =	sst s8  }
0x11: {  	[smem:$0x3FAE] =	sst s9;
	s0 =	simm.s32 @!p0 $0x0  }
0x12: {  	s1 =	sld [smem:$0x3F94];
	s0 =	simm.s32 @p0 $0x1  }
0x13: {  	[smem:$0x3FAF] =	sst s0;
	s0 =	simm.s32 @!p1 $0x0  }
0x14: {  	s2 =	sld [smem:$0x3F93];
	s0 =	simm.s32 @p1 $0x1  }
0x15: {  	[smem:$0x3FB0] =	sst s0;
	s0 =	simm.s32 @!p2 $0x0  }
0x16: {  	s3 =	sld [smem:$0x3FDB];
	s0 =	simm.s32 @p2 $0x1  }
0x17: {  	s4 =	simm.s32 $0x1BF5;
	[smem:$0x3FB2] =	sst s0  }
0x18: {  	s0 =	sld [smem:$0x3F95];
	_ =	swait.ge [sflag:s4], $0x0  }
0x19: {  	s7 =	sld [smem:$0x3F96]  }
0x1a: {  	s8 =	sadd.s32 $0xFFFFE003, lr  }
0x1b: {  	s9 =	sadd.s32 $0xFFFFFEF7, lr;
	s5 =	simm.s32 $0xFFFFFFFF;
	p2 =	slt.u32 s8, $0xFFFFF086  }
0x1c: {  	p1 =	slt.u32 s9, $0xF7A;
	s5 =	simm.s32 @!p2 $0x0  }
0x1d: {  	s5 =	simm.s32 @p1 $0x1;
	p0 =	seq.s32 s7, s2  }
0x1e: {  	s7 =	smul.u32 @!p0 $0xF7A, s2;
	p2 =	seq.s32 @!p0 s5, $0x0  }
0x1f: {  	s9 =	smul.u32 $0xF7A, s1;
	s8 =	simm.s32 @!p0 $0x1BF5;
	p2 =	por !p2, p0  }
0x20: {  	[sflag:s8] =	ssyncset.s32 @!p0 $0xFFFFF086;
	s6 =	sadd.s32 @!p0 s3, s7;
	s7 =	simm.s32 @!p0 $0x108  }
0x21: {  	s3 =	sadd.s32 s3, s9;
	s6 =	sadd.s32 @!p0 $0x88, s6;
	s7 =	simm.s32 @p2 $0x1082  }
0x22: {  	[simem:s7], [sflag:s8] =	dma.local @!p0 [hbm:s6], $0xF7A  }
0x23: {  	s9 =	sor.u32 $0xD0000000, s2;
	s6 =	simm.s32 $0x108;
	_ =	swait.ge @!p0 [sflag:s8], $0x0  }
0x24: {  	s3 =	sadd.s32 $0x88, s3;
	s6 =	simm.s32 @!p1 $0x1082;
	[sflag:s4] =	ssyncset.s32 $0xFFFFF086  }
0x25: {  	[simem:s6], [sflag:s4] =	dma.local [hbm:s3], $0xF7A  }
0x26: {  	[smem:$0x3F96] =	sst s1;
	(tag) =	ssettag s2;
	_ =	strace s9  }
0x27: {  	s1 =	sld [smem:$0x3FA6]  }
0x28: {  	s2 =	sld [smem:$0x3FA7]  }
0x29: {  	s4 =	sld [smem:$0x3FA9]  }
0x2a: {  	p0 =	seq.s32 s5, $0x0;
	s5 =	sld [smem:$0x3FAA]  }
0x2b: {  	s6 =	sld [smem:$0x3FAB]  }
0x2c: {  	s7 =	sld [smem:$0x3FAC]  }
0x2d: {  	s3 =	simm.s32 $0x108;
	s8 =	sld [smem:$0x3FAD]  }
0x2e: {  	s3 =	simm.s32 @!p0 $0x1082;
	s9 =	sld [smem:$0x3FAE]  }
0x2f: {  	lr =	sadd.s32 s0, s3;
	s0 =	sld [smem:$0x3FA5]  }
0x30: {  	s3 =	sld [smem:$0x3FA8]  }
0x31: {  	[smem:$0x3FB1] =	sst s10  }
0x32: {  	s10 =	sld [smem:$0x3FAF];
	_ =	sdelay $0x3  }
0x33: {  	p0 =	seq.s32 s10, $0x1;
	s10 =	sld [smem:$0x3FB1];
	_ =	sdelay $0x3  }
0x34: {  	[smem:$0x3FB1] =	sst s10  }
0x35: {  	s10 =	sld [smem:$0x3FB0];
	_ =	sdelay $0x3  }
0x36: {  	p1 =	seq.s32 s10, $0x1;
	s10 =	sld [smem:$0x3FB1];
	_ =	sdelay $0x3  }
0x37: {  	[smem:$0x3FB1] =	sst s10  }
0x38: {  	s10 =	sld [smem:$0x3FB2]  }
0x39: {  	_ = 	snop;
	(pc) =	sbr.ind lr, $3  }
0x3a: {  	_ = 	snop  }
0x3b: {  	_ = 	snop  }
0x3c: {  	p2 =	seq.s32 s10, $0x1;
	s10 =	sld [smem:$0x3FB1]  }
0x3d: {  	_ =	shalt  }
0x3e: {  	_ =	shalt  }
0x3f: {  	_ =	shalt  }
0x40: {  	_ =	shalt  }
0x41: {  	_ =	shalt  }
0x42: {  	_ =	shalt  }
0x43: {  	_ =	shalt  }
0x44: {  	_ =	shalt  }
0x45: {  	_ =	shalt  }
0x46: {  	_ =	shalt  }
0x47: {  	_ =	shalt  }
0x48: {  	_ =	shalt  }
0x49: {  	_ =	shalt  }
0x4a: {  	_ =	shalt  }
0x4b: {  	_ =	shalt  }
0x4c: {  	_ =	shalt  }
0x4d: {  	_ =	shalt  }
0x4e: {  	_ =	shalt  }
0x4f: {  	_ =	shalt  }
0x50: {  	_ =	shalt  }
0x51: {  	_ =	shalt  }
0x52: {  	_ =	shalt  }
0x53: {  	_ =	shalt  }
0x54: {  	_ =	shalt  }
0x55: {  	_ =	shalt  }
0x56: {  	_ =	shalt  }
0x57: {  	_ =	shalt  }
0x58: {  	_ =	shalt  }
0x59: {  	_ =	shalt  }
0x5a: {  	_ =	shalt  }
0x5b: {  	_ =	shalt  }
0x5c: {  	_ =	shalt  }
0x5d: {  	_ =	shalt  }
0x5e: {  	_ =	shalt  }
0x5f: {  	_ =	shalt  }
0x60: {  	_ =	shalt  }
0x61: {  	_ =	shalt  }
0x62: {  	_ =	shalt  }
0x63: {  	_ =	shalt  }
0x64: {  	_ =	shalt  }
0x65: {  	_ =	shalt  }
0x66: {  	_ =	shalt  }
0x67: {  	_ =	shalt  }
0x68: {  	_ =	shalt  }
0x69: {  	_ =	shalt  }
0x6a: {  	_ =	shalt  }
0x6b: {  	_ =	shalt  }
0x6c: {  	_ =	shalt  }
0x6d: {  	_ =	shalt  }
0x6e: {  	_ =	shalt  }
0x6f: {  	_ =	shalt  }
0x70: {  	_ =	shalt  }
0x71: {  	_ =	shalt  }
0x72: {  	_ =	shalt  }
0x73: {  	_ =	shalt  }
0x74: {  	_ =	shalt  }
0x75: {  	_ =	shalt  }
0x76: {  	_ =	shalt  }
0x77: {  	_ =	shalt  }
0x78: {  	_ =	shalt  }
0x79: {  	_ =	shalt  }
0x7a: {  	_ =	shalt  }
0x7b: {  	_ =	shalt  }
0x7c: {  	_ =	shalt  }
0x7d: {  	_ =	shalt  }
0x7e: {  	_ =	shalt  }
0x7f: {  	_ =	shalt  }
0x80: {  	_ =	shalt  }
0x81: {  	_ =	shalt  }
0x82: {  	_ =	shalt  }
0x83: {  	_ =	shalt  }
0x84: {  	_ =	shalt  }
0x85: {  	_ =	shalt  }
0x86: {  	_ =	shalt  }
0x87: {  	_ =	shalt  }
.Lfunc_end0:
.L_simem_size_0:
called_computation_lowered:
.L_overlay_start_0:
0x88: {  	s2 =	sld [smem:$0x3FD9]  }
0x89: {  	s3 =	sld [smem:$0x3FFE];
	_ =	sdelay $0x1  }
0x8a: {  	s1 =	srdreg.scid  }
0x8b: {  	s0 =	sand.u32 $0x1, s1  }
0x8c: {  	s17 =	sshll.u32 s0, $0xA;
	s2 =	sadd.s32 s3, s2  }
0x8d: {  	s2 =	sadd.s32 s2, s17  }
0x8e: {  	[smem:$0x3FBD] =	sst s2  }
0x8f: {  	_ = 	snop  }
0x90: {  	s2 =	sld [smem:$0x3FD0];
	(tm) =	ssettm $0x1  }
0x91: {  	s18 =	sld [smem:$0x3FFB];
	_ =	sdelay $0x3  }
0x92: {  	_ =	strace s18  }
0x93: {  	s3 =	sld [smem:$0x3FFC];
	_ =	sdelay $0x3  }
0x94: {  	_ =	strace s3  }
0x95: {  	s3 =	sld [smem:$0x3FFD];
	_ =	sdelay $0x3  }
0x96: {  	_ =	strace s3  }
0x97: {  	_ =	strace $0x8FFFFFFF  }
0x98: {  	s19 =	sld [smem:$0x3FDB];
	_ =	sdelay $0x1  }
0x99: {  	s4 =	simm.s32 $_scs_section_size  }
0x9a: {  	s5 =	simm.s32 $_size__tile_overlayer_lowered;
	s6 =	simm.s32 $_tile_overlayer_lowered  }
0x9b: {  	s22 =	simm.s32 $0x1BFF;
	s21 =	sshll.u32 s6, $0x1;
	s3 =	sadd.s32 s4, s19  }
0x9c: {  	s7 =	simm.s32 $0x0;
	s20 =	sshll.u32 s5, $0x1;
	s5 =	sadd.s32 s21, s3  }
0x9d: {  	[timem:s7], [sflag:s22] =	dma.local [hbm:s5], s20  }
0x9e: {  	_ =	swait.ge [sflag:s22], s20  }
0x9f: {  	s4 =	ssub.s32 $0x0, s20;
	[sflag:s22] =	ssyncset.done $0x0  }
0xa0: {  	[sflag:s22] =	ssyncadd.s32 s4;
	_ =	sdelay $0x1  }
0xa1: {  	s23 =	simm.s32 $0x1B8B  }
0xa2: {  	_ =	swait.ge [sflag:s23], $0x1  }
0xa3: {  	[sflag:s23] =	ssyncset.done $0x0  }
0xa4: {  	s25 =	simm.s32 $0x1B8E;
	s24 =	sld [smem:$0x3FFE];
	[sflag:s23] =	ssyncadd.s32 $0xFFFFFFFF  }
0xa5: {  	s26 =	simm.s32 $execute0_lowered;
	[smem:$0x3FD2] =	sst s25  }
0xa6: {  	s5 =	sshll.u32 s26, $0x1;
	_ =	strace $0x80000046;
	[dreg:$0x1] =	wrdreg $0xFFFFFFFF  }
0xa7: {  	s28 =	simm.s32 $_size_execute0_lowered;
	s3 =	sadd.s32 s3, s5;
	[dreg:$0x0] =	wrdreg $0x0  }
0xa8: {  	s5 =	sshll.u32 s28, $0x1;
	[dreg:$0x2] =	wrdreg s3  }
0xa9: {  	[dreg:$0x3] =	wrdreg s5  }
0xaa: {  	[dreg:$0x4] =	wrdreg $0xC0  }
0xab: {  	_ =	task [dreg:s7], $0x5FFFF  }
0xac: {  	[dreg:$0x1] =	wrdreg $0xFFFFFFFF  }
0xad: {  	[dreg:$0x0] =	wrdreg $0x60  }
0xae: {  	[dreg:$0x2] =	wrdreg s2  }
0xaf: {  	[dreg:$0x3] =	wrdreg s24  }
0xb0: {  	[dreg:$0x4] =	wrdreg $0x0  }
0xb1: {  	[dreg:$0x5] =	wrdreg $0x9  }
0xb2: {  	_ =	task.clear_ibuf [dreg:s7], $0x6FFFF;
	_ =	strace $0x90000046  }
0xb3: {  	s29 =	simm.s32 $0x9;
	_ =	strace $0x80000048  }
0xb4: {  	_ =	swait.ge [sflag:s29], $0x1  }
0xb5: {  	[sflag:s29] =	ssyncadd.s32 $0xFFFFFFFF  }
0xb6: {  	_ =	strace $0x90000048  }
0xb7: {  	_ =	sfence  }
0xb8: {  	s30 =	sld [smem:$0x0];
	_ =	sdelay $0x2  }
0xb9: {  	s31 =	sshll.u32 s1, $0xD;
	s1 =	sshrl.u32 s1, $0x2  }
0xba: {  	s3 =	sand.u32 $0x4000, s31;
	s1 =	sadd.s32 s1, s30  }
0xbb: {  	s0 =	sor.u32 s3, s0;
	s1 =	sshll.u32 s1, $0x11  }
0xbc: {  	s0 =	sor.u32 s1, s0  }
0xbd: {  	s0 =	sadd.s32 $0x8F2B, s0  }
0xbe: {  	[sflag:s0] =	ssyncadd.remote.s32 $0x1  }
0xbf: {  	_ =	sfence.sel $0xFFFF  }
0xc0: {  	[dreg:$0x0] =	wrdreg $0xFFFFFFFF;
	(pc) =	sbr.abs _section_cstart, $3  }
0xc1: {  	[dreg:$0x1] =	wrdreg $0xFFFFFFFF  }
0xc2: {  	_ =	task.clear_ibuf [dreg:s7], $0x2FFFF;
	_ =	strace $0x9FFFFFFF  }
0xc3: {  	(tm) =	ssettm $0x7FFFFFFF  }
tec
execute0_lowered:
.L_overlay_start_1:
0x0: {  	(tag) =	ssettag $0x1  }
0x1: {  	s1 =	rddreg [dreg:$0x0]  }
0x2: {  	s0 =	rddreg [dreg:$0x1]  }
0x3: {  	s2 =	rddreg [dreg:$0x2];
	s3 =	srdreg.scid;
	s4 =	simm.s32 $0x0  }
0x4: {  	s11 =	stileid.u32;
	s17 =	simm.s32 $0x1C400;
	s18 =	simm.s32 $0x5  }
0x5: {  	s28 =	simm.s32 $0x19C00;
	s29 =	simm.s32 $0x1;
	s30 =	simm.s32 $0x3  }
0x6: {  	s31 =	simm.s32 $0x2;
	s3 =	sand.u32 $0x1, s3;
	s9 =	smul.u32 $0x13C00, s11  }
0x7: {  	[smem:$0x7FF] =	sst s4;
	s5 =	sadd.s32 $0x21400, s0;
	s10 =	smul.u32 $0x4F000, s11  }
0x8: {  	s6 =	sadd.s32 $0x11400, s0;
	s7 =	sadd.s32 $0x1400, s0;
	s8 =	smul.u32 $0x13C000, s3  }
0x9: {  	_ =	strace $0x80000047;
	s20 =	sshll.u32 s3, $0x4;
	s3 =	ssub.s32 $0x2, s3  }
0xa: {  	s11 =	sor.u32 s11, s20;
	s21 =	sshrl.u32 s3, $0x1;
	s22 =	sshrl.u32 s10, $0x2  }
0xb: {  	s8 =	sadd.s32 s9, s8;
	s23 =	smul.u32 $0x9C400, s11;
	s3 =	ssub.s32 s3, s21  }
0xc: {  	s9 =	sshll.u32 s11, $0xB;
	s13 =	smul.u32 $0x13880, s11;
	s8 =	sshrl.u32 s8, $0x3  }
0xd: {  	s12 =	sadd.s32 s6, s9;
	s24 =	sadd.s32 s7, s9;
	s26 =	smax.u32 s3, $0x1  }
0xe: {  	s0 =	sadd.s32 s8, s0;
	s8 =	sadd.s32 s22, s2;
	[dreg:$0x4] =	wrdreg s12  }
0xf: {  	s10 =	sshrl.u32 s23, $0x3;
	[dreg:$0x5] =	wrdreg s24;
	s12 =	smul.u32 $0x1388, s11  }
0x10: {  	s25 =	sadd.s32 s5, s13;
	[dreg:$0x9] =	wrdreg s26;
	s11 =	simm.s32 $0x6  }
0x11: {  	s22 =	simm.s32 $0x14C00;
	s23 =	simm.s32 $0x50;
	s24 =	simm.s32 $0x17400  }
0x12: {  	s10 =	sadd.s32 s5, s10;
	[dreg:$0x6] =	wrdreg s25;
	s0 =	sadd.s32 $0x292400, s0  }
0x13: {  	s26 =	simm.s32 $0x0;
	s10 =	sadd.s32 $0x280, s10;
	[dreg:$0x8] =	wrdreg s0  }
0x14: {  	v0 =	vimm.f32 $0.0e+00;
	s25 =	simm.s32 $0x16000;
	s0 =	simm.s32 $0x4;
	[dreg:$0x7] =	wrdreg s10  }
.LBB2_1:
0x15: {  	[tilespmem:$0x1C400] =	vst v0  }
0x16: {  	[tilespmem:$0x1C410] =	vst v0  }
0x17: {  	[tilespmem:$0x1C420] =	vst v0  }
0x18: {  	[tilespmem:$0x1C430] =	vst v0  }
0x19: {  	[tilespmem:$0x1C440] =	vst v0  }
0x1a: {  	[tilespmem:$0x1C450] =	vst v0  }
0x1b: {  	[tilespmem:$0x1C460] =	vst v0  }
0x1c: {  	[tilespmem:$0x1C470] =	vst v0  }
0x1d: {  	[tilespmem:$0x1C480] =	vst v0  }
0x1e: {  	[tilespmem:$0x1C490] =	vst v0  }
0x1f: {  	[tilespmem:$0x1C4A0] =	vst v0  }
0x20: {  	[tilespmem:$0x1C4B0] =	vst v0  }
0x21: {  	[tilespmem:$0x1C4C0] =	vst v0  }
0x22: {  	[tilespmem:$0x1C4D0] =	vst v0  }
0x23: {  	[tilespmem:$0x1C4E0] =	vst v0  }
0x24: {  	[tilespmem:$0x1C4F0] =	vst v0  }
0x25: {  	[tilespmem:$0x1C500] =	vst v0  }
0x26: {  	[tilespmem:$0x1C510] =	vst v0  }
0x27: {  	[tilespmem:$0x1C520] =	vst v0  }
0x28: {  	[tilespmem:$0x1C530] =	vst v0  }
0x29: {  	[tilespmem:$0x1C540] =	vst v0  }
0x2a: {  	[tilespmem:$0x1C550] =	vst v0  }
0x2b: {  	[tilespmem:$0x1C560] =	vst v0  }
0x2c: {  	[tilespmem:$0x1C570] =	vst v0  }
0x2d: {  	[tilespmem:$0x1C580] =	vst v0  }
0x2e: {  	[tilespmem:$0x1C590] =	vst v0  }
0x2f: {  	[tilespmem:$0x1C5A0] =	vst v0  }
0x30: {  	[tilespmem:$0x1C5B0] =	vst v0  }
0x31: {  	[tilespmem:$0x1C5C0] =	vst v0  }
0x32: {  	[tilespmem:$0x1C5D0] =	vst v0  }
0x33: {  	[tilespmem:$0x1C5E0] =	vst v0  }
0x34: {  	[tilespmem:$0x1C5F0] =	vst v0  }
0x35: {  	[tilespmem:$0x1C600] =	vst v0  }
0x36: {  	[tilespmem:$0x1C610] =	vst v0  }
0x37: {  	[tilespmem:$0x1C620] =	vst v0  }
0x38: {  	[tilespmem:$0x1C630] =	vst v0  }
0x39: {  	[tilespmem:$0x1C640] =	vst v0  }
0x3a: {  	[tilespmem:$0x1C650] =	vst v0  }
0x3b: {  	[tilespmem:$0x1C660] =	vst v0  }
0x3c: {  	[tilespmem:$0x1C670] =	vst v0  }
0x3d: {  	[tilespmem:$0x1C680] =	vst v0  }
0x3e: {  	[tilespmem:$0x1C690] =	vst v0  }
0x3f: {  	[tilespmem:$0x1C6A0] =	vst v0  }
0x40: {  	[tilespmem:$0x1C6B0] =	vst v0  }
0x41: {  	[tilespmem:$0x1C6C0] =	vst v0  }
0x42: {  	[tilespmem:$0x1C6D0] =	vst v0  }
0x43: {  	[tilespmem:$0x1C6E0] =	vst v0  }
0x44: {  	[tilespmem:$0x1C6F0] =	vst v0  }
0x45: {  	[tilespmem:$0x1C700] =	vst v0  }
0x46: {  	[tilespmem:$0x1C710] =	vst v0  }
0x47: {  	[tilespmem:$0x1C720] =	vst v0  }
0x48: {  	[tilespmem:$0x1C730] =	vst v0  }
0x49: {  	[tilespmem:$0x1C740] =	vst v0  }
0x4a: {  	[tilespmem:$0x1C750] =	vst v0  }
0x4b: {  	[tilespmem:$0x1C760] =	vst v0  }
0x4c: {  	[tilespmem:$0x1C770] =	vst v0  }
0x4d: {  	[tilespmem:$0x1C780] =	vst v0  }
0x4e: {  	[tilespmem:$0x1C790] =	vst v0  }
0x4f: {  	[tilespmem:$0x1C7A0] =	vst v0  }
0x50: {  	[tilespmem:$0x1C7B0] =	vst v0  }
0x51: {  	[tilespmem:$0x1C7C0] =	vst v0  }
0x52: {  	[tilespmem:$0x1C7D0] =	vst v0  }
0x53: {  	[tilespmem:$0x1C7E0] =	vst v0  }
0x54: {  	[tilespmem:$0x1C7F0] =	vst v0;
	s3 =	simm.s32 $0x0  }
.LBB2_2:
0x55: {  	p0 =	sne.s32 s3, $0x4E000  }
.Ltmp0:
0x56: {  	_ = 	snop;
	(pc) =	sbr.rel @p0 .LBB2_2-.Ltmp0, $4  }
0x57: {  	_ = 	snop  }
0x58: {  	s10 =	sshra.s32 s3, $0x2  }
0x59: {  	s3 =	sadd.s32 $0x1000, s3;
	s10 =	sadd.s32 s10, s8  }
0x5a: {  	[spmem:s10] =	stream.linear.scatter [tilespmem:s17], [sflag:$0x5], $0x400, $0x38;
	[tilespmem:$0x1EC00] =	vst v63  }
0x5b: {  	_ =	swait.ge [sflag:s18], $0x400  }
0x5c: {  	s3 =	simm.s32 $0x4E;
	[sflag:s18] =	ssyncset.done $0x0  }
.LBB2_4:
0x5d: {  	p0 =	sne.s32 s3, $0x1;
	s3 =	sadd.s32 $0xFFFFFFFF, s3;
	[sflag:s18] =	ssyncadd.s32 $0xFFFFFC00  }
.Ltmp1:
0x5e: {  	(pc) =	sbr.rel @p0 .LBB2_4-.Ltmp1, $3  }
0x5f: {  	_ =	sdelay $0x1  }
0x60: {  	_ =	swait.ge [sflag:s18], $0x400  }
0x61: {  	[sflag:s18] =	ssyncset.done $0x0  }
0x62: {  	[sflag:s18] =	ssyncadd.s32 $0xFFFFFC00  }
0x63: {  	s21 =	simm.s32 $0x0;
	s3 =	rddreg [dreg:$0x4];
	s10 =	simm.s32 $0x13C00  }
0x64: {  	[tilespmem:s10], [sflag:$0x6] =	stream.linear.gather [hbm4b:s3+s21], $0x400, $0x38;
	[tilespmem:$0x1EC00] =	vst v63  }
0x65: {  	_ =	swait.ge [sflag:s11], $0x400  }
0x66: {  	[sflag:s11] =	ssyncset.done $0x0  }
0x67: {  	s13 =	simm.s32 $0x14400;
	s15 =	rddreg [dreg:$0x5];
	[sflag:s11] =	ssyncadd.s32 $0xFFFFFC00  }
0x68: {  	[tilespmem:s13], [sflag:$0x6] =	stream.linear.gather [hbm4b:s15+s21], $0x400, $0x38;
	[tilespmem:$0x1EC00] =	vst v63  }
0x69: {  	_ =	swait.ge [sflag:s11], $0x400  }
0x6a: {  	[sflag:s11] =	ssyncset.done $0x0  }
0x6b: {  	s16 =	rddreg [dreg:$0x6];
	[sflag:s11] =	ssyncadd.s32 $0xFFFFFC00  }
0x6c: {  	[tilespmem:s22], [sflag:$0x1] =	stream.linear.gather [hbm4b:s16+s21], $0x1400, $0x38;
	[tilespmem:$0x1EC00] =	vst v63  }
0x6d: {  	_ = 	snop  }
0x6e: {  	[tilespmem:s24], [sflag:$0x3] =	stream.indirect.gather [hbm4b:s1+s23], $0x80, s10, s23, $0xb8;
	[tilespmem:$0x1EC00] =	vst v63  }
0x6f: {  	s19 =	rddreg [dreg:$0x7]  }
0x70: {  	[tilespmem:s25], [sflag:$0x2] =	stream.linear.gather [hbm4b:s19+s21], $0x1400, $0x38;
	[tilespmem:$0x1EC00] =	vst v63  }
0x71: {  	s20 =	simm.s32 $0x13C80  }
0x72: {  	[tilespmem:s28], [sflag:$0x4] =	stream.indirect.gather [hbm4b:s1+s23], $0x80, s20, s23, $0xb8;
	[tilespmem:$0x1EC00] =	vst v63  }
0x73: {  	[bflag:$0x0] =	sbarrier.arrive $0xFFFF  }
.LBB2_6:
0x74: {  	_ =	swait.ge [sflag:s29], $0x1400  }
0x75: {  	[sflag:s29] =	ssyncset.done $0x0  }
0x76: {  	[sflag:s29] =	ssyncadd.s32 $0xFFFFEC00  }
0x77: {  	_ =	swait.ge [sflag:s30], $0x2800  }
0x78: {  	p0 =	seq.s32 s21, $0x0;
	[sflag:s30] =	ssyncset.done $0x0  }
0x79: {  	s3 =	simm.s32 @!p0 $0x5;
	[sflag:s30] =	ssyncadd.s32 $0xFFFFD800  }
0x7a: {  	_ =	swait.ge @!p0 [sflag:s3], $0x2800  }
0x7b: {  	[sflag:s3] =	ssyncset.done @!p0 $0x0  }
0x7c: {  	s19 =	simm.s32 $0x17600;
	[sflag:s3] =	ssyncadd.s32 @!p0 $0xFFFFD800  }
0x7d: {  	s10 =	simm.s32 $0x14D00;
	v1 =	vld [tilespmem:s19+$0x100]  }
0x7e: {  	v2 =	vld [tilespmem:s10+$0x80];
	_ =	sdelay $0x2  }
0x7f: {  	v3 =	vld [tilespmem:s19+$0xFFFFFF00]  }
0x80: {  	v4 =	vld [tilespmem:s10+$0xFFFFFF80]  }
0x81: {  	v5 =	vld [tilespmem:s10+$0xFFFFFF00];
	v1 =	vmul.f32 v2, v1  }
0x82: {  	s11 =	simm.s32 $0x1C600;
	v2 =	vld [tilespmem:s19+$0xFFFFFE00]  }
0x83: {  	[tilespmem:s11+$0x100] =	vst v1  }
0x84: {  	v1 =	vld [tilespmem:s19+$0x110]  }
0x85: {  	v3 =	vmul.f32 v4, v3;
	v4 =	vld [tilespmem:s10+$0x90]  }
0x86: {  	v6 =	vld [tilespmem:s19+$0x0]  }
0x87: {  	v7 =	vld [tilespmem:s10+$0x0];
	[tilespmem:s11+$0xFFFFFF00] =	vst v3;
	v2 =	vmul.f32 v5, v2  }
0x88: {  	v3 =	vld [tilespmem:s19+$0xFFFFFF10]  }
0x89: {  	v5 =	vld [tilespmem:s10+$0xFFFFFF90];
	[tilespmem:s11+$0xFFFFFE00] =	vst v2  }
0x8a: {  	v2 =	vld [tilespmem:s19+$0xFFFFFE10];
	v1 =	vmul.f32 v4, v1  }
0x8b: {  	v4 =	vld [tilespmem:s10+$0xFFFFFF10]  }
0x8c: {  	v6 =	vmul.f32 v7, v6;
	[tilespmem:s11+$0x110] =	vst v1  }
0x8d: {  	v1 =	vld [tilespmem:s19+$0x120]  }
0x8e: {  	[tilespmem:s11+$0x0] =	vst v6;
	v3 =	vmul.f32 v5, v3;
	v5 =	vld [tilespmem:s10+$0xA0]  }
0x8f: {  	v6 =	vld [tilespmem:s19+$0x10]  }
0x90: {  	v7 =	vld [tilespmem:s10+$0x10];
	[tilespmem:s11+$0xFFFFFF10] =	vst v3;
	v2 =	vmul.f32 v4, v2  }
0x91: {  	v3 =	vld [tilespmem:s19+$0xFFFFFF20]  }
0x92: {  	v4 =	vld [tilespmem:s10+$0xFFFFFFA0];
	[tilespmem:s11+$0xFFFFFE10] =	vst v2  }
0x93: {  	v2 =	vld [tilespmem:s19+$0xFFFFFE20];
	v1 =	vmul.f32 v5, v1  }
0x94: {  	v5 =	vld [tilespmem:s10+$0xFFFFFF20]  }
0x95: {  	v6 =	vmul.f32 v7, v6;
	[tilespmem:s11+$0x120] =	vst v1  }
0x96: {  	v1 =	vld [tilespmem:s19+$0x130]  }
0x97: {  	[tilespmem:s11+$0x10] =	vst v6;
	v3 =	vmul.f32 v4, v3;
	v4 =	vld [tilespmem:s10+$0xB0]  }
0x98: {  	v6 =	vld [tilespmem:s19+$0x20]  }
0x99: {  	[tilespmem:s11+$0xFFFFFF20] =	vst v3;
	v3 =	vld [tilespmem:s10+$0x20];
	v2 =	vmul.f32 v5, v2  }
0x9a: {  	v5 =	vld [tilespmem:s19+$0xFFFFFF30]  }
0x9b: {  	v7 =	vld [tilespmem:s10+$0xFFFFFFB0];
	[tilespmem:s11+$0xFFFFFE20] =	vst v2  }
0x9c: {  	v2 =	vld [tilespmem:s19+$0xFFFFFE30];
	v1 =	vmul.f32 v4, v1  }
0x9d: {  	v4 =	vld [tilespmem:s10+$0xFFFFFF30]  }
0x9e: {  	v3 =	vmul.f32 v3, v6;
	[tilespmem:s11+$0x130] =	vst v1  }
0x9f: {  	v1 =	vld [tilespmem:s19+$0x180]  }
0xa0: {  	v5 =	vmul.f32 v7, v5;
	[tilespmem:s11+$0x20] =	vst v3;
	v3 =	vld [tilespmem:s10+$0xC0]  }
0xa1: {  	v6 =	vld [tilespmem:s19+$0x30]  }
0xa2: {  	[tilespmem:s11+$0xFFFFFF30] =	vst v5;
	v2 =	vmul.f32 v4, v2;
	v4 =	vld [tilespmem:s10+$0x30]  }
0xa3: {  	v5 =	vld [tilespmem:s19+$0xFFFFFF80]  }
0xa4: {  	[tilespmem:s11+$0xFFFFFE30] =	vst v2;
	v2 =	vld [tilespmem:s10+$0xFFFFFFC0]  }
0xa5: {  	v7 =	vld [tilespmem:s19+$0xFFFFFE80];
	v1 =	vmul.f32 v3, v1  }
0xa6: {  	v3 =	vld [tilespmem:s10+$0xFFFFFF40]  }
0xa7: {  	v4 =	vmul.f32 v4, v6;
	[tilespmem:s11+$0x180] =	vst v1  }
0xa8: {  	v1 =	vld [tilespmem:s19+$0x190]  }
0xa9: {  	v2 =	vmul.f32 v2, v5;
	[tilespmem:s11+$0x30] =	vst v4;
	v4 =	vld [tilespmem:s10+$0xD0]  }
0xaa: {  	v5 =	vld [tilespmem:s19+$0x80]  }
0xab: {  	v3 =	vmul.f32 v3, v7;
	[tilespmem:s11+$0xFFFFFF80] =	vst v2;
	v2 =	vld [tilespmem:s10+$0x40]  }
0xac: {  	v6 =	vld [tilespmem:s19+$0xFFFFFF90]  }
0xad: {  	[tilespmem:s11+$0xFFFFFE80] =	vst v3;
	v3 =	vld [tilespmem:s10+$0xFFFFFFD0]  }
0xae: {  	v7 =	vld [tilespmem:s19+$0xFFFFFE90];
	v1 =	vmul.f32 v4, v1  }
0xaf: {  	v4 =	vld [tilespmem:s10+$0xFFFFFF50]  }
0xb0: {  	v2 =	vmul.f32 v2, v5;
	[tilespmem:s11+$0x190] =	vst v1  }
0xb1: {  	v8 =	vld [tilespmem:s19+$0x1A0]  }
0xb2: {  	v1 =	vmul.f32 v3, v6;
	v6 =	vld [tilespmem:s10+$0xE0];
	[tilespmem:s11+$0x80] =	vst v2  }
0xb3: {  	v2 =	vld [tilespmem:s19+$0x90]  }
0xb4: {  	v3 =	vmul.f32 v4, v7;
	[tilespmem:s11+$0xFFFFFF90] =	vst v1;
	v5 =	vld [tilespmem:s10+$0x50]  }
0xb5: {  	v1 =	vld [tilespmem:s19+$0xFFFFFFA0]  }
0xb6: {  	v4 =	vld [tilespmem:s10+$0xFFFFFFE0];
	[tilespmem:s11+$0xFFFFFE90] =	vst v3  }
0xb7: {  	s14 =	simm.s32 $0x0;
	s15 =	simm.s32 $0x17A00;
	v3 =	vld [tilespmem:s19+$0xFFFFFEA0];
	v7 =	vmul.f32 v6, v8  }
0xb8: {  	s16 =	simm.s32 $0x14D00;
	s13 =	simm.s32 $0x1C600;
	s3 =	sshll.u32 s21, $0x1;
	v6 =	vld [tilespmem:s10+$0xFFFFFF60]  }
.LBB2_7:
0xb9: {  	v8 =	vld [tilespmem:s15+$0x100];
	v2 =	vmul.f32 v5, v2;
	[tilespmem:s11+$0x1A0] =	vst v7  }
0xba: {  	v5 =	vld [tilespmem:s19+$0x1B0]  }
0xbb: {  	s16 =	sadd.s32 $0x200, s16;
	v1 =	vmul.f32 v4, v1;
	[tilespmem:s11+$0x90] =	vst v2;
	v2 =	vld [tilespmem:s10+$0xF0]  }
0xbc: {  	v4 =	vld [tilespmem:s16+$0x80]  }
0xbd: {  	v7 =	vld [tilespmem:s16+$0xFFFFFF00];
	v3 =	vmul.f32 v6, v3;
	[tilespmem:s11+$0xFFFFFFA0] =	vst v1  }
0xbe: {  	v1 =	vld [tilespmem:s15+$0xFFFFFF00]  }
0xbf: {  	v6 =	vld [tilespmem:s16+$0xFFFFFF80];
	[tilespmem:s11+$0xFFFFFEA0] =	vst v3  }
0xc0: {  	v3 =	vld [tilespmem:s15+$0x0];
	v2 =	vmul.f32 v2, v5  }
0xc1: {  	v5 =	vld [tilespmem:s16+$0x0];
	v4 =	vmul.f32 v4, v8  }
0xc2: {  	s11 =	sadd.s32 $0x400, s11;
	v8 =	vld [tilespmem:s15+$0xFFFFFE00];
	[tilespmem:s13+$0x1B0] =	vst v2  }
0xc3: {  	s14 =	sadd.s32 $0x4, s14;
	[tilespmem:s11+$0x100] =	vst v4;
	v2 =	vld [tilespmem:s19+$0xA0]  }
0xc4: {  	p0 =	slt.u32 s14, $0x24;
	v1 =	vmul.f32 v6, v1;
	v4 =	vld [tilespmem:s15+$0x110]  }
0xc5: {  	v6 =	vld [tilespmem:s16+$0x90]  }
0xc6: {  	[tilespmem:s11+$0xFFFFFF00] =	vst v1;
	v1 =	vmul.f32 v5, v3;
	v3 =	vld [tilespmem:s10+$0x60]  }
0xc7: {  	v5 =	vmul.f32 v7, v8;
	v7 =	vld [tilespmem:s15+$0xFFFFFF10]  }
0xc8: {  	v8 =	vld [tilespmem:s16+$0xFFFFFF90];
	[tilespmem:s11+$0x0] =	vst v1  }
0xc9: {  	[tilespmem:s11+$0xFFFFFE00] =	vst v5;
	v1 =	vld [tilespmem:s15+$0x10]  }
0xca: {  	v5 =	vld [tilespmem:s15+$0xFFFFFE10];
	v4 =	vmul.f32 v6, v4  }
0xcb: {  	v6 =	vld [tilespmem:s16+$0xFFFFFF10];
	v2 =	vmul.f32 v3, v2  }
0xcc: {  	v3 =	vld [tilespmem:s16+$0x10];
	[tilespmem:s11+$0x110] =	vst v4  }
0xcd: {  	v4 =	vmul.f32 v8, v7;
	v7 =	vld [tilespmem:s15+$0x120];
	[tilespmem:s13+$0xA0] =	vst v2  }
0xce: {  	v2 =	vld [tilespmem:s16+$0xA0]  }
0xcf: {  	[tilespmem:s11+$0xFFFFFF10] =	vst v4;
	v4 =	vld [tilespmem:s19+$0xFFFFFEB0]  }
0xd0: {  	v5 =	vmul.f32 v6, v5;
	v6 =	vld [tilespmem:s15+$0xFFFFFF20]  }
0xd1: {  	v8 =	vld [tilespmem:s16+$0xFFFFFFA0];
	v1 =	vmul.f32 v3, v1  }
0xd2: {  	[tilespmem:s11+$0xFFFFFE10] =	vst v5;
	v3 =	vld [tilespmem:s10+$0xFFFFFF70]  }
0xd3: {  	v5 =	vld [tilespmem:s15+$0xFFFFFE20];
	[tilespmem:s11+$0x10] =	vst v1;
	v1 =	vmul.f32 v2, v7  }
0xd4: {  	v2 =	vld [tilespmem:s16+$0xFFFFFF20]  }
0xd5: {  	v7 =	vld [tilespmem:s15+$0x20];
	[tilespmem:s11+$0x120] =	vst v1  }
0xd6: {  	v1 =	vmul.f32 v8, v6;
	v6 =	vld [tilespmem:s15+$0x130]  }
0xd7: {  	v8 =	vld [tilespmem:s16+$0xB0];
	v3 =	vmul.f32 v3, v4  }
0xd8: {  	[tilespmem:s11+$0xFFFFFF20] =	vst v1;
	v1 =	vld [tilespmem:s16+$0x20]  }
0xd9: {  	v2 =	vmul.f32 v2, v5;
	v4 =	vld [tilespmem:s15+$0xFFFFFF30];
	[tilespmem:s13+$0xFFFFFEB0] =	vst v3  }
0xda: {  	v3 =	vld [tilespmem:s16+$0xFFFFFFB0]  }
0xdb: {  	[tilespmem:s11+$0xFFFFFE20] =	vst v2;
	v2 =	vld [tilespmem:s19+$0xFFFFFFB0]  }
0xdc: {  	v5 =	vld [tilespmem:s15+$0xFFFFFE30];
	v6 =	vmul.f32 v8, v6  }
0xdd: {  	v8 =	vld [tilespmem:s16+$0xFFFFFF30];
	v1 =	vmul.f32 v1, v7  }
0xde: {  	[tilespmem:s11+$0x130] =	vst v6;
	v6 =	vld [tilespmem:s10+$0xFFFFFFF0]  }
0xdf: {  	v3 =	vmul.f32 v3, v4;
	[tilespmem:s11+$0x20] =	vst v1;
	v1 =	vld [tilespmem:s15+$0x180]  }
0xe0: {  	v4 =	vld [tilespmem:s16+$0xC0]  }
0xe1: {  	[tilespmem:s11+$0xFFFFFF30] =	vst v3;
	v3 =	vld [tilespmem:s15+$0x30]  }
0xe2: {  	v5 =	vmul.f32 v8, v5;
	v7 =	vld [tilespmem:s16+$0x30]  }
0xe3: {  	v8 =	vld [tilespmem:s15+$0xFFFFFF80];
	v2 =	vmul.f32 v6, v2  }
0xe4: {  	[tilespmem:s11+$0xFFFFFE30] =	vst v5;
	v5 =	vld [tilespmem:s16+$0xFFFFFFC0]  }
0xe5: {  	v6 =	vld [tilespmem:s15+$0xFFFFFE80];
	v1 =	vmul.f32 v4, v1;
	[tilespmem:s13+$0xFFFFFFB0] =	vst v2  }
0xe6: {  	v2 =	vld [tilespmem:s16+$0xFFFFFF40]  }
0xe7: {  	v3 =	vmul.f32 v7, v3;
	[tilespmem:s11+$0x180] =	vst v1;
	v4 =	vld [tilespmem:s19+$0xB0];
	s19 =	smov.u32 s15  }
0xe8: {  	v1 =	vld [tilespmem:s15+$0x190]  }
0xe9: {  	v5 =	vmul.f32 v5, v8;
	[tilespmem:s11+$0x30] =	vst v3;
	v3 =	vld [tilespmem:s16+$0xD0]  }
0xea: {  	v7 =	vld [tilespmem:s15+$0x80]  }
0xeb: {  	v2 =	vmul.f32 v2, v6;
	[tilespmem:s11+$0xFFFFFF80] =	vst v5;
	v5 =	vld [tilespmem:s16+$0x40]  }
0xec: {  	v6 =	vld [tilespmem:s15+$0xFFFFFF90]  }
0xed: {  	[tilespmem:s11+$0xFFFFFE80] =	vst v2;
	v2 =	vld [tilespmem:s16+$0xFFFFFFD0]  }
0xee: {  	v8 =	vld [tilespmem:s15+$0xFFFFFE90];
	v1 =	vmul.f32 v3, v1  }
0xef: {  	v3 =	vld [tilespmem:s16+$0xFFFFFF50]  }
0xf0: {  	v5 =	vmul.f32 v5, v7;
	[tilespmem:s11+$0x190] =	vst v1;
	v7 =	vld [tilespmem:s10+$0x70];
	s10 =	smov.u32 s16  }
0xf1: {  	v9 =	vld [tilespmem:s15+$0x1A0]  }
0xf2: {  	v1 =	vmul.f32 v2, v6;
	[tilespmem:s11+$0x80] =	vst v5;
	v6 =	vld [tilespmem:s16+$0xE0]  }
0xf3: {  	v2 =	vld [tilespmem:s15+$0x90]  }
.Ltmp2:
0xf4: {  	v3 =	vmul.f32 v3, v8;
	[tilespmem:s11+$0xFFFFFF90] =	vst v1;
	v5 =	vld [tilespmem:s16+$0x50];
	(pc) =	sbr.rel @p0 .LBB2_7-.Ltmp2, $4  }
0xf5: {  	v1 =	vld [tilespmem:s15+$0xFFFFFFA0];
	v8 =	vmul.f32 v7, v4  }
0xf6: {  	[tilespmem:s11+$0xFFFFFE90] =	vst v3;
	v4 =	vld [tilespmem:s16+$0xFFFFFFE0]  }
0xf7: {  	v3 =	vld [tilespmem:s15+$0xFFFFFEA0];
	v7 =	vmul.f32 v6, v9;
	[tilespmem:s13+$0xB0] =	vst v8;
	s13 =	smov.u32 s11  }
0xf8: {  	s15 =	sadd.s32 $0x400, s15;
	v6 =	vld [tilespmem:s16+$0xFFFFFF60]  }
0xf9: {  	v2 =	vmul.f32 v5, v2;
	_ =	sdelay $0x1  }
0xfa: {  	[tilespmem:s11+$0x90] =	vst v2  }
0xfb: {  	v2 =	vld [tilespmem:s19+$0xA0]  }
0xfc: {  	v5 =	vld [tilespmem:s10+$0x60]  }
0xfd: {  	[tilespmem:s11+$0x1A0] =	vst v7;
	v3 =	vmul.f32 v6, v3  }
0xfe: {  	v1 =	vmul.f32 v4, v1;
	v4 =	vld [tilespmem:s10+$0xF0]  }
0xff: {  	v6 =	vld [tilespmem:s19+$0x1B0];
	[tilespmem:s11+$0xFFFFFEA0] =	vst v3  }
0x100: {  	v3 =	vld [tilespmem:s19+$0xFFFFFEB0]  }
0x101: {  	[tilespmem:s11+$0xFFFFFFA0] =	vst v1;
	v1 =	vmul.f32 v5, v2;
	v2 =	vld [tilespmem:s10+$0xFFFFFF70]  }
0x102: {  	v5 =	vld [tilespmem:s19+$0xFFFFFFB0]  }
0x103: {  	[tilespmem:s13+$0xA0] =	vst v1;
	v1 =	vld [tilespmem:s10+$0xFFFFFFF0]  }
0x104: {  	v7 =	vld [tilespmem:s19+$0xB0]  }
0x105: {  	v8 =	vld [tilespmem:s10+$0x70];
	_ =	sdelay $0x1  }
0x106: {  	v4 =	vmul.f32 v4, v6  }
0x107: {  	v2 =	vmul.f32 v2, v3  }
0x108: {  	[tilespmem:s13+$0x1B0] =	vst v4;
	v1 =	vmul.f32 v1, v5  }
0x109: {  	s15 =	sshll.u32 s21, $0x8;
	[tilespmem:s13+$0xFFFFFEB0] =	vst v2;
	v2 =	vmul.f32 v8, v7  }
0x10a: {  	s19 =	sand.u32 $0x700, s15;
	[tilespmem:s13+$0xFFFFFFB0] =	vst v1  }
0x10b: {  	s10 =	sadd.s32 $0x14400, s19;
	[tilespmem:s13+$0xB0] =	vst v2  }
0x10c: {  	[spmem:s2] =	stream.indirect.scatter.add.f32 [tilespmem:s17], [sflag:$0x5], $0x80, s10, s23, $0xb8;
	[tilespmem:$0x1EC00] =	vst v63  }
0x10d: {  	s10 =	sadd.s32 $0x2, s3  }
0x10e: {  	s16 =	sand.u32 $0x6, s10  }
0x10f: {  	p0 =	sne.s32 s16, $0x0  }
0x110: {  	s11 =	sshll.u32 @!p0 s10, $0x4;
	s13 =	sshll.u32 @!p0 s10, $0x7  }
0x111: {  	s11 =	sadd.s32 @!p0 s9, s11;
	s13 =	sand.u32 @!p0 $0x400, s13  }
0x112: {  	s16 =	simm.s32 @!p0 $0x0;
	s14 =	sadd.s32 @!p0 $0x13C00, s13;
	s15 =	sadd.s32 @!p0 s6, s11  }
0x113: {  	[tilespmem:s14], [sflag:$0x6] =	stream.linear.gather @!p0 [hbm4b:s15+s16], $0x400, $0x38;
	[tilespmem:$0x1EC00] =	vst v63  }
0x114: {  	s14 =	simm.s32 @!p0 $0x6  }
0x115: {  	_ =	swait.ge @!p0 [sflag:s14], $0x400  }
0x116: {  	s20 =	smul.u32 $0x28, s10;
	[sflag:s14] =	ssyncset.done @!p0 $0x0  }
0x117: {  	s13 =	sadd.s32 @!p0 $0x14400, s13;
	s11 =	sadd.s32 @!p0 s7, s11;
	[sflag:s14] =	ssyncadd.s32 @!p0 $0xFFFFFC00  }
0x118: {  	[tilespmem:s13], [sflag:$0x6] =	stream.linear.gather @!p0 [hbm4b:s11+s16], $0x400, $0x38;
	[tilespmem:$0x1EC00] =	vst v63  }
0x119: {  	s20 =	sadd.s32 s12, s20;
	_ =	swait.ge @!p0 [sflag:s14], $0x400  }
0x11a: {  	s10 =	sshll.u32 s10, $0x7;
	s11 =	sshll.u32 s20, $0x4;
	[sflag:s14] =	ssyncset.done @!p0 $0x0  }
0x11b: {  	s10 =	sand.u32 $0x700, s10;
	s11 =	sadd.s32 s5, s11;
	[sflag:s14] =	ssyncadd.s32 @!p0 $0xFFFFFC00  }
0x11c: {  	[tilespmem:s22], [sflag:$0x1] =	stream.linear.gather [hbm4b:s11+s4], $0x1400, $0x38;
	[tilespmem:$0x1EC00] =	vst v63  }
0x11d: {  	s10 =	sadd.s32 $0x13C00, s10  }
0x11e: {  	[tilespmem:s24], [sflag:$0x3] =	stream.indirect.gather [hbm4b:s1+s23], $0x80, s10, s23, $0xb8;
	[tilespmem:$0x1EC00] =	vst v63  }
0x11f: {  	_ =	swait.ge [sflag:s31], $0x1400  }
0x120: {  	[sflag:s31] =	ssyncset.done $0x0  }
0x121: {  	[sflag:s31] =	ssyncadd.s32 $0xFFFFEC00  }
0x122: {  	_ =	swait.ge [sflag:s0], $0x2800  }
0x123: {  	[sflag:s0] =	ssyncset.done $0x0  }
0x124: {  	[sflag:s0] =	ssyncadd.s32 $0xFFFFD800  }
0x125: {  	_ =	swait.ge [sflag:s18], $0x2800  }
0x126: {  	[sflag:s18] =	ssyncset.done $0x0  }
0x127: {  	s10 =	simm.s32 $0x19FB0;
	[sflag:s18] =	ssyncadd.s32 $0xFFFFD800  }
0x128: {  	s11 =	simm.s32 $0x161F0;
	v1 =	vld [tilespmem:s10+$0xFFFFFF50]  }
0x129: {  	v2 =	vld [tilespmem:s11+$0xFFFFFF90];
	_ =	sdelay $0x2  }
0x12a: {  	v3 =	vld [tilespmem:s10+$0xFFFFFD50]  }
0x12b: {  	v4 =	vld [tilespmem:s11+$0xFFFFFE90]  }
0x12c: {  	v5 =	vld [tilespmem:s11+$0xFFFFFE10];
	v1 =	vmul.f32 v2, v1  }
0x12d: {  	s13 =	simm.s32 $0x1C600;
	v2 =	vld [tilespmem:s10+$0xFFFFFC50]  }
0x12e: {  	[tilespmem:s13+$0x100] =	vst v1  }
0x12f: {  	v1 =	vld [tilespmem:s10+$0xFFFFFF60]  }
0x130: {  	v3 =	vmul.f32 v4, v3;
	v4 =	vld [tilespmem:s11+$0xFFFFFFA0]  }
0x131: {  	v6 =	vld [tilespmem:s10+$0xFFFFFE50]  }
0x132: {  	v7 =	vld [tilespmem:s11+$0xFFFFFF10];
	[tilespmem:s13+$0xFFFFFF00] =	vst v3;
	v2 =	vmul.f32 v5, v2  }
0x133: {  	v3 =	vld [tilespmem:s10+$0xFFFFFD60]  }
0x134: {  	v5 =	vld [tilespmem:s11+$0xFFFFFEA0];
	[tilespmem:s13+$0xFFFFFE00] =	vst v2  }
0x135: {  	v2 =	vld [tilespmem:s10+$0xFFFFFC60];
	v1 =	vmul.f32 v4, v1  }
0x136: {  	v4 =	vld [tilespmem:s11+$0xFFFFFE20]  }
0x137: {  	v6 =	vmul.f32 v7, v6;
	[tilespmem:s13+$0x110] =	vst v1  }
0x138: {  	v1 =	vld [tilespmem:s10+$0xFFFFFF70]  }
0x139: {  	[tilespmem:s13+$0x0] =	vst v6;
	v3 =	vmul.f32 v5, v3;
	v5 =	vld [tilespmem:s11+$0xFFFFFFB0]  }
0x13a: {  	v6 =	vld [tilespmem:s10+$0xFFFFFE60]  }
0x13b: {  	v7 =	vld [tilespmem:s11+$0xFFFFFF20];
	[tilespmem:s13+$0xFFFFFF10] =	vst v3;
	v2 =	vmul.f32 v4, v2  }
0x13c: {  	v3 =	vld [tilespmem:s10+$0xFFFFFD70]  }
0x13d: {  	v4 =	vld [tilespmem:s11+$0xFFFFFEB0];
	[tilespmem:s13+$0xFFFFFE10] =	vst v2  }
0x13e: {  	v2 =	vld [tilespmem:s10+$0xFFFFFC70];
	v1 =	vmul.f32 v5, v1  }
0x13f: {  	v5 =	vld [tilespmem:s11+$0xFFFFFE30]  }
0x140: {  	v6 =	vmul.f32 v7, v6;
	[tilespmem:s13+$0x120] =	vst v1  }
0x141: {  	v1 =	vld [tilespmem:s10+$0xFFFFFF80]  }
0x142: {  	[tilespmem:s13+$0x10] =	vst v6;
	v3 =	vmul.f32 v4, v3;
	v4 =	vld [tilespmem:s11+$0xFFFFFFC0]  }
0x143: {  	v6 =	vld [tilespmem:s10+$0xFFFFFE70]  }
0x144: {  	[tilespmem:s13+$0xFFFFFF20] =	vst v3;
	v3 =	vld [tilespmem:s11+$0xFFFFFF30];
	v2 =	vmul.f32 v5, v2  }
0x145: {  	v5 =	vld [tilespmem:s10+$0xFFFFFD80]  }
0x146: {  	v7 =	vld [tilespmem:s11+$0xFFFFFEC0];
	[tilespmem:s13+$0xFFFFFE20] =	vst v2  }
0x147: {  	v2 =	vld [tilespmem:s10+$0xFFFFFC80];
	v1 =	vmul.f32 v4, v1  }
0x148: {  	v4 =	vld [tilespmem:s11+$0xFFFFFE40]  }
0x149: {  	v3 =	vmul.f32 v3, v6;
	[tilespmem:s13+$0x130] =	vst v1  }
0x14a: {  	v1 =	vld [tilespmem:s10+$0xFFFFFFD0]  }
0x14b: {  	v5 =	vmul.f32 v7, v5;
	[tilespmem:s13+$0x20] =	vst v3;
	v3 =	vld [tilespmem:s11+$0xFFFFFFD0]  }
0x14c: {  	v6 =	vld [tilespmem:s10+$0xFFFFFE80]  }
0x14d: {  	[tilespmem:s13+$0xFFFFFF30] =	vst v5;
	v2 =	vmul.f32 v4, v2;
	v4 =	vld [tilespmem:s11+$0xFFFFFF40]  }
0x14e: {  	v5 =	vld [tilespmem:s10+$0xFFFFFDD0]  }
0x14f: {  	[tilespmem:s13+$0xFFFFFE30] =	vst v2;
	v2 =	vld [tilespmem:s11+$0xFFFFFED0]  }
0x150: {  	v7 =	vld [tilespmem:s10+$0xFFFFFCD0];
	v1 =	vmul.f32 v3, v1  }
0x151: {  	v3 =	vld [tilespmem:s11+$0xFFFFFE50]  }
0x152: {  	v4 =	vmul.f32 v4, v6;
	[tilespmem:s13+$0x180] =	vst v1  }
0x153: {  	v1 =	vld [tilespmem:s10+$0xFFFFFFE0]  }
0x154: {  	v2 =	vmul.f32 v2, v5;
	[tilespmem:s13+$0x30] =	vst v4;
	v4 =	vld [tilespmem:s11+$0xFFFFFFE0]  }
0x155: {  	v5 =	vld [tilespmem:s10+$0xFFFFFED0]  }
0x156: {  	v3 =	vmul.f32 v3, v7;
	[tilespmem:s13+$0xFFFFFF80] =	vst v2;
	v2 =	vld [tilespmem:s11+$0xFFFFFF50]  }
0x157: {  	v6 =	vld [tilespmem:s10+$0xFFFFFDE0]  }
0x158: {  	[tilespmem:s13+$0xFFFFFE80] =	vst v3;
	v3 =	vld [tilespmem:s11+$0xFFFFFEE0]  }
0x159: {  	v7 =	vld [tilespmem:s10+$0xFFFFFCE0];
	v1 =	vmul.f32 v4, v1  }
0x15a: {  	v4 =	vld [tilespmem:s11+$0xFFFFFE60]  }
0x15b: {  	v2 =	vmul.f32 v2, v5;
	[tilespmem:s13+$0x190] =	vst v1  }
0x15c: {  	v8 =	vld [tilespmem:s10+$0xFFFFFFF0]  }
0x15d: {  	v1 =	vmul.f32 v3, v6;
	v6 =	vld [tilespmem:s11+$0xFFFFFFF0];
	[tilespmem:s13+$0x80] =	vst v2  }
0x15e: {  	v2 =	vld [tilespmem:s10+$0xFFFFFEE0]  }
0x15f: {  	v3 =	vmul.f32 v4, v7;
	[tilespmem:s13+$0xFFFFFF90] =	vst v1;
	v5 =	vld [tilespmem:s11+$0xFFFFFF60]  }
0x160: {  	v1 =	vld [tilespmem:s10+$0xFFFFFDF0]  }
0x161: {  	v4 =	vld [tilespmem:s11+$0xFFFFFEF0];
	[tilespmem:s13+$0xFFFFFE90] =	vst v3  }
0x162: {  	s15 =	simm.s32 $0x0;
	v3 =	vld [tilespmem:s10+$0xFFFFFCF0];
	v7 =	vmul.f32 v6, v8  }
0x163: {  	s16 =	simm.s32 $0x1A3B0;
	s20 =	simm.s32 $0x161F0;
	s14 =	simm.s32 $0x1C600;
	v6 =	vld [tilespmem:s11+$0xFFFFFE70]  }
.LBB2_9:
0x164: {  	v8 =	vld [tilespmem:s16+$0xFFFFFF50];
	v2 =	vmul.f32 v5, v2;
	[tilespmem:s13+$0x1A0] =	vst v7  }
0x165: {  	v5 =	vld [tilespmem:s10+$0x0]  }
0x166: {  	s20 =	sadd.s32 $0x200, s20;
	v1 =	vmul.f32 v4, v1;
	[tilespmem:s13+$0x90] =	vst v2;
	v2 =	vld [tilespmem:s11+$0x0]  }
0x167: {  	v4 =	vld [tilespmem:s20+$0xFFFFFF90]  }
0x168: {  	v7 =	vld [tilespmem:s20+$0xFFFFFE10];
	v3 =	vmul.f32 v6, v3;
	[tilespmem:s13+$0xFFFFFFA0] =	vst v1  }
0x169: {  	v1 =	vld [tilespmem:s16+$0xFFFFFD50]  }
0x16a: {  	v6 =	vld [tilespmem:s20+$0xFFFFFE90];
	[tilespmem:s13+$0xFFFFFEA0] =	vst v3  }
0x16b: {  	v3 =	vld [tilespmem:s16+$0xFFFFFE50];
	v2 =	vmul.f32 v2, v5  }
0x16c: {  	v5 =	vld [tilespmem:s20+$0xFFFFFF10];
	v4 =	vmul.f32 v4, v8  }
0x16d: {  	s13 =	sadd.s32 $0x400, s13;
	v8 =	vld [tilespmem:s16+$0xFFFFFC50];
	[tilespmem:s14+$0x1B0] =	vst v2  }
0x16e: {  	s15 =	sadd.s32 $0x4, s15;
	[tilespmem:s13+$0x100] =	vst v4;
	v2 =	vld [tilespmem:s10+$0xFFFFFEF0]  }
0x16f: {  	p0 =	slt.u32 s15, $0x24;
	v1 =	vmul.f32 v6, v1;
	v4 =	vld [tilespmem:s16+$0xFFFFFF60]  }
0x170: {  	v6 =	vld [tilespmem:s20+$0xFFFFFFA0]  }
0x171: {  	[tilespmem:s13+$0xFFFFFF00] =	vst v1;
	v1 =	vmul.f32 v5, v3;
	v3 =	vld [tilespmem:s11+$0xFFFFFF70]  }
0x172: {  	v5 =	vmul.f32 v7, v8;
	v7 =	vld [tilespmem:s16+$0xFFFFFD60]  }
0x173: {  	v8 =	vld [tilespmem:s20+$0xFFFFFEA0];
	[tilespmem:s13+$0x0] =	vst v1  }
0x174: {  	[tilespmem:s13+$0xFFFFFE00] =	vst v5;
	v1 =	vld [tilespmem:s16+$0xFFFFFE60]  }
0x175: {  	v5 =	vld [tilespmem:s16+$0xFFFFFC60];
	v4 =	vmul.f32 v6, v4  }
0x176: {  	v6 =	vld [tilespmem:s20+$0xFFFFFE20];
	v2 =	vmul.f32 v3, v2  }
0x177: {  	v3 =	vld [tilespmem:s20+$0xFFFFFF20];
	[tilespmem:s13+$0x110] =	vst v4  }
0x178: {  	v4 =	vmul.f32 v8, v7;
	v7 =	vld [tilespmem:s16+$0xFFFFFF70];
	[tilespmem:s14+$0xA0] =	vst v2  }
0x179: {  	v2 =	vld [tilespmem:s20+$0xFFFFFFB0]  }
0x17a: {  	[tilespmem:s13+$0xFFFFFF10] =	vst v4;
	v4 =	vld [tilespmem:s10+$0xFFFFFD00]  }
0x17b: {  	v5 =	vmul.f32 v6, v5;
	v6 =	vld [tilespmem:s16+$0xFFFFFD70]  }
0x17c: {  	v8 =	vld [tilespmem:s20+$0xFFFFFEB0];
	v1 =	vmul.f32 v3, v1  }
0x17d: {  	[tilespmem:s13+$0xFFFFFE10] =	vst v5;
	v3 =	vld [tilespmem:s11+$0xFFFFFE80]  }
0x17e: {  	v5 =	vld [tilespmem:s16+$0xFFFFFC70];
	[tilespmem:s13+$0x10] =	vst v1;
	v1 =	vmul.f32 v2, v7  }
0x17f: {  	v2 =	vld [tilespmem:s20+$0xFFFFFE30]  }
0x180: {  	v7 =	vld [tilespmem:s16+$0xFFFFFE70];
	[tilespmem:s13+$0x120] =	vst v1  }
0x181: {  	v1 =	vmul.f32 v8, v6;
	v6 =	vld [tilespmem:s16+$0xFFFFFF80]  }
0x182: {  	v8 =	vld [tilespmem:s20+$0xFFFFFFC0];
	v3 =	vmul.f32 v3, v4  }
0x183: {  	[tilespmem:s13+$0xFFFFFF20] =	vst v1;
	v1 =	vld [tilespmem:s20+$0xFFFFFF30]  }
0x184: {  	v2 =	vmul.f32 v2, v5;
	v4 =	vld [tilespmem:s16+$0xFFFFFD80];
	[tilespmem:s14+$0xFFFFFEB0] =	vst v3  }
0x185: {  	v3 =	vld [tilespmem:s20+$0xFFFFFEC0]  }
0x186: {  	[tilespmem:s13+$0xFFFFFE20] =	vst v2;
	v2 =	vld [tilespmem:s10+$0xFFFFFE00]  }
0x187: {  	v5 =	vld [tilespmem:s16+$0xFFFFFC80];
	v6 =	vmul.f32 v8, v6  }
0x188: {  	v8 =	vld [tilespmem:s20+$0xFFFFFE40];
	v1 =	vmul.f32 v1, v7  }
0x189: {  	[tilespmem:s13+$0x130] =	vst v6;
	v6 =	vld [tilespmem:s11+$0xFFFFFF00]  }
0x18a: {  	v3 =	vmul.f32 v3, v4;
	[tilespmem:s13+$0x20] =	vst v1;
	v1 =	vld [tilespmem:s16+$0xFFFFFFD0]  }
0x18b: {  	v4 =	vld [tilespmem:s20+$0xFFFFFFD0]  }
0x18c: {  	[tilespmem:s13+$0xFFFFFF30] =	vst v3;
	v3 =	vld [tilespmem:s16+$0xFFFFFE80]  }
0x18d: {  	v5 =	vmul.f32 v8, v5;
	v7 =	vld [tilespmem:s20+$0xFFFFFF40]  }
0x18e: {  	v8 =	vld [tilespmem:s16+$0xFFFFFDD0];
	v2 =	vmul.f32 v6, v2  }
0x18f: {  	[tilespmem:s13+$0xFFFFFE30] =	vst v5;
	v5 =	vld [tilespmem:s20+$0xFFFFFED0]  }
0x190: {  	v6 =	vld [tilespmem:s16+$0xFFFFFCD0];
	v1 =	vmul.f32 v4, v1;
	[tilespmem:s14+$0xFFFFFFB0] =	vst v2  }
0x191: {  	v2 =	vld [tilespmem:s20+$0xFFFFFE50]  }
0x192: {  	v3 =	vmul.f32 v7, v3;
	[tilespmem:s13+$0x180] =	vst v1;
	v4 =	vld [tilespmem:s10+$0xFFFFFF00];
	s10 =	smov.u32 s16  }
0x193: {  	v1 =	vld [tilespmem:s16+$0xFFFFFFE0]  }
0x194: {  	v5 =	vmul.f32 v5, v8;
	[tilespmem:s13+$0x30] =	vst v3;
	v3 =	vld [tilespmem:s20+$0xFFFFFFE0]  }
0x195: {  	v7 =	vld [tilespmem:s16+$0xFFFFFED0]  }
0x196: {  	v2 =	vmul.f32 v2, v6;
	[tilespmem:s13+$0xFFFFFF80] =	vst v5;
	v5 =	vld [tilespmem:s20+$0xFFFFFF50]  }
0x197: {  	v6 =	vld [tilespmem:s16+$0xFFFFFDE0]  }
0x198: {  	[tilespmem:s13+$0xFFFFFE80] =	vst v2;
	v2 =	vld [tilespmem:s20+$0xFFFFFEE0]  }
0x199: {  	v8 =	vld [tilespmem:s16+$0xFFFFFCE0];
	v1 =	vmul.f32 v3, v1  }
0x19a: {  	v3 =	vld [tilespmem:s20+$0xFFFFFE60]  }
0x19b: {  	v5 =	vmul.f32 v5, v7;
	[tilespmem:s13+$0x190] =	vst v1;
	v7 =	vld [tilespmem:s11+$0xFFFFFF80];
	s11 =	smov.u32 s20  }
0x19c: {  	v9 =	vld [tilespmem:s16+$0xFFFFFFF0]  }
0x19d: {  	v1 =	vmul.f32 v2, v6;
	[tilespmem:s13+$0x80] =	vst v5;
	v6 =	vld [tilespmem:s20+$0xFFFFFFF0]  }
0x19e: {  	v2 =	vld [tilespmem:s16+$0xFFFFFEE0]  }
.Ltmp3:
0x19f: {  	v3 =	vmul.f32 v3, v8;
	[tilespmem:s13+$0xFFFFFF90] =	vst v1;
	v5 =	vld [tilespmem:s20+$0xFFFFFF60];
	(pc) =	sbr.rel @p0 .LBB2_9-.Ltmp3, $4  }
0x1a0: {  	v1 =	vld [tilespmem:s16+$0xFFFFFDF0];
	v8 =	vmul.f32 v7, v4  }
0x1a1: {  	[tilespmem:s13+$0xFFFFFE90] =	vst v3;
	v4 =	vld [tilespmem:s20+$0xFFFFFEF0]  }
0x1a2: {  	v3 =	vld [tilespmem:s16+$0xFFFFFCF0];
	v7 =	vmul.f32 v6, v9;
	[tilespmem:s14+$0xB0] =	vst v8;
	s14 =	smov.u32 s13  }
0x1a3: {  	s16 =	sadd.s32 $0x400, s16;
	v6 =	vld [tilespmem:s20+$0xFFFFFE70]  }
0x1a4: {  	v2 =	vmul.f32 v5, v2;
	_ =	sdelay $0x1  }
0x1a5: {  	[tilespmem:s13+$0x90] =	vst v2  }
0x1a6: {  	v2 =	vld [tilespmem:s10+$0xFFFFFEF0]  }
0x1a7: {  	v59 =	vld [tilespmem:s11+$0xFFFFFF70]  }
0x1a8: {  	[tilespmem:s13+$0x1A0] =	vst v7;
	v1 =	vmul.f32 v4, v1  }
0x1a9: {  	v60 =	vld [tilespmem:s10+$0x0];
	v3 =	vmul.f32 v6, v3  }
0x1aa: {  	v61 =	vld [tilespmem:s11+$0x0];
	[tilespmem:s13+$0xFFFFFFA0] =	vst v1  }
0x1ab: {  	v62 =	vld [tilespmem:s10+$0xFFFFFE00];
	[tilespmem:s13+$0xFFFFFEA0] =	vst v3  }
0x1ac: {  	v3 =	vld [tilespmem:s10+$0xFFFFFD00];
	v1 =	vmul.f32 v59, v2  }
0x1ad: {  	v2 =	vld [tilespmem:s11+$0xFFFFFE80]  }
0x1ae: {  	[tilespmem:s14+$0xA0] =	vst v1;
	v1 =	vld [tilespmem:s11+$0xFFFFFF00]  }
0x1af: {  	v63 =	vld [tilespmem:s10+$0xFFFFFF00]  }
0x1b0: {  	v8 =	vld [tilespmem:s11+$0xFFFFFF80];
	_ =	sdelay $0x1  }
0x1b1: {  	v4 =	vmul.f32 v61, v60  }
0x1b2: {  	p0 =	seq.s32 s21, $0x3D;
	v2 =	vmul.f32 v2, v3  }
.Ltmp4:
0x1b3: {  	[tilespmem:s14+$0x1B0] =	vst v4;
	v1 =	vmul.f32 v1, v62;
	(pc) =	sbr.rel @p0 .LBB2_12-.Ltmp4, $4  }
0x1b4: {  	[tilespmem:s14+$0xFFFFFEB0] =	vst v2;
	v2 =	vmul.f32 v8, v63  }
0x1b5: {  	[tilespmem:s14+$0xFFFFFFB0] =	vst v1  }
0x1b6: {  	s20 =	sadd.s32 $0x14480, s19;
	[tilespmem:s14+$0xB0] =	vst v2  }
0x1b7: {  	[spmem:s2] =	stream.indirect.scatter.add.f32 [tilespmem:s17], [sflag:$0x5], $0x80, s20, s23, $0xb8;
	[tilespmem:$0x1EC00] =	vst v63  }
0x1b8: {  	s3 =	sadd.s32 $0x3, s3  }
0x1b9: {  	s10 =	smul.u32 $0x28, s3;
	_ =	sdelay $0x1  }
0x1ba: {  	s10 =	sadd.s32 s12, s10  }
.Ltmp5:
0x1bb: {  	s3 =	sshll.u32 s3, $0x7;
	s10 =	sshll.u32 s10, $0x4;
	(pc) =	sbr.rel .LBB2_6-.Ltmp5, $4  }
0x1bc: {  	s3 =	sand.u32 $0x780, s3;
	s10 =	sadd.s32 s5, s10  }
0x1bd: {  	[tilespmem:s25], [sflag:$0x2] =	stream.linear.gather [hbm4b:s10+s4], $0x1400, $0x38;
	[tilespmem:$0x1EC00] =	vst v63  }
0x1be: {  	s21 =	sadd.s32 $0x1, s21;
	s3 =	sadd.s32 $0x13C00, s3  }
0x1bf: {  	[tilespmem:s28], [sflag:$0x4] =	stream.indirect.gather [hbm4b:s1+s23], $0x80, s3, s23, $0xb8;
	[tilespmem:$0x1EC00] =	vst v63  }
.LBB2_12:
0x1c0: {  	_ =	swait.ge [sflag:s29], $0x1400  }
0x1c1: {  	[sflag:s29] =	ssyncset.done $0x0  }
0x1c2: {  	[sflag:s29] =	ssyncadd.s32 $0xFFFFEC00  }
0x1c3: {  	_ =	swait.ge [sflag:s30], $0x2800  }
0x1c4: {  	[sflag:s30] =	ssyncset.done $0x0  }
0x1c5: {  	[sflag:s30] =	ssyncadd.s32 $0xFFFFD800  }
0x1c6: {  	_ =	swait.ge [sflag:s18], $0x2800  }
0x1c7: {  	[sflag:s18] =	ssyncset.done $0x0  }
0x1c8: {  	s3 =	simm.s32 $0x17600;
	[sflag:s18] =	ssyncadd.s32 $0xFFFFD800  }
0x1c9: {  	s10 =	simm.s32 $0x14D00;
	v1 =	vld [tilespmem:s3+$0x100]  }
0x1ca: {  	v2 =	vld [tilespmem:s10+$0x80];
	_ =	sdelay $0x2  }
0x1cb: {  	v3 =	vld [tilespmem:s3+$0xFFFFFF00]  }
0x1cc: {  	v4 =	vld [tilespmem:s10+$0xFFFFFF80]  }
0x1cd: {  	v5 =	vld [tilespmem:s10+$0xFFFFFF00];
	v1 =	vmul.f32 v2, v1  }
0x1ce: {  	s11 =	simm.s32 $0x1C600;
	v2 =	vld [tilespmem:s3+$0xFFFFFE00]  }
0x1cf: {  	[tilespmem:s11+$0x100] =	vst v1  }
0x1d0: {  	v1 =	vld [tilespmem:s3+$0x110]  }
0x1d1: {  	v3 =	vmul.f32 v4, v3;
	v4 =	vld [tilespmem:s10+$0x90]  }
0x1d2: {  	v6 =	vld [tilespmem:s3+$0x0]  }
0x1d3: {  	v7 =	vld [tilespmem:s10+$0x0];
	[tilespmem:s11+$0xFFFFFF00] =	vst v3;
	v2 =	vmul.f32 v5, v2  }
0x1d4: {  	v3 =	vld [tilespmem:s3+$0xFFFFFF10]  }
0x1d5: {  	v5 =	vld [tilespmem:s10+$0xFFFFFF90];
	[tilespmem:s11+$0xFFFFFE00] =	vst v2  }
0x1d6: {  	v2 =	vld [tilespmem:s3+$0xFFFFFE10];
	v1 =	vmul.f32 v4, v1  }
0x1d7: {  	v4 =	vld [tilespmem:s10+$0xFFFFFF10]  }
0x1d8: {  	v6 =	vmul.f32 v7, v6;
	[tilespmem:s11+$0x110] =	vst v1  }
0x1d9: {  	v1 =	vld [tilespmem:s3+$0x120]  }
0x1da: {  	[tilespmem:s11+$0x0] =	vst v6;
	v3 =	vmul.f32 v5, v3;
	v5 =	vld [tilespmem:s10+$0xA0]  }
0x1db: {  	v6 =	vld [tilespmem:s3+$0x10]  }
0x1dc: {  	v7 =	vld [tilespmem:s10+$0x10];
	[tilespmem:s11+$0xFFFFFF10] =	vst v3;
	v2 =	vmul.f32 v4, v2  }
0x1dd: {  	v3 =	vld [tilespmem:s3+$0xFFFFFF20]  }
0x1de: {  	v4 =	vld [tilespmem:s10+$0xFFFFFFA0];
	[tilespmem:s11+$0xFFFFFE10] =	vst v2  }
0x1df: {  	v2 =	vld [tilespmem:s3+$0xFFFFFE20];
	v1 =	vmul.f32 v5, v1  }
0x1e0: {  	v5 =	vld [tilespmem:s10+$0xFFFFFF20]  }
0x1e1: {  	v6 =	vmul.f32 v7, v6;
	[tilespmem:s11+$0x120] =	vst v1  }
0x1e2: {  	v1 =	vld [tilespmem:s3+$0x130]  }
0x1e3: {  	[tilespmem:s11+$0x10] =	vst v6;
	v3 =	vmul.f32 v4, v3;
	v4 =	vld [tilespmem:s10+$0xB0]  }
0x1e4: {  	v6 =	vld [tilespmem:s3+$0x20]  }
0x1e5: {  	[tilespmem:s11+$0xFFFFFF20] =	vst v3;
	v3 =	vld [tilespmem:s10+$0x20];
	v2 =	vmul.f32 v5, v2  }
0x1e6: {  	v5 =	vld [tilespmem:s3+$0xFFFFFF30]  }
0x1e7: {  	v7 =	vld [tilespmem:s10+$0xFFFFFFB0];
	[tilespmem:s11+$0xFFFFFE20] =	vst v2  }
0x1e8: {  	v2 =	vld [tilespmem:s3+$0xFFFFFE30];
	v1 =	vmul.f32 v4, v1  }
0x1e9: {  	v4 =	vld [tilespmem:s10+$0xFFFFFF30]  }
0x1ea: {  	v3 =	vmul.f32 v3, v6;
	[tilespmem:s11+$0x130] =	vst v1  }
0x1eb: {  	v1 =	vld [tilespmem:s3+$0x180]  }
0x1ec: {  	v5 =	vmul.f32 v7, v5;
	[tilespmem:s11+$0x20] =	vst v3;
	v3 =	vld [tilespmem:s10+$0xC0]  }
0x1ed: {  	v6 =	vld [tilespmem:s3+$0x30]  }
0x1ee: {  	[tilespmem:s11+$0xFFFFFF30] =	vst v5;
	v2 =	vmul.f32 v4, v2;
	v4 =	vld [tilespmem:s10+$0x30]  }
0x1ef: {  	v5 =	vld [tilespmem:s3+$0xFFFFFF80]  }
0x1f0: {  	[tilespmem:s11+$0xFFFFFE30] =	vst v2;
	v2 =	vld [tilespmem:s10+$0xFFFFFFC0]  }
0x1f1: {  	v7 =	vld [tilespmem:s3+$0xFFFFFE80];
	v1 =	vmul.f32 v3, v1  }
0x1f2: {  	v3 =	vld [tilespmem:s10+$0xFFFFFF40]  }
0x1f3: {  	v4 =	vmul.f32 v4, v6;
	[tilespmem:s11+$0x180] =	vst v1  }
0x1f4: {  	v1 =	vld [tilespmem:s3+$0x190]  }
0x1f5: {  	v2 =	vmul.f32 v2, v5;
	[tilespmem:s11+$0x30] =	vst v4;
	v4 =	vld [tilespmem:s10+$0xD0]  }
0x1f6: {  	v5 =	vld [tilespmem:s3+$0x80]  }
0x1f7: {  	v3 =	vmul.f32 v3, v7;
	[tilespmem:s11+$0xFFFFFF80] =	vst v2;
	v2 =	vld [tilespmem:s10+$0x40]  }
0x1f8: {  	v6 =	vld [tilespmem:s3+$0xFFFFFF90]  }
0x1f9: {  	[tilespmem:s11+$0xFFFFFE80] =	vst v3;
	v3 =	vld [tilespmem:s10+$0xFFFFFFD0]  }
0x1fa: {  	v7 =	vld [tilespmem:s3+$0xFFFFFE90];
	v1 =	vmul.f32 v4, v1  }
0x1fb: {  	v4 =	vld [tilespmem:s10+$0xFFFFFF50]  }
0x1fc: {  	v2 =	vmul.f32 v2, v5;
	[tilespmem:s11+$0x190] =	vst v1  }
0x1fd: {  	v8 =	vld [tilespmem:s3+$0x1A0]  }
0x1fe: {  	v1 =	vmul.f32 v3, v6;
	v6 =	vld [tilespmem:s10+$0xE0];
	[tilespmem:s11+$0x80] =	vst v2  }
0x1ff: {  	v2 =	vld [tilespmem:s3+$0x90]  }
0x200: {  	v3 =	vmul.f32 v4, v7;
	[tilespmem:s11+$0xFFFFFF90] =	vst v1;
	v5 =	vld [tilespmem:s10+$0x50]  }
0x201: {  	v1 =	vld [tilespmem:s3+$0xFFFFFFA0]  }
0x202: {  	v4 =	vld [tilespmem:s10+$0xFFFFFFE0];
	[tilespmem:s11+$0xFFFFFE90] =	vst v3  }
0x203: {  	s14 =	simm.s32 $0x0;
	v3 =	vld [tilespmem:s3+$0xFFFFFEA0];
	v7 =	vmul.f32 v6, v8  }
0x204: {  	s15 =	simm.s32 $0x17A00;
	s16 =	simm.s32 $0x14D00;
	s13 =	simm.s32 $0x1C600;
	v6 =	vld [tilespmem:s10+$0xFFFFFF60]  }
.LBB2_13:
0x205: {  	v8 =	vld [tilespmem:s15+$0x100];
	v2 =	vmul.f32 v5, v2;
	[tilespmem:s11+$0x1A0] =	vst v7  }
0x206: {  	v5 =	vld [tilespmem:s3+$0x1B0]  }
0x207: {  	s16 =	sadd.s32 $0x200, s16;
	v1 =	vmul.f32 v4, v1;
	[tilespmem:s11+$0x90] =	vst v2;
	v2 =	vld [tilespmem:s10+$0xF0]  }
0x208: {  	v4 =	vld [tilespmem:s16+$0x80]  }
0x209: {  	v7 =	vld [tilespmem:s16+$0xFFFFFF00];
	v3 =	vmul.f32 v6, v3;
	[tilespmem:s11+$0xFFFFFFA0] =	vst v1  }
0x20a: {  	v1 =	vld [tilespmem:s15+$0xFFFFFF00]  }
0x20b: {  	v6 =	vld [tilespmem:s16+$0xFFFFFF80];
	[tilespmem:s11+$0xFFFFFEA0] =	vst v3  }
0x20c: {  	v3 =	vld [tilespmem:s15+$0x0];
	v2 =	vmul.f32 v2, v5  }
0x20d: {  	v5 =	vld [tilespmem:s16+$0x0];
	v4 =	vmul.f32 v4, v8  }
0x20e: {  	s11 =	sadd.s32 $0x400, s11;
	v8 =	vld [tilespmem:s15+$0xFFFFFE00];
	[tilespmem:s13+$0x1B0] =	vst v2  }
0x20f: {  	s14 =	sadd.s32 $0x4, s14;
	[tilespmem:s11+$0x100] =	vst v4;
	v2 =	vld [tilespmem:s3+$0xA0]  }
0x210: {  	p0 =	slt.u32 s14, $0x24;
	v1 =	vmul.f32 v6, v1;
	v4 =	vld [tilespmem:s15+$0x110]  }
0x211: {  	v6 =	vld [tilespmem:s16+$0x90]  }
0x212: {  	[tilespmem:s11+$0xFFFFFF00] =	vst v1;
	v1 =	vmul.f32 v5, v3;
	v3 =	vld [tilespmem:s10+$0x60]  }
0x213: {  	v5 =	vmul.f32 v7, v8;
	v7 =	vld [tilespmem:s15+$0xFFFFFF10]  }
0x214: {  	v8 =	vld [tilespmem:s16+$0xFFFFFF90];
	[tilespmem:s11+$0x0] =	vst v1  }
0x215: {  	[tilespmem:s11+$0xFFFFFE00] =	vst v5;
	v1 =	vld [tilespmem:s15+$0x10]  }
0x216: {  	v5 =	vld [tilespmem:s15+$0xFFFFFE10];
	v4 =	vmul.f32 v6, v4  }
0x217: {  	v6 =	vld [tilespmem:s16+$0xFFFFFF10];
	v2 =	vmul.f32 v3, v2  }
0x218: {  	v3 =	vld [tilespmem:s16+$0x10];
	[tilespmem:s11+$0x110] =	vst v4  }
0x219: {  	v4 =	vmul.f32 v8, v7;
	v7 =	vld [tilespmem:s15+$0x120];
	[tilespmem:s13+$0xA0] =	vst v2  }
0x21a: {  	v2 =	vld [tilespmem:s16+$0xA0]  }
0x21b: {  	[tilespmem:s11+$0xFFFFFF10] =	vst v4;
	v4 =	vld [tilespmem:s3+$0xFFFFFEB0]  }
0x21c: {  	v5 =	vmul.f32 v6, v5;
	v6 =	vld [tilespmem:s15+$0xFFFFFF20]  }
0x21d: {  	v8 =	vld [tilespmem:s16+$0xFFFFFFA0];
	v1 =	vmul.f32 v3, v1  }
0x21e: {  	[tilespmem:s11+$0xFFFFFE10] =	vst v5;
	v3 =	vld [tilespmem:s10+$0xFFFFFF70]  }
0x21f: {  	v5 =	vld [tilespmem:s15+$0xFFFFFE20];
	[tilespmem:s11+$0x10] =	vst v1;
	v1 =	vmul.f32 v2, v7  }
0x220: {  	v2 =	vld [tilespmem:s16+$0xFFFFFF20]  }
0x221: {  	v7 =	vld [tilespmem:s15+$0x20];
	[tilespmem:s11+$0x120] =	vst v1  }
0x222: {  	v1 =	vmul.f32 v8, v6;
	v6 =	vld [tilespmem:s15+$0x130]  }
0x223: {  	v8 =	vld [tilespmem:s16+$0xB0];
	v3 =	vmul.f32 v3, v4  }
0x224: {  	[tilespmem:s11+$0xFFFFFF20] =	vst v1;
	v1 =	vld [tilespmem:s16+$0x20]  }
0x225: {  	v2 =	vmul.f32 v2, v5;
	v4 =	vld [tilespmem:s15+$0xFFFFFF30];
	[tilespmem:s13+$0xFFFFFEB0] =	vst v3  }
0x226: {  	v3 =	vld [tilespmem:s16+$0xFFFFFFB0]  }
0x227: {  	[tilespmem:s11+$0xFFFFFE20] =	vst v2;
	v2 =	vld [tilespmem:s3+$0xFFFFFFB0]  }
0x228: {  	v5 =	vld [tilespmem:s15+$0xFFFFFE30];
	v6 =	vmul.f32 v8, v6  }
0x229: {  	v8 =	vld [tilespmem:s16+$0xFFFFFF30];
	v1 =	vmul.f32 v1, v7  }
0x22a: {  	[tilespmem:s11+$0x130] =	vst v6;
	v6 =	vld [tilespmem:s10+$0xFFFFFFF0]  }
0x22b: {  	v3 =	vmul.f32 v3, v4;
	[tilespmem:s11+$0x20] =	vst v1;
	v1 =	vld [tilespmem:s15+$0x180]  }
0x22c: {  	v4 =	vld [tilespmem:s16+$0xC0]  }
0x22d: {  	[tilespmem:s11+$0xFFFFFF30] =	vst v3;
	v3 =	vld [tilespmem:s15+$0x30]  }
0x22e: {  	v5 =	vmul.f32 v8, v5;
	v7 =	vld [tilespmem:s16+$0x30]  }
0x22f: {  	v8 =	vld [tilespmem:s15+$0xFFFFFF80];
	v2 =	vmul.f32 v6, v2  }
0x230: {  	[tilespmem:s11+$0xFFFFFE30] =	vst v5;
	v5 =	vld [tilespmem:s16+$0xFFFFFFC0]  }
0x231: {  	v6 =	vld [tilespmem:s15+$0xFFFFFE80];
	v1 =	vmul.f32 v4, v1;
	[tilespmem:s13+$0xFFFFFFB0] =	vst v2  }
0x232: {  	v2 =	vld [tilespmem:s16+$0xFFFFFF40]  }
0x233: {  	v3 =	vmul.f32 v7, v3;
	[tilespmem:s11+$0x180] =	vst v1;
	v4 =	vld [tilespmem:s3+$0xB0];
	s3 =	smov.u32 s15  }
0x234: {  	v1 =	vld [tilespmem:s15+$0x190]  }
0x235: {  	v5 =	vmul.f32 v5, v8;
	[tilespmem:s11+$0x30] =	vst v3;
	v3 =	vld [tilespmem:s16+$0xD0]  }
0x236: {  	v7 =	vld [tilespmem:s15+$0x80]  }
0x237: {  	v2 =	vmul.f32 v2, v6;
	[tilespmem:s11+$0xFFFFFF80] =	vst v5;
	v5 =	vld [tilespmem:s16+$0x40]  }
0x238: {  	v6 =	vld [tilespmem:s15+$0xFFFFFF90]  }
0x239: {  	[tilespmem:s11+$0xFFFFFE80] =	vst v2;
	v2 =	vld [tilespmem:s16+$0xFFFFFFD0]  }
0x23a: {  	v8 =	vld [tilespmem:s15+$0xFFFFFE90];
	v1 =	vmul.f32 v3, v1  }
0x23b: {  	v3 =	vld [tilespmem:s16+$0xFFFFFF50]  }
0x23c: {  	v5 =	vmul.f32 v5, v7;
	[tilespmem:s11+$0x190] =	vst v1;
	v7 =	vld [tilespmem:s10+$0x70];
	s10 =	smov.u32 s16  }
0x23d: {  	v9 =	vld [tilespmem:s15+$0x1A0]  }
0x23e: {  	v1 =	vmul.f32 v2, v6;
	[tilespmem:s11+$0x80] =	vst v5;
	v6 =	vld [tilespmem:s16+$0xE0]  }
0x23f: {  	v2 =	vld [tilespmem:s15+$0x90]  }
.Ltmp6:
0x240: {  	v3 =	vmul.f32 v3, v8;
	[tilespmem:s11+$0xFFFFFF90] =	vst v1;
	v5 =	vld [tilespmem:s16+$0x50];
	(pc) =	sbr.rel @p0 .LBB2_13-.Ltmp6, $4  }
0x241: {  	v1 =	vld [tilespmem:s15+$0xFFFFFFA0];
	v8 =	vmul.f32 v7, v4  }
0x242: {  	[tilespmem:s11+$0xFFFFFE90] =	vst v3;
	v4 =	vld [tilespmem:s16+$0xFFFFFFE0]  }
0x243: {  	v3 =	vld [tilespmem:s15+$0xFFFFFEA0];
	v7 =	vmul.f32 v6, v9;
	[tilespmem:s13+$0xB0] =	vst v8;
	s13 =	smov.u32 s11  }
0x244: {  	s15 =	sadd.s32 $0x400, s15;
	v6 =	vld [tilespmem:s16+$0xFFFFFF60]  }
0x245: {  	v2 =	vmul.f32 v5, v2;
	_ =	sdelay $0x1  }
0x246: {  	[tilespmem:s11+$0x90] =	vst v2  }
0x247: {  	v2 =	vld [tilespmem:s3+$0xA0]  }
0x248: {  	v59 =	vld [tilespmem:s10+$0x60]  }
0x249: {  	[tilespmem:s11+$0x1A0] =	vst v7;
	v1 =	vmul.f32 v4, v1  }
0x24a: {  	v60 =	vld [tilespmem:s3+$0x1B0];
	v3 =	vmul.f32 v6, v3  }
0x24b: {  	v61 =	vld [tilespmem:s10+$0xF0];
	[tilespmem:s11+$0xFFFFFFA0] =	vst v1  }
0x24c: {  	v62 =	vld [tilespmem:s3+$0xFFFFFFB0];
	[tilespmem:s11+$0xFFFFFEA0] =	vst v3  }
0x24d: {  	v3 =	vld [tilespmem:s3+$0xFFFFFEB0];
	v1 =	vmul.f32 v59, v2  }
0x24e: {  	v2 =	vld [tilespmem:s10+$0xFFFFFF70]  }
0x24f: {  	[tilespmem:s13+$0xA0] =	vst v1;
	v1 =	vld [tilespmem:s10+$0xFFFFFFF0]  }
0x250: {  	v63 =	vld [tilespmem:s3+$0xB0]  }
0x251: {  	v8 =	vld [tilespmem:s10+$0x70];
	_ =	sdelay $0x1  }
0x252: {  	v4 =	vmul.f32 v61, v60  }
0x253: {  	v2 =	vmul.f32 v2, v3  }
0x254: {  	[tilespmem:s13+$0x1B0] =	vst v4;
	v1 =	vmul.f32 v1, v62  }
0x255: {  	[tilespmem:s13+$0xFFFFFEB0] =	vst v2;
	v2 =	vmul.f32 v8, v63  }
0x256: {  	[tilespmem:s13+$0xFFFFFFB0] =	vst v1  }
0x257: {  	s15 =	simm.s32 $0x14A00;
	[tilespmem:s13+$0xB0] =	vst v2  }
0x258: {  	[spmem:s2] =	stream.indirect.scatter.add.f32 [tilespmem:s17], [sflag:$0x5], $0x80, s15, s23, $0xb8;
	[tilespmem:$0x1EC00] =	vst v63  }
0x259: {  	_ =	swait.ge [sflag:s18], $0x2800  }
0x25a: {  	[sflag:s18] =	ssyncset.done $0x0  }
0x25b: {  	s16 =	stileid.u32;
	[sflag:s18] =	ssyncadd.s32 $0xFFFFD800  }
0x25c: {  	s19 =	sshrl.u32 s8, $0x3;
	s3 =	sshll.u32 s16, $0x6;
	[bflag:$0x0] =	sbarrier.arrive $0xFFFF  }
0x25d: {  	s11 =	simm.s32 $0x6;
	s3 =	sor.u32 $0x1C06, s3;
	s20 =	rddreg [dreg:$0x8]  }
0x25e: {  	[hbm:s20], [sflag:s3] =	dma.local [spmem:s19], $0x2780  }
0x25f: {  	_ =	swait.ge [sflag:s11], $0x2780  }
0x260: {  	s26 =	sadd.s32 $0x1, s26;
	s21 =	rddreg [dreg:$0x9]  }
0x261: {  	p0 =	sne.s32 s26, s21  }
.Ltmp7:
0x262: {  	_ = 	snop;
	(pc) =	sbr.rel @p0 .LBB2_1-.Ltmp7, $3  }
0x263: {  	_ =	sdelay $0x1  }
0x264: {  	[sflag:s11] =	ssyncset.done $0x0  }
0x265: {  	[sflag:s11] =	ssyncadd.s32 $0xFFFFD880  }
0x266: {  	_ =	sfence.sel $0x180000  }
0x267: {  	[bflag:$0x0] =	sbarrier.arrive $0xFFFF  }
0x268: {  	_ =	strace $0x90000047  }
0x269: {  	s0 =	stileid.u32;
	[bflag:$0x2] =	sbarrier.arrive $0xFFFF  }
0x26a: {  	p0 =	sne.s32 s0, $0x0;
	s0 =	rddreg [dreg:$0x3]  }
0x26b: {  	s0 =	sadd.s32 @!p0 $0x100000, s0  }
0x26c: {  	[sflag:s0] =	ssyncadd.tile.s32 @!p0 $0x1;
	_ =	shalt  }
.Lfunc_end2:
_tile_overlayer_lowered:
.L_overlay_start_2:
0x26d: {  	(tag) =	ssettag $0x2  }
0x26e: {  	s0 =	rddreg [dreg:$0x0];
	s2 =	stileid.u32  }
0x26f: {  	s1 =	rddreg [dreg:$0x1];
	p0 =	sne.s32 s2, $0x0  }
0x270: {  	s3 =	rddreg [dreg:$0x2];
	[bflag:$0x3] =	sbarrier.arrive $0xFFFF;
	s2 =	simm.s32 @!p0 $0x1C06  }
0x271: {  	[timem:s3], [sflag:s2] =	dma.local @!p0 [hbm:s0], s1  }
0x272: {  	s0 =	simm.s32 @!p0 $0x6  }
0x273: {  	_ =	swait.ge @!p0 [sflag:s0], s1  }
0x274: {  	s1 =	ssub.s32 @!p0 $0x0, s1;
	[sflag:s0] =	ssyncset.done @!p0 $0x0  }
0x275: {  	[sflag:s0] =	ssyncadd.s32 @!p0 s1  }
0x276: {  	[bflag:$0x3] =	sbarrier.arrive $0xFFFF  }
0x277: {  	_ =	shalt  }

</sc_bundles>
